<compile_context>
chip_gen: v7x
topology: tpu7x:2x2x1
jax: 0.10.2.dev20260603
libtpu: 0.0.44.dev20260713+nightly
codegen_flags: <defaults>
</compile_context>

<pallas_src>
import functools

import jax
import jax.numpy as jnp
from jax import lax
from jax.experimental import pallas as pl
from jax.experimental.pallas import tpu as pltpu
from jax.experimental.pallas import tpu_sc as plsc

N = 2048
D = 2048
C = 2048
E = 8
K = 2
H = 128
EH = E * H

BT = 512
NT = N // BT
NEG = -1e30

_info = plsc.get_sparse_core_info()
NC, NS, L = _info.num_cores, _info.num_subcores, _info.num_lanes
NW = NC * NS
TPW = 128
NWACT = N // TPW
GPW = TPW // L


def _gate_body(x_ref, Wg_ref, sT_ref, x16_ref):
    xb = x_ref[...]
    x16_ref[...] = xb.astype(jnp.bfloat16)
    s = jnp.dot(xb, Wg_ref[...], preferred_element_type=jnp.float32)
    sT_ref[...] = s.T


def _route_body(sT_hbm, gT_hbm, sv, gv):
    wid = lax.axis_index("s") * NC + lax.axis_index("c")

    @pl.when(wid < NWACT)
    def _():
        base = wid * TPW
        pltpu.sync_copy(sT_hbm.at[:, pl.ds(base, TPW)], sv)
        for gi in range(GPW):
            _route_group(sv, gv, gi)
        pltpu.sync_copy(gv, gT_hbm.at[:, pl.ds(base, TPW)])


def _route_group(sv, gv, gi):
        sl = pl.ds(gi * L, L)
        vals = [sv[e, sl] for e in range(E)]
        best = vals[0]
        i1 = jnp.zeros((L,), jnp.int32)
        for e in range(1, E):
            c = vals[e] > best
            best = jnp.where(c, vals[e], best)
            i1 = jnp.where(c, e, i1)
        best2 = jnp.full((L,), NEG, jnp.float32)
        i2 = jnp.full((L,), E, jnp.int32)
        for e in range(E):
            v = jnp.where(i1 == e, NEG, vals[e])
            c = v > best2
            best2 = jnp.where(c, v, best2)
            i2 = jnp.where(c, e, i2)
        z = jnp.zeros((L,), jnp.float32)
        for e in range(E):
            z = z + jnp.exp(vals[e] - best)
        v1 = 1.0 / z
        v2 = jnp.exp(best2 - best) / z
        for e in range(E):
            gv[e, sl] = jnp.where(i1 == e, v1,
                                  jnp.where(i2 == e, v2, 0.0))


def _route(sT):
    mesh = plsc.VectorSubcoreMesh(core_axis_name="c", subcore_axis_name="s")
    f = functools.partial(
        pl.kernel, mesh=mesh,
        out_type=jax.ShapeDtypeStruct((E, N), jnp.float32),
        scratch_types=[
            pltpu.VMEM((E, TPW), jnp.float32),
            pltpu.VMEM((E, TPW), jnp.float32),
        ],
    )(_route_body)
    return f(sT)


def _ffn_body(x16_ref, gT_ref, W1_ref, b1_ref, W2_ref,
              out_ref, out2_ref, W1s_ref, W2s_ref):
    t = pl.program_id(0)

    @pl.when(t == 0)
    def _():
        for e in range(E):
            W1s_ref[:, e * H:(e + 1) * H] = W1_ref[e].astype(jnp.bfloat16)
        W2s_ref[...] = W2_ref[...].astype(jnp.bfloat16)

    gT = gT_ref[...]
    erow = jax.lax.broadcasted_iota(jnp.int32, (E, EH), 0)
    ecol = jax.lax.broadcasted_iota(jnp.int32, (E, EH), 1) // H
    expand = (erow == ecol).astype(jnp.bfloat16)
    ge = jax.lax.dot_general(
        gT.astype(jnp.bfloat16), expand, (((0,), (0,)), ((), ())),
        preferred_element_type=jnp.float32)

    h = jnp.dot(x16_ref[...], W1s_ref[...],
                preferred_element_type=jnp.float32)
    h = jnp.maximum(h + b1_ref[...], 0.0)
    hg16 = (h * ge).astype(jnp.bfloat16)
    out_ref[...] = jnp.dot(hg16, W2s_ref[...],
                           preferred_element_type=jnp.float32)

    vmax = jnp.max(gT, axis=0)
    vsum = jnp.sum(gT, axis=0)
    g1 = jnp.sum(vmax)
    g2 = jnp.sum(vsum - vmax)
    r = jax.lax.broadcasted_iota(jnp.int32, (K, C), 0)
    blk = jnp.where(r == 0, g1, g2)

    @pl.when(t == 0)
    def _():
        out2_ref[...] = jnp.zeros_like(out2_ref)
    out2_ref[...] += blk


def kernel(x, Wg, bg, W1, b1, W2, b2):
    del bg, b2
    b1f = b1.reshape(1, EH)
    W2f = W2.reshape(EH, C)

    sT, x16 = pl.pallas_call(
        _gate_body,
        grid=(NT,),
        in_specs=[
            pl.BlockSpec((BT, D), lambda i: (i, 0)),
            pl.BlockSpec((D, E), lambda i: (0, 0)),
        ],
        out_specs=[
            pl.BlockSpec((E, BT), lambda i: (0, i)),
            pl.BlockSpec((BT, D), lambda i: (i, 0)),
        ],
        out_shape=[
            jax.ShapeDtypeStruct((E, N), jnp.float32),
            jax.ShapeDtypeStruct((N, D), jnp.bfloat16),
        ],
    )(x, Wg)

    gT = _route(sT)

    out, out2 = pl.pallas_call(
        _ffn_body,
        grid=(NT,),
        in_specs=[
            pl.BlockSpec((BT, D), lambda i: (i, 0)),
            pl.BlockSpec((E, BT), lambda i: (0, i)),
            pl.BlockSpec((E, D, H), lambda i: (0, 0, 0)),
            pl.BlockSpec((1, EH), lambda i: (0, 0)),
            pl.BlockSpec((EH, C), lambda i: (0, 0)),
        ],
        out_specs=[
            pl.BlockSpec((BT, C), lambda i: (i, 0)),
            pl.BlockSpec((K, C), lambda i: (0, 0)),
        ],
        out_shape=[
            jax.ShapeDtypeStruct((N, C), jnp.float32),
            jax.ShapeDtypeStruct((K, C), jnp.float32),
        ],
        scratch_shapes=[
            pltpu.VMEM((D, EH), jnp.bfloat16),
            pltpu.VMEM((EH, C), jnp.bfloat16),
        ],
    )(x16, gT, W1, b1f, W2f)
    return out, out2

# --- scband reference (transcript-rebuilt; emitter-appended) ---
"""Pipeline reference for scband-mo-e-71098888618613 (READ-ONLY COPY).

The authoritative reference and input builder live on the scoring server;
editing this copy changes nothing except your own understanding.
"""

import jax, jax.numpy as jnp
import numpy as np

N = 2048   # tokens
D = 2048   # input_dim
C = 2048   # num_classes
E = 8      # num_experts
K = 2      # top_k
H = 128    # expert hidden dim


def setup_inputs(seed: int = 0) -> dict:
    key = jax.random.key(seed)
    ks = jax.random.split(key, 8)
    s = 0.02
    x = jax.random.normal(ks[0], (N, D), dtype=jnp.float32)
    Wg = jax.random.normal(ks[1], (D, E), dtype=jnp.float32) * s
    bg = jnp.zeros((E,), dtype=jnp.float32)
    W1 = jax.random.normal(ks[2], (E, D, H), dtype=jnp.float32) * s
    b1 = jnp.zeros((E, H), dtype=jnp.float32)
    W2 = jax.random.normal(ks[3], (E, H, C), dtype=jnp.float32) * s
    b2 = jnp.zeros((E, C), dtype=jnp.float32)
    return {"x": x, "Wg": Wg, "bg": bg, "W1": W1, "b1": b1, "W2": W2, "b2": b2}


def reference(x, Wg, bg, W1, b1, W2, b2):
    # TopKGating: gate linear -> softmax -> topk
    gating_scores = x @ Wg + bg                      # [N, E]
    probs = jax.nn.softmax(gating_scores, axis=1)    # [N, E]
    top_k_values, top_k_indices = jax.lax.top_k(probs, K)  # [N, K]

    # Compute every expert's output for every token (math-identical to the
    # per-token loop in the torch module), then gather the selected ones.
    h = jax.nn.relu(jnp.einsum('nd,edh->enh', x, W1) + b1[:, None, :])  # [E, N, H]
    out_all = jnp.einsum('enh,ehc->enc', h, W2) + b2[:, None, :]        # [E, N, C]
    out_t = jnp.transpose(out_all, (1, 0, 2))                            # [N, E, C]
    expert_outputs = jnp.take_along_axis(out_t, top_k_indices[:, :, None], axis=1)  # [N, K, C]

    gates = jnp.broadcast_to(top_k_values[:, :, None], (N, K, C))       # [N, K, C]
    output = jnp.sum(gates * expert_outputs, axis=1)                     # [N, C]
    return output, jnp.sum(gates, axis=0)                                # [N,C], [K,C]

if __name__ == "__main__":
    import jax
    _d = setup_inputs()
    print(jax.jit(kernel)(*tuple(_d.values())))

</pallas_src>

<mosaic_0001>
#map = affine_map<(d0, d1) -> (0, 0)>
module attributes {stable_mosaic.version = 14 : i64} {
  func.func @_route_body(%arg0: i32, %arg1: i32, %arg2: memref<8x2048xf32, #tpu.memory_space<hbm>>, %arg3: memref<8x2048xf32, #tpu.memory_space<hbm>>, %arg4: memref<8x128xf32, #tpu.memory_space<vmem>>, %arg5: memref<8x128xf32, #tpu.memory_space<vmem>>) attributes {dimension_semantics = [#tpu.dimension_semantics<core_parallel>, #tpu.dimension_semantics<subcore_parallel>], iteration_bounds = array<i64: 2, 16>, scalar_prefetch = 0 : i64, scratch_operands = 2 : i64, tpu.core_type = #tpu.core_type<sc_vector_subcore>, window_params = [{transform_indices = #map}, {transform_indices = #map}]} {
    %mul3A = arith.constant 2 : i32
    %mul3A_0 = arith.muli %arg1, %mul3A : i32
    %add3A = arith.addi %mul3A_0, %arg0 : i32
    %lt3A = arith.constant 16 : i32
    %lt3A_1 = arith.cmpi slt, %add3A, %lt3A : i32
    %convert_element_type3A = arith.extui %lt3A_1 : i1 to i32
    %cond3A = arith.constant 0 : i32
    %cond3A_2 = arith.cmpi ne, %convert_element_type3A, %cond3A : i32
    scf.if %cond3A_2 {
      %mul3A_3 = arith.constant 128 : i32
      %mul3A_4 = arith.muli %add3A, %mul3A_3 : i32
      "tpu.region"() ({
        %run_scoped3A = tpu.sem_alloc : memref<!tpu.dma_semaphore, #tpu.memory_space<semaphore_mem>>
        %dma_start3A = arith.constant 0 : i32
        %dma_start3A_2627 = tpu.memref_slice %arg2[%dma_start3A, %mul3A_4] : memref<8x2048xf32, #tpu.memory_space<hbm>> -> memref<8x128xf32, #tpu.memory_space<hbm>>
        %dma_start3A_2628 = arith.constant 0 : i32
        %dma_start3A_2629 = tpu.memref_slice %arg2[%dma_start3A_2628, %mul3A_4] : memref<8x2048xf32, #tpu.memory_space<hbm>> -> memref<8x128xf32, #tpu.memory_space<hbm>>
        tpu.enqueue_dma source(%dma_start3A_2629 : memref<8x128xf32, #tpu.memory_space<hbm>>) target(%arg4 : memref<8x128xf32, #tpu.memory_space<vmem>>) target_semaphore(%run_scoped3A : memref<!tpu.dma_semaphore, #tpu.memory_space<semaphore_mem>>)
        %dma_wait3A = arith.constant 0 : i32
        %dma_wait3A_2630 = tpu.memref_slice %arg2[%dma_wait3A, %mul3A_4] : memref<8x2048xf32, #tpu.memory_space<hbm>> -> memref<8x128xf32, #tpu.memory_space<hbm>>
        %dma_wait3A_2631 = arith.constant 0 : i32
        %dma_wait3A_2632 = tpu.memref_slice %arg2[%dma_wait3A_2631, %mul3A_4] : memref<8x2048xf32, #tpu.memory_space<hbm>> -> memref<8x128xf32, #tpu.memory_space<hbm>>
        tpu.wait_dma2 semaphore(%run_scoped3A : memref<!tpu.dma_semaphore, #tpu.memory_space<semaphore_mem>>) src(%dma_wait3A_2632 : memref<8x128xf32, #tpu.memory_space<hbm>>) dst(%arg4 : memref<8x128xf32, #tpu.memory_space<vmem>>)
        tpu.yield
      }) : () -> ()
      %get3A = arith.constant 0 : i32
      %get3A_5 = arith.index_cast %get3A : i32 to index
      %get3A_6 = arith.constant 0 : index
      %get3A_7 = tpu.vector_load %arg4[%get3A_5, %get3A_6] {strides = array<i32>} : memref<8x128xf32, #tpu.memory_space<vmem>>, vector<1x16xf32>,
      %get3A_8 = vector.shape_cast %get3A_7 : vector<1x16xf32> to vector<16xf32>
      %get3A_9 = arith.constant 1 : i32
      %get3A_10 = arith.index_cast %get3A_9 : i32 to index
      %get3A_11 = arith.constant 0 : index
      %get3A_12 = tpu.vector_load %arg4[%get3A_10, %get3A_11] {strides = array<i32>} : memref<8x128xf32, #tpu.memory_space<vmem>>, vector<1x16xf32>,
      %get3A_13 = vector.shape_cast %get3A_12 : vector<1x16xf32> to vector<16xf32>
      %get3A_14 = arith.constant 2 : i32
      %get3A_15 = arith.index_cast %get3A_14 : i32 to index
      %get3A_16 = arith.constant 0 : index
      %get3A_17 = tpu.vector_load %arg4[%get3A_15, %get3A_16] {strides = array<i32>} : memref<8x128xf32, #tpu.memory_space<vmem>>, vector<1x16xf32>,
      %get3A_18 = vector.shape_cast %get3A_17 : vector<1x16xf32> to vector<16xf32>
      %get3A_19 = arith.constant 3 : i32
      %get3A_20 = arith.index_cast %get3A_19 : i32 to index
      %get3A_21 = arith.constant 0 : index
      %get3A_22 = tpu.vector_load %arg4[%get3A_20, %get3A_21] {strides = array<i32>} : memref<8x128xf32, #tpu.memory_space<vmem>>, vector<1x16xf32>,
      %get3A_23 = vector.shape_cast %get3A_22 : vector<1x16xf32> to vector<16xf32>
      %get3A_24 = arith.constant 4 : i32
      %get3A_25 = arith.index_cast %get3A_24 : i32 to index
      %get3A_26 = arith.constant 0 : index
      %get3A_27 = tpu.vector_load %arg4[%get3A_25, %get3A_26] {strides = array<i32>} : memref<8x128xf32, #tpu.memory_space<vmem>>, vector<1x16xf32>,
      %get3A_28 = vector.shape_cast %get3A_27 : vector<1x16xf32> to vector<16xf32>
      %get3A_29 = arith.constant 5 : i32
      %get3A_30 = arith.index_cast %get3A_29 : i32 to index
      %get3A_31 = arith.constant 0 : index
      %get3A_32 = tpu.vector_load %arg4[%get3A_30, %get3A_31] {strides = array<i32>} : memref<8x128xf32, #tpu.memory_space<vmem>>, vector<1x16xf32>,
      %get3A_33 = vector.shape_cast %get3A_32 : vector<1x16xf32> to vector<16xf32>
      %get3A_34 = arith.constant 6 : i32
      %get3A_35 = arith.index_cast %get3A_34 : i32 to index
      %get3A_36 = arith.constant 0 : index
      %get3A_37 = tpu.vector_load %arg4[%get3A_35, %get3A_36] {strides = array<i32>} : memref<8x128xf32, #tpu.memory_space<vmem>>, vector<1x16xf32>,
      %get3A_38 = vector.shape_cast %get3A_37 : vector<1x16xf32> to vector<16xf32>
      %get3A_39 = arith.constant 7 : i32
      %get3A_40 = arith.index_cast %get3A_39 : i32 to index
      %get3A_41 = arith.constant 0 : index
      %get3A_42 = tpu.vector_load %arg4[%get3A_40, %get3A_41] {strides = array<i32>} : memref<8x128xf32, #tpu.memory_space<vmem>>, vector<1x16xf32>,
      %get3A_43 = vector.shape_cast %get3A_42 : vector<1x16xf32> to vector<16xf32>
      %broadcast_in_dim3A = arith.constant 0 : i32
      %broadcast_in_dim3A_44 = vector.broadcast %broadcast_in_dim3A : i32 to vector<16xi32>
      %gt3A = arith.cmpf ogt, %get3A_13, %get3A_8 : vector<16xf32>
      %select_n3A = arith.select %gt3A, %get3A_13, %get3A_8 : vector<16xi1>, vector<16xf32>
      %jit3A = arith.constant 1 : i32
      %broadcast_in_dim3A_45 = vector.broadcast %jit3A : i32 to vector<16xi32>
      %select_n3A_46 = arith.select %gt3A, %broadcast_in_dim3A_45, %broadcast_in_dim3A_44 : vector<16xi1>, vector<16xi32>
      %gt3A_47 = arith.cmpf ogt, %get3A_18, %select_n3A : vector<16xf32>
      %select_n3A_48 = arith.select %gt3A_47, %get3A_18, %select_n3A : vector<16xi1>, vector<16xf32>
      %jit3A_49 = arith.constant 2 : i32
      %broadcast_in_dim3A_50 = vector.broadcast %jit3A_49 : i32 to vector<16xi32>
      %select_n3A_51 = arith.select %gt3A_47, %broadcast_in_dim3A_50, %select_n3A_46 : vector<16xi1>, vector<16xi32>
      %gt3A_52 = arith.cmpf ogt, %get3A_23, %select_n3A_48 : vector<16xf32>
      %select_n3A_53 = arith.select %gt3A_52, %get3A_23, %select_n3A_48 : vector<16xi1>, vector<16xf32>
      %jit3A_54 = arith.constant 3 : i32
      %broadcast_in_dim3A_55 = vector.broadcast %jit3A_54 : i32 to vector<16xi32>
      %select_n3A_56 = arith.select %gt3A_52, %broadcast_in_dim3A_55, %select_n3A_51 : vector<16xi1>, vector<16xi32>
      %gt3A_57 = arith.cmpf ogt, %get3A_28, %select_n3A_53 : vector<16xf32>
      %select_n3A_58 = arith.select %gt3A_57, %get3A_28, %select_n3A_53 : vector<16xi1>, vector<16xf32>
      %jit3A_59 = arith.constant 4 : i32
      %broadcast_in_dim3A_60 = vector.broadcast %jit3A_59 : i32 to vector<16xi32>
      %select_n3A_61 = arith.select %gt3A_57, %broadcast_in_dim3A_60, %select_n3A_56 : vector<16xi1>, vector<16xi32>
      %gt3A_62 = arith.cmpf ogt, %get3A_33, %select_n3A_58 : vector<16xf32>
      %select_n3A_63 = arith.select %gt3A_62, %get3A_33, %select_n3A_58 : vector<16xi1>, vector<16xf32>
      %jit3A_64 = arith.constant 5 : i32
      %broadcast_in_dim3A_65 = vector.broadcast %jit3A_64 : i32 to vector<16xi32>
      %select_n3A_66 = arith.select %gt3A_62, %broadcast_in_dim3A_65, %select_n3A_61 : vector<16xi1>, vector<16xi32>
      %gt3A_67 = arith.cmpf ogt, %get3A_38, %select_n3A_63 : vector<16xf32>
      %select_n3A_68 = arith.select %gt3A_67, %get3A_38, %select_n3A_63 : vector<16xi1>, vector<16xf32>
      %jit3A_69 = arith.constant 6 : i32
      %broadcast_in_dim3A_70 = vector.broadcast %jit3A_69 : i32 to vector<16xi32>
      %select_n3A_71 = arith.select %gt3A_67, %broadcast_in_dim3A_70, %select_n3A_66 : vector<16xi1>, vector<16xi32>
      %gt3A_72 = arith.cmpf ogt, %get3A_43, %select_n3A_68 : vector<16xf32>
      %select_n3A_73 = arith.select %gt3A_72, %get3A_43, %select_n3A_68 : vector<16xi1>, vector<16xf32>
      %jit3A_74 = arith.constant 7 : i32
      %broadcast_in_dim3A_75 = vector.broadcast %jit3A_74 : i32 to vector<16xi32>
      %select_n3A_76 = arith.select %gt3A_72, %broadcast_in_dim3A_75, %select_n3A_71 : vector<16xi1>, vector<16xi32>
      %broadcast_in_dim3A_77 = arith.constant -1.000000e+30 : f32
      %broadcast_in_dim3A_78 = vector.broadcast %broadcast_in_dim3A_77 : f32 to vector<16xf32>
      %broadcast_in_dim3A_79 = arith.constant 8 : i32
      %broadcast_in_dim3A_80 = vector.broadcast %broadcast_in_dim3A_79 : i32 to vector<16xi32>
      %eq3A = arith.constant 0 : i32
      %eq3A_81 = vector.broadcast %eq3A : i32 to vector<16xi32>
      %eq3A_82 = arith.cmpi eq, %select_n3A_76, %eq3A_81 : vector<16xi32>
      %jit3A_83 = arith.constant -1.000000e+30 : f32
      %broadcast_in_dim3A_84 = vector.broadcast %jit3A_83 : f32 to vector<16xf32>
      %select_n3A_85 = arith.select %eq3A_82, %broadcast_in_dim3A_84, %get3A_8 : vector<16xi1>, vector<16xf32>
      %gt3A_86 = arith.cmpf ogt, %select_n3A_85, %broadcast_in_dim3A_78 : vector<16xf32>
      %select_n3A_87 = arith.select %gt3A_86, %select_n3A_85, %broadcast_in_dim3A_78 : vector<16xi1>, vector<16xf32>
      %jit3A_88 = arith.constant 0 : i32
      %broadcast_in_dim3A_89 = vector.broadcast %jit3A_88 : i32 to vector<16xi32>
      %select_n3A_90 = arith.select %gt3A_86, %broadcast_in_dim3A_89, %broadcast_in_dim3A_80 : vector<16xi1>, vector<16xi32>
      %eq3A_91 = arith.constant 1 : i32
      %eq3A_92 = vector.broadcast %eq3A_91 : i32 to vector<16xi32>
      %eq3A_93 = arith.cmpi eq, %select_n3A_76, %eq3A_92 : vector<16xi32>
      %jit3A_94 = arith.constant -1.000000e+30 : f32
      %broadcast_in_dim3A_95 = vector.broadcast %jit3A_94 : f32 to vector<16xf32>
      %select_n3A_96 = arith.select %eq3A_93, %broadcast_in_dim3A_95, %get3A_13 : vector<16xi1>, vector<16xf32>
      %gt3A_97 = arith.cmpf ogt, %select_n3A_96, %select_n3A_87 : vector<16xf32>
      %select_n3A_98 = arith.select %gt3A_97, %select_n3A_96, %select_n3A_87 : vector<16xi1>, vector<16xf32>
      %jit3A_99 = arith.constant 1 : i32
      %broadcast_in_dim3A_100 = vector.broadcast %jit3A_99 : i32 to vector<16xi32>
      %select_n3A_101 = arith.select %gt3A_97, %broadcast_in_dim3A_100, %select_n3A_90 : vector<16xi1>, vector<16xi32>
      %eq3A_102 = arith.constant 2 : i32
      %eq3A_103 = vector.broadcast %eq3A_102 : i32 to vector<16xi32>
      %eq3A_104 = arith.cmpi eq, %select_n3A_76, %eq3A_103 : vector<16xi32>
      %jit3A_105 = arith.constant -1.000000e+30 : f32
      %broadcast_in_dim3A_106 = vector.broadcast %jit3A_105 : f32 to vector<16xf32>
      %select_n3A_107 = arith.select %eq3A_104, %broadcast_in_dim3A_106, %get3A_18 : vector<16xi1>, vector<16xf32>
      %gt3A_108 = arith.cmpf ogt, %select_n3A_107, %select_n3A_98 : vector<16xf32>
      %select_n3A_109 = arith.select %gt3A_108, %select_n3A_107, %select_n3A_98 : vector<16xi1>, vector<16xf32>
      %jit3A_110 = arith.constant 2 : i32
      %broadcast_in_dim3A_111 = vector.broadcast %jit3A_110 : i32 to vector<16xi32>
      %select_n3A_112 = arith.select %gt3A_108, %broadcast_in_dim3A_111, %select_n3A_101 : vector<16xi1>, vector<16xi32>
      %eq3A_113 = arith.constant 3 : i32
      %eq3A_114 = vector.broadcast %eq3A_113 : i32 to vector<16xi32>
      %eq3A_115 = arith.cmpi eq, %select_n3A_76, %eq3A_114 : vector<16xi32>
      %jit3A_116 = arith.constant -1.000000e+30 : f32
      %broadcast_in_dim3A_117 = vector.broadcast %jit3A_116 : f32 to vector<16xf32>
      %select_n3A_118 = arith.select %eq3A_115, %broadcast_in_dim3A_117, %get3A_23 : vector<16xi1>, vector<16xf32>
      %gt3A_119 = arith.cmpf ogt, %select_n3A_118, %select_n3A_109 : vector<16xf32>
      %select_n3A_120 = arith.select %gt3A_119, %select_n3A_118, %select_n3A_109 : vector<16xi1>, vector<16xf32>
      %jit3A_121 = arith.constant 3 : i32
      %broadcast_in_dim3A_122 = vector.broadcast %jit3A_121 : i32 to vector<16xi32>
      %select_n3A_123 = arith.select %gt3A_119, %broadcast_in_dim3A_122, %select_n3A_112 : vector<16xi1>, vector<16xi32>
      %eq3A_124 = arith.constant 4 : i32
      %eq3A_125 = vector.broadcast %eq3A_124 : i32 to vector<16xi32>
      %eq3A_126 = arith.cmpi eq, %select_n3A_76, %eq3A_125 : vector<16xi32>
      %jit3A_127 = arith.constant -1.000000e+30 : f32
      %broadcast_in_dim3A_128 = vector.broadcast %jit3A_127 : f32 to vector<16xf32>
      %select_n3A_129 = arith.select %eq3A_126, %broadcast_in_dim3A_128, %get3A_28 : vector<16xi1>, vector<16xf32>
      %gt3A_130 = arith.cmpf ogt, %select_n3A_129, %select_n3A_120 : vector<16xf32>
      %select_n3A_131 = arith.select %gt3A_130, %select_n3A_129, %select_n3A_120 : vector<16xi1>, vector<16xf32>
      %jit3A_132 = arith.constant 4 : i32
      %broadcast_in_dim3A_133 = vector.broadcast %jit3A_132 : i32 to vector<16xi32>
      %select_n3A_134 = arith.select %gt3A_130, %broadcast_in_dim3A_133, %select_n3A_123 : vector<16xi1>, vector<16xi32>
      %eq3A_135 = arith.constant 5 : i32
      %eq3A_136 = vector.broadcast %eq3A_135 : i32 to vector<16xi32>
      %eq3A_137 = arith.cmpi eq, %select_n3A_76, %eq3A_136 : vector<16xi32>
      %jit3A_138 = arith.constant -1.000000e+30 : f32
      %broadcast_in_dim3A_139 = vector.broadcast %jit3A_138 : f32 to vector<16xf32>
      %select_n3A_140 = arith.select %eq3A_137, %broadcast_in_dim3A_139, %get3A_33 : vector<16xi1>, vector<16xf32>
      %gt3A_141 = arith.cmpf ogt, %select_n3A_140, %select_n3A_131 : vector<16xf32>
      %select_n3A_142 = arith.select %gt3A_141, %select_n3A_140, %select_n3A_131 : vector<16xi1>, vector<16xf32>
      %jit3A_143 = arith.constant 5 : i32
      %broadcast_in_dim3A_144 = vector.broadcast %jit3A_143 : i32 to vector<16xi32>
      %select_n3A_145 = arith.select %gt3A_141, %broadcast_in_dim3A_144, %select_n3A_134 : vector<16xi1>, vector<16xi32>
      %eq3A_146 = arith.constant 6 : i32
      %eq3A_147 = vector.broadcast %eq3A_146 : i32 to vector<16xi32>
      %eq3A_148 = arith.cmpi eq, %select_n3A_76, %eq3A_147 : vector<16xi32>
      %jit3A_149 = arith.constant -1.000000e+30 : f32
      %broadcast_in_dim3A_150 = vector.broadcast %jit3A_149 : f32 to vector<16xf32>
      %select_n3A_151 = arith.select %eq3A_148, %broadcast_in_dim3A_150, %get3A_38 : vector<16xi1>, vector<16xf32>
      %gt3A_152 = arith.cmpf ogt, %select_n3A_151, %select_n3A_142 : vector<16xf32>
      %select_n3A_153 = arith.select %gt3A_152, %select_n3A_151, %select_n3A_142 : vector<16xi1>, vector<16xf32>
      %jit3A_154 = arith.constant 6 : i32
      %broadcast_in_dim3A_155 = vector.broadcast %jit3A_154 : i32 to vector<16xi32>
      %select_n3A_156 = arith.select %gt3A_152, %broadcast_in_dim3A_155, %select_n3A_145 : vector<16xi1>, vector<16xi32>
      %eq3A_157 = arith.constant 7 : i32
      %eq3A_158 = vector.broadcast %eq3A_157 : i32 to vector<16xi32>
      %eq3A_159 = arith.cmpi eq, %select_n3A_76, %eq3A_158 : vector<16xi32>
      %jit3A_160 = arith.constant -1.000000e+30 : f32
      %broadcast_in_dim3A_161 = vector.broadcast %jit3A_160 : f32 to vector<16xf32>
      %select_n3A_162 = arith.select %eq3A_159, %broadcast_in_dim3A_161, %get3A_43 : vector<16xi1>, vector<16xf32>
      %gt3A_163 = arith.cmpf ogt, %select_n3A_162, %select_n3A_153 : vector<16xf32>
      %select_n3A_164 = arith.select %gt3A_163, %select_n3A_162, %select_n3A_153 : vector<16xi1>, vector<16xf32>
      %jit3A_165 = arith.constant 7 : i32
      %broadcast_in_dim3A_166 = vector.broadcast %jit3A_165 : i32 to vector<16xi32>
      %select_n3A_167 = arith.select %gt3A_163, %broadcast_in_dim3A_166, %select_n3A_156 : vector<16xi1>, vector<16xi32>
      %broadcast_in_dim3A_168 = arith.constant 0.000000e+00 : f32
      %broadcast_in_dim3A_169 = vector.broadcast %broadcast_in_dim3A_168 : f32 to vector<16xf32>
      %sub3A = arith.subf %get3A_8, %select_n3A_73 : vector<16xf32>
      %exp3A = math.exp %sub3A : vector<16xf32>
      %add3A_170 = arith.addf %broadcast_in_dim3A_169, %exp3A : vector<16xf32>
      %sub3A_171 = arith.subf %get3A_13, %select_n3A_73 : vector<16xf32>
      %exp3A_172 = math.exp %sub3A_171 : vector<16xf32>
      %add3A_173 = arith.addf %add3A_170, %exp3A_172 : vector<16xf32>
      %sub3A_174 = arith.subf %get3A_18, %select_n3A_73 : vector<16xf32>
      %exp3A_175 = math.exp %sub3A_174 : vector<16xf32>
      %add3A_176 = arith.addf %add3A_173, %exp3A_175 : vector<16xf32>
      %sub3A_177 = arith.subf %get3A_23, %select_n3A_73 : vector<16xf32>
      %exp3A_178 = math.exp %sub3A_177 : vector<16xf32>
      %add3A_179 = arith.addf %add3A_176, %exp3A_178 : vector<16xf32>
      %sub3A_180 = arith.subf %get3A_28, %select_n3A_73 : vector<16xf32>
      %exp3A_181 = math.exp %sub3A_180 : vector<16xf32>
      %add3A_182 = arith.addf %add3A_179, %exp3A_181 : vector<16xf32>
      %sub3A_183 = arith.subf %get3A_33, %select_n3A_73 : vector<16xf32>
      %exp3A_184 = math.exp %sub3A_183 : vector<16xf32>
      %add3A_185 = arith.addf %add3A_182, %exp3A_184 : vector<16xf32>
      %sub3A_186 = arith.subf %get3A_38, %select_n3A_73 : vector<16xf32>
      %exp3A_187 = math.exp %sub3A_186 : vector<16xf32>
      %add3A_188 = arith.addf %add3A_185, %exp3A_187 : vector<16xf32>
      %sub3A_189 = arith.subf %get3A_43, %select_n3A_73 : vector<16xf32>
      %exp3A_190 = math.exp %sub3A_189 : vector<16xf32>
      %add3A_191 = arith.addf %add3A_188, %exp3A_190 : vector<16xf32>
      %div3A = arith.constant 1.000000e+00 : f32
      %div3A_192 = vector.broadcast %div3A : f32 to vector<16xf32>
      %div3A_193 = arith.divf %div3A_192, %add3A_191 : vector<16xf32>
      %sub3A_194 = arith.subf %select_n3A_164, %select_n3A_73 : vector<16xf32>
      %exp3A_195 = math.exp %sub3A_194 : vector<16xf32>
      %div3A_196 = arith.divf %exp3A_195, %add3A_191 : vector<16xf32>
      %eq3A_197 = arith.constant 0 : i32
      %eq3A_198 = vector.broadcast %eq3A_197 : i32 to vector<16xi32>
      %eq3A_199 = arith.cmpi eq, %select_n3A_76, %eq3A_198 : vector<16xi32>
      %eq3A_200 = arith.constant 0 : i32
      %eq3A_201 = vector.broadcast %eq3A_200 : i32 to vector<16xi32>
      %eq3A_202 = arith.cmpi eq, %select_n3A_167, %eq3A_201 : vector<16xi32>
      %jit3A_203 = arith.constant 0.000000e+00 : f32
      %broadcast_in_dim3A_204 = vector.broadcast %jit3A_203 : f32 to vector<16xf32>
      %select_n3A_205 = arith.select %eq3A_202, %div3A_196, %broadcast_in_dim3A_204 : vector<16xi1>, vector<16xf32>
      %select_n3A_206 = arith.select %eq3A_199, %div3A_193, %select_n3A_205 : vector<16xi1>, vector<16xf32>
      %swap3A = arith.constant 0 : i32
      %swap3A_207 = arith.index_cast %swap3A : i32 to index
      %swap3A_208 = arith.constant 0 : index
      %swap3A_209 = tpu.vector_load %arg5[%swap3A_207, %swap3A_208] {strides = array<i32>} : memref<8x128xf32, #tpu.memory_space<vmem>>, vector<1x16xf32>,
      %swap3A_210 = vector.shape_cast %swap3A_209 : vector<1x16xf32> to vector<16xf32>
      %swap3A_211 = vector.shape_cast %select_n3A_206 : vector<16xf32> to vector<1x16xf32>
      tpu.vector_store %arg5[%swap3A_207, %swap3A_208], %swap3A_211 {strides = array<i32>} : memref<8x128xf32, #tpu.memory_space<vmem>>, vector<1x16xf32>,
      %eq3A_212 = arith.constant 1 : i32
      %eq3A_213 = vector.broadcast %eq3A_212 : i32 to vector<16xi32>
      %eq3A_214 = arith.cmpi eq, %select_n3A_76, %eq3A_213 : vector<16xi32>
      %eq3A_215 = arith.constant 1 : i32
      %eq3A_216 = vector.broadcast %eq3A_215 : i32 to vector<16xi32>
      %eq3A_217 = arith.cmpi eq, %select_n3A_167, %eq3A_216 : vector<16xi32>
      %jit3A_218 = arith.constant 0.000000e+00 : f32
      %broadcast_in_dim3A_219 = vector.broadcast %jit3A_218 : f32 to vector<16xf32>
      %select_n3A_220 = arith.select %eq3A_217, %div3A_196, %broadcast_in_dim3A_219 : vector<16xi1>, vector<16xf32>
      %select_n3A_221 = arith.select %eq3A_214, %div3A_193, %select_n3A_220 : vector<16xi1>, vector<16xf32>
      %swap3A_222 = arith.constant 1 : i32
      %swap3A_223 = arith.index_cast %swap3A_222 : i32 to index
      %swap3A_224 = arith.constant 0 : index
      %swap3A_225 = tpu.vector_load %arg5[%swap3A_223, %swap3A_224] {strides = array<i32>} : memref<8x128xf32, #tpu.memory_space<vmem>>, vector<1x16xf32>,
      %swap3A_226 = vector.shape_cast %swap3A_225 : vector<1x16xf32> to vector<16xf32>
      %swap3A_227 = vector.shape_cast %select_n3A_221 : vector<16xf32> to vector<1x16xf32>
      tpu.vector_store %arg5[%swap3A_223, %swap3A_224], %swap3A_227 {strides = array<i32>} : memref<8x128xf32, #tpu.memory_space<vmem>>, vector<1x16xf32>,
      %eq3A_228 = arith.constant 2 : i32
      %eq3A_229 = vector.broadcast %eq3A_228 : i32 to vector<16xi32>
      %eq3A_230 = arith.cmpi eq, %select_n3A_76, %eq3A_229 : vector<16xi32>
      %eq3A_231 = arith.constant 2 : i32
      %eq3A_232 = vector.broadcast %eq3A_231 : i32 to vector<16xi32>
      %eq3A_233 = arith.cmpi eq, %select_n3A_167, %eq3A_232 : vector<16xi32>
      %jit3A_234 = arith.constant 0.000000e+00 : f32
      %broadcast_in_dim3A_235 = vector.broadcast %jit3A_234 : f32 to vector<16xf32>
      %select_n3A_236 = arith.select %eq3A_233, %div3A_196, %broadcast_in_dim3A_235 : vector<16xi1>, vector<16xf32>
      %select_n3A_237 = arith.select %eq3A_230, %div3A_193, %select_n3A_236 : vector<16xi1>, vector<16xf32>
      %swap3A_238 = arith.constant 2 : i32
      %swap3A_239 = arith.index_cast %swap3A_238 : i32 to index
      %swap3A_240 = arith.constant 0 : index
      %swap3A_241 = tpu.vector_load %arg5[%swap3A_239, %swap3A_240] {strides = array<i32>} : memref<8x128xf32, #tpu.memory_space<vmem>>, vector<1x16xf32>,
      %swap3A_242 = vector.shape_cast %swap3A_241 : vector<1x16xf32> to vector<16xf32>
      %swap3A_243 = vector.shape_cast %select_n3A_237 : vector<16xf32> to vector<1x16xf32>
      tpu.vector_store %arg5[%swap3A_239, %swap3A_240], %swap3A_243 {strides = array<i32>} : memref<8x128xf32, #tpu.memory_space<vmem>>, vector<1x16xf32>,
      %eq3A_244 = arith.constant 3 : i32
      %eq3A_245 = vector.broadcast %eq3A_244 : i32 to vector<16xi32>
      %eq3A_246 = arith.cmpi eq, %select_n3A_76, %eq3A_245 : vector<16xi32>
      %eq3A_247 = arith.constant 3 : i32
      %eq3A_248 = vector.broadcast %eq3A_247 : i32 to vector<16xi32>
      %eq3A_249 = arith.cmpi eq, %select_n3A_167, %eq3A_248 : vector<16xi32>
      %jit3A_250 = arith.constant 0.000000e+00 : f32
      %broadcast_in_dim3A_251 = vector.broadcast %jit3A_250 : f32 to vector<16xf32>
      %select_n3A_252 = arith.select %eq3A_249, %div3A_196, %broadcast_in_dim3A_251 : vector<16xi1>, vector<16xf32>
      %select_n3A_253 = arith.select %eq3A_246, %div3A_193, %select_n3A_252 : vector<16xi1>, vector<16xf32>
      %swap3A_254 = arith.constant 3 : i32
      %swap3A_255 = arith.index_cast %swap3A_254 : i32 to index
      %swap3A_256 = arith.constant 0 : index
      %swap3A_257 = tpu.vector_load %arg5[%swap3A_255, %swap3A_256] {strides = array<i32>} : memref<8x128xf32, #tpu.memory_space<vmem>>, vector<1x16xf32>,
      %swap3A_258 = vector.shape_cast %swap3A_257 : vector<1x16xf32> to vector<16xf32>
      %swap3A_259 = vector.shape_cast %select_n3A_253 : vector<16xf32> to vector<1x16xf32>
      tpu.vector_store %arg5[%swap3A_255, %swap3A_256], %swap3A_259 {strides = array<i32>} : memref<8x128xf32, #tpu.memory_space<vmem>>, vector<1x16xf32>,
      %eq3A_260 = arith.constant 4 : i32
      %eq3A_261 = vector.broadcast %eq3A_260 : i32 to vector<16xi32>
      %eq3A_262 = arith.cmpi eq, %select_n3A_76, %eq3A_261 : vector<16xi32>
      %eq3A_263 = arith.constant 4 : i32
      %eq3A_264 = vector.broadcast %eq3A_263 : i32 to vector<16xi32>
      %eq3A_265 = arith.cmpi eq, %select_n3A_167, %eq3A_264 : vector<16xi32>
      %jit3A_266 = arith.constant 0.000000e+00 : f32
      %broadcast_in_dim3A_267 = vector.broadcast %jit3A_266 : f32 to vector<16xf32>
      %select_n3A_268 = arith.select %eq3A_265, %div3A_196, %broadcast_in_dim3A_267 : vector<16xi1>, vector<16xf32>
      %select_n3A_269 = arith.select %eq3A_262, %div3A_193, %select_n3A_268 : vector<16xi1>, vector<16xf32>
      %swap3A_270 = arith.constant 4 : i32
      %swap3A_271 = arith.index_cast %swap3A_270 : i32 to index
      %swap3A_272 = arith.constant 0 : index
      %swap3A_273 = tpu.vector_load %arg5[%swap3A_271, %swap3A_272] {strides = array<i32>} : memref<8x128xf32, #tpu.memory_space<vmem>>, vector<1x16xf32>,
      %swap3A_274 = vector.shape_cast %swap3A_273 : vector<1x16xf32> to vector<16xf32>
      %swap3A_275 = vector.shape_cast %select_n3A_269 : vector<16xf32> to vector<1x16xf32>
      tpu.vector_store %arg5[%swap3A_271, %swap3A_272], %swap3A_275 {strides = array<i32>} : memref<8x128xf32, #tpu.memory_space<vmem>>, vector<1x16xf32>,
      %eq3A_276 = arith.constant 5 : i32
      %eq3A_277 = vector.broadcast %eq3A_276 : i32 to vector<16xi32>
      %eq3A_278 = arith.cmpi eq, %select_n3A_76, %eq3A_277 : vector<16xi32>
      %eq3A_279 = arith.constant 5 : i32
      %eq3A_280 = vector.broadcast %eq3A_279 : i32 to vector<16xi32>
      %eq3A_281 = arith.cmpi eq, %select_n3A_167, %eq3A_280 : vector<16xi32>
      %jit3A_282 = arith.constant 0.000000e+00 : f32
      %broadcast_in_dim3A_283 = vector.broadcast %jit3A_282 : f32 to vector<16xf32>
      %select_n3A_284 = arith.select %eq3A_281, %div3A_196, %broadcast_in_dim3A_283 : vector<16xi1>, vector<16xf32>
      %select_n3A_285 = arith.select %eq3A_278, %div3A_193, %select_n3A_284 : vector<16xi1>, vector<16xf32>
      %swap3A_286 = arith.constant 5 : i32
      %swap3A_287 = arith.index_cast %swap3A_286 : i32 to index
      %swap3A_288 = arith.constant 0 : index
      %swap3A_289 = tpu.vector_load %arg5[%swap3A_287, %swap3A_288] {strides = array<i32>} : memref<8x128xf32, #tpu.memory_space<vmem>>, vector<1x16xf32>,
      %swap3A_290 = vector.shape_cast %swap3A_289 : vector<1x16xf32> to vector<16xf32>
      %swap3A_291 = vector.shape_cast %select_n3A_285 : vector<16xf32> to vector<1x16xf32>
      tpu.vector_store %arg5[%swap3A_287, %swap3A_288], %swap3A_291 {strides = array<i32>} : memref<8x128xf32, #tpu.memory_space<vmem>>, vector<1x16xf32>,
      %eq3A_292 = arith.constant 6 : i32
      %eq3A_293 = vector.broadcast %eq3A_292 : i32 to vector<16xi32>
      %eq3A_294 = arith.cmpi eq, %select_n3A_76, %eq3A_293 : vector<16xi32>
      %eq3A_295 = arith.constant 6 : i32
      %eq3A_296 = vector.broadcast %eq3A_295 : i32 to vector<16xi32>
      %eq3A_297 = arith.cmpi eq, %select_n3A_167, %eq3A_296 : vector<16xi32>
      %jit3A_298 = arith.constant 0.000000e+00 : f32
      %broadcast_in_dim3A_299 = vector.broadcast %jit3A_298 : f32 to vector<16xf32>
      %select_n3A_300 = arith.select %eq3A_297, %div3A_196, %broadcast_in_dim3A_299 : vector<16xi1>, vector<16xf32>
      %select_n3A_301 = arith.select %eq3A_294, %div3A_193, %select_n3A_300 : vector<16xi1>, vector<16xf32>
      %swap3A_302 = arith.constant 6 : i32
      %swap3A_303 = arith.index_cast %swap3A_302 : i32 to index
      %swap3A_304 = arith.constant 0 : index
      %swap3A_305 = tpu.vector_load %arg5[%swap3A_303, %swap3A_304] {strides = array<i32>} : memref<8x128xf32, #tpu.memory_space<vmem>>, vector<1x16xf32>,
      %swap3A_306 = vector.shape_cast %swap3A_305 : vector<1x16xf32> to vector<16xf32>
      %swap3A_307 = vector.shape_cast %select_n3A_301 : vector<16xf32> to vector<1x16xf32>
      tpu.vector_store %arg5[%swap3A_303, %swap3A_304], %swap3A_307 {strides = array<i32>} : memref<8x128xf32, #tpu.memory_space<vmem>>, vector<1x16xf32>,
      %eq3A_308 = arith.constant 7 : i32
      %eq3A_309 = vector.broadcast %eq3A_308 : i32 to vector<16xi32>
      %eq3A_310 = arith.cmpi eq, %select_n3A_76, %eq3A_309 : vector<16xi32>
      %eq3A_311 = arith.constant 7 : i32
      %eq3A_312 = vector.broadcast %eq3A_311 : i32 to vector<16xi32>
      %eq3A_313 = arith.cmpi eq, %select_n3A_167, %eq3A_312 : vector<16xi32>
      %jit3A_314 = arith.constant 0.000000e+00 : f32
      %broadcast_in_dim3A_315 = vector.broadcast %jit3A_314 : f32 to vector<16xf32>
      %select_n3A_316 = arith.select %eq3A_313, %div3A_196, %broadcast_in_dim3A_315 : vector<16xi1>, vector<16xf32>
      %select_n3A_317 = arith.select %eq3A_310, %div3A_193, %select_n3A_316 : vector<16xi1>, vector<16xf32>
      %swap3A_318 = arith.constant 7 : i32
      %swap3A_319 = arith.index_cast %swap3A_318 : i32 to index
      %swap3A_320 = arith.constant 0 : index
      %swap3A_321 = tpu.vector_load %arg5[%swap3A_319, %swap3A_320] {strides = array<i32>} : memref<8x128xf32, #tpu.memory_space<vmem>>, vector<1x16xf32>,
      %swap3A_322 = vector.shape_cast %swap3A_321 : vector<1x16xf32> to vector<16xf32>
      %swap3A_323 = vector.shape_cast %select_n3A_317 : vector<16xf32> to vector<1x16xf32>
      tpu.vector_store %arg5[%swap3A_319, %swap3A_320], %swap3A_323 {strides = array<i32>} : memref<8x128xf32, #tpu.memory_space<vmem>>, vector<1x16xf32>,
      %get3A_324 = arith.constant 0 : i32
      %get3A_325 = arith.index_cast %get3A_324 : i32 to index
      %get3A_326 = arith.constant 16 : index
      %get3A_327 = tpu.vector_load %arg4[%get3A_325, %get3A_326] {strides = array<i32>} : memref<8x128xf32, #tpu.memory_space<vmem>>, vector<1x16xf32>,
      %get3A_328 = vector.shape_cast %get3A_327 : vector<1x16xf32> to vector<16xf32>
      %get3A_329 = arith.constant 1 : i32
      %get3A_330 = arith.index_cast %get3A_329 : i32 to index
      %get3A_331 = arith.constant 16 : index
      %get3A_332 = tpu.vector_load %arg4[%get3A_330, %get3A_331] {strides = array<i32>} : memref<8x128xf32, #tpu.memory_space<vmem>>, vector<1x16xf32>,
      %get3A_333 = vector.shape_cast %get3A_332 : vector<1x16xf32> to vector<16xf32>
      %get3A_334 = arith.constant 2 : i32
      %get3A_335 = arith.index_cast %get3A_334 : i32 to index
      %get3A_336 = arith.constant 16 : index
      %get3A_337 = tpu.vector_load %arg4[%get3A_335, %get3A_336] {strides = array<i32>} : memref<8x128xf32, #tpu.memory_space<vmem>>, vector<1x16xf32>,
      %get3A_338 = vector.shape_cast %get3A_337 : vector<1x16xf32> to vector<16xf32>
      %get3A_339 = arith.constant 3 : i32
      %get3A_340 = arith.index_cast %get3A_339 : i32 to index
      %get3A_341 = arith.constant 16 : index
      %get3A_342 = tpu.vector_load %arg4[%get3A_340, %get3A_341] {strides = array<i32>} : memref<8x128xf32, #tpu.memory_space<vmem>>, vector<1x16xf32>,
      %get3A_343 = vector.shape_cast %get3A_342 : vector<1x16xf32> to vector<16xf32>
      %get3A_344 = arith.constant 4 : i32
      %get3A_345 = arith.index_cast %get3A_344 : i32 to index
      %get3A_346 = arith.constant 16 : index
      %get3A_347 = tpu.vector_load %arg4[%get3A_345, %get3A_346] {strides = array<i32>} : memref<8x128xf32, #tpu.memory_space<vmem>>, vector<1x16xf32>,
      %get3A_348 = vector.shape_cast %get3A_347 : vector<1x16xf32> to vector<16xf32>
      %get3A_349 = arith.constant 5 : i32
      %get3A_350 = arith.index_cast %get3A_349 : i32 to index
      %get3A_351 = arith.constant 16 : index
      %get3A_352 = tpu.vector_load %arg4[%get3A_350, %get3A_351] {strides = array<i32>} : memref<8x128xf32, #tpu.memory_space<vmem>>, vector<1x16xf32>,
      %get3A_353 = vector.shape_cast %get3A_352 : vector<1x16xf32> to vector<16xf32>
      %get3A_354 = arith.constant 6 : i32
      %get3A_355 = arith.index_cast %get3A_354 : i32 to index
      %get3A_356 = arith.constant 16 : index
      %get3A_357 = tpu.vector_load %arg4[%get3A_355, %get3A_356] {strides = array<i32>} : memref<8x128xf32, #tpu.memory_space<vmem>>, vector<1x16xf32>,
      %get3A_358 = vector.shape_cast %get3A_357 : vector<1x16xf32> to vector<16xf32>
      %get3A_359 = arith.constant 7 : i32
      %get3A_360 = arith.index_cast %get3A_359 : i32 to index
      %get3A_361 = arith.constant 16 : index
      %get3A_362 = tpu.vector_load %arg4[%get3A_360, %get3A_361] {strides = array<i32>} : memref<8x128xf32, #tpu.memory_space<vmem>>, vector<1x16xf32>,
      %get3A_363 = vector.shape_cast %get3A_362 : vector<1x16xf32> to vector<16xf32>
      %broadcast_in_dim3A_364 = arith.constant 0 : i32
      %broadcast_in_dim3A_365 = vector.broadcast %broadcast_in_dim3A_364 : i32 to vector<16xi32>
      %gt3A_366 = arith.cmpf ogt, %get3A_333, %get3A_328 : vector<16xf32>
      %select_n3A_367 = arith.select %gt3A_366, %get3A_333, %get3A_328 : vector<16xi1>, vector<16xf32>
      %jit3A_368 = arith.constant 1 : i32
      %broadcast_in_dim3A_369 = vector.broadcast %jit3A_368 : i32 to vector<16xi32>
      %select_n3A_370 = arith.select %gt3A_366, %broadcast_in_dim3A_369, %broadcast_in_dim3A_365 : vector<16xi1>, vector<16xi32>
      %gt3A_371 = arith.cmpf ogt, %get3A_338, %select_n3A_367 : vector<16xf32>
      %select_n3A_372 = arith.select %gt3A_371, %get3A_338, %select_n3A_367 : vector<16xi1>, vector<16xf32>
      %jit3A_373 = arith.constant 2 : i32
      %broadcast_in_dim3A_374 = vector.broadcast %jit3A_373 : i32 to vector<16xi32>
      %select_n3A_375 = arith.select %gt3A_371, %broadcast_in_dim3A_374, %select_n3A_370 : vector<16xi1>, vector<16xi32>
      %gt3A_376 = arith.cmpf ogt, %get3A_343, %select_n3A_372 : vector<16xf32>
      %select_n3A_377 = arith.select %gt3A_376, %get3A_343, %select_n3A_372 : vector<16xi1>, vector<16xf32>
      %jit3A_378 = arith.constant 3 : i32
      %broadcast_in_dim3A_379 = vector.broadcast %jit3A_378 : i32 to vector<16xi32>
      %select_n3A_380 = arith.select %gt3A_376, %broadcast_in_dim3A_379, %select_n3A_375 : vector<16xi1>, vector<16xi32>
      %gt3A_381 = arith.cmpf ogt, %get3A_348, %select_n3A_377 : vector<16xf32>
      %select_n3A_382 = arith.select %gt3A_381, %get3A_348, %select_n3A_377 : vector<16xi1>, vector<16xf32>
      %jit3A_383 = arith.constant 4 : i32
      %broadcast_in_dim3A_384 = vector.broadcast %jit3A_383 : i32 to vector<16xi32>
      %select_n3A_385 = arith.select %gt3A_381, %broadcast_in_dim3A_384, %select_n3A_380 : vector<16xi1>, vector<16xi32>
      %gt3A_386 = arith.cmpf ogt, %get3A_353, %select_n3A_382 : vector<16xf32>
      %select_n3A_387 = arith.select %gt3A_386, %get3A_353, %select_n3A_382 : vector<16xi1>, vector<16xf32>
      %jit3A_388 = arith.constant 5 : i32
      %broadcast_in_dim3A_389 = vector.broadcast %jit3A_388 : i32 to vector<16xi32>
      %select_n3A_390 = arith.select %gt3A_386, %broadcast_in_dim3A_389, %select_n3A_385 : vector<16xi1>, vector<16xi32>
      %gt3A_391 = arith.cmpf ogt, %get3A_358, %select_n3A_387 : vector<16xf32>
      %select_n3A_392 = arith.select %gt3A_391, %get3A_358, %select_n3A_387 : vector<16xi1>, vector<16xf32>
      %jit3A_393 = arith.constant 6 : i32
      %broadcast_in_dim3A_394 = vector.broadcast %jit3A_393 : i32 to vector<16xi32>
      %select_n3A_395 = arith.select %gt3A_391, %broadcast_in_dim3A_394, %select_n3A_390 : vector<16xi1>, vector<16xi32>
      %gt3A_396 = arith.cmpf ogt, %get3A_363, %select_n3A_392 : vector<16xf32>
      %select_n3A_397 = arith.select %gt3A_396, %get3A_363, %select_n3A_392 : vector<16xi1>, vector<16xf32>
      %jit3A_398 = arith.constant 7 : i32
      %broadcast_in_dim3A_399 = vector.broadcast %jit3A_398 : i32 to vector<16xi32>
      %select_n3A_400 = arith.select %gt3A_396, %broadcast_in_dim3A_399, %select_n3A_395 : vector<16xi1>, vector<16xi32>
      %broadcast_in_dim3A_401 = arith.constant -1.000000e+30 : f32
      %broadcast_in_dim3A_402 = vector.broadcast %broadcast_in_dim3A_401 : f32 to vector<16xf32>
      %broadcast_in_dim3A_403 = arith.constant 8 : i32
      %broadcast_in_dim3A_404 = vector.broadcast %broadcast_in_dim3A_403 : i32 to vector<16xi32>
      %eq3A_405 = arith.constant 0 : i32
      %eq3A_406 = vector.broadcast %eq3A_405 : i32 to vector<16xi32>
      %eq3A_407 = arith.cmpi eq, %select_n3A_400, %eq3A_406 : vector<16xi32>
      %jit3A_408 = arith.constant -1.000000e+30 : f32
      %broadcast_in_dim3A_409 = vector.broadcast %jit3A_408 : f32 to vector<16xf32>
      %select_n3A_410 = arith.select %eq3A_407, %broadcast_in_dim3A_409, %get3A_328 : vector<16xi1>, vector<16xf32>
      %gt3A_411 = arith.cmpf ogt, %select_n3A_410, %broadcast_in_dim3A_402 : vector<16xf32>
      %select_n3A_412 = arith.select %gt3A_411, %select_n3A_410, %broadcast_in_dim3A_402 : vector<16xi1>, vector<16xf32>
      %jit3A_413 = arith.constant 0 : i32
      %broadcast_in_dim3A_414 = vector.broadcast %jit3A_413 : i32 to vector<16xi32>
      %select_n3A_415 = arith.select %gt3A_411, %broadcast_in_dim3A_414, %broadcast_in_dim3A_404 : vector<16xi1>, vector<16xi32>
      %eq3A_416 = arith.constant 1 : i32
      %eq3A_417 = vector.broadcast %eq3A_416 : i32 to vector<16xi32>
      %eq3A_418 = arith.cmpi eq, %select_n3A_400, %eq3A_417 : vector<16xi32>
      %jit3A_419 = arith.constant -1.000000e+30 : f32
      %broadcast_in_dim3A_420 = vector.broadcast %jit3A_419 : f32 to vector<16xf32>
      %select_n3A_421 = arith.select %eq3A_418, %broadcast_in_dim3A_420, %get3A_333 : vector<16xi1>, vector<16xf32>
      %gt3A_422 = arith.cmpf ogt, %select_n3A_421, %select_n3A_412 : vector<16xf32>
      %select_n3A_423 = arith.select %gt3A_422, %select_n3A_421, %select_n3A_412 : vector<16xi1>, vector<16xf32>
      %jit3A_424 = arith.constant 1 : i32
      %broadcast_in_dim3A_425 = vector.broadcast %jit3A_424 : i32 to vector<16xi32>
      %select_n3A_426 = arith.select %gt3A_422, %broadcast_in_dim3A_425, %select_n3A_415 : vector<16xi1>, vector<16xi32>
      %eq3A_427 = arith.constant 2 : i32
      %eq3A_428 = vector.broadcast %eq3A_427 : i32 to vector<16xi32>
      %eq3A_429 = arith.cmpi eq, %select_n3A_400, %eq3A_428 : vector<16xi32>
      %jit3A_430 = arith.constant -1.000000e+30 : f32
      %broadcast_in_dim3A_431 = vector.broadcast %jit3A_430 : f32 to vector<16xf32>
      %select_n3A_432 = arith.select %eq3A_429, %broadcast_in_dim3A_431, %get3A_338 : vector<16xi1>, vector<16xf32>
      %gt3A_433 = arith.cmpf ogt, %select_n3A_432, %select_n3A_423 : vector<16xf32>
      %select_n3A_434 = arith.select %gt3A_433, %select_n3A_432, %select_n3A_423 : vector<16xi1>, vector<16xf32>
      %jit3A_435 = arith.constant 2 : i32
      %broadcast_in_dim3A_436 = vector.broadcast %jit3A_435 : i32 to vector<16xi32>
      %select_n3A_437 = arith.select %gt3A_433, %broadcast_in_dim3A_436, %select_n3A_426 : vector<16xi1>, vector<16xi32>
      %eq3A_438 = arith.constant 3 : i32
      %eq3A_439 = vector.broadcast %eq3A_438 : i32 to vector<16xi32>
      %eq3A_440 = arith.cmpi eq, %select_n3A_400, %eq3A_439 : vector<16xi32>
      %jit3A_441 = arith.constant -1.000000e+30 : f32
      %broadcast_in_dim3A_442 = vector.broadcast %jit3A_441 : f32 to vector<16xf32>
      %select_n3A_443 = arith.select %eq3A_440, %broadcast_in_dim3A_442, %get3A_343 : vector<16xi1>, vector<16xf32>
      %gt3A_444 = arith.cmpf ogt, %select_n3A_443, %select_n3A_434 : vector<16xf32>
      %select_n3A_445 = arith.select %gt3A_444, %select_n3A_443, %select_n3A_434 : vector<16xi1>, vector<16xf32>
      %jit3A_446 = arith.constant 3 : i32
      %broadcast_in_dim3A_447 = vector.broadcast %jit3A_446 : i32 to vector<16xi32>
      %select_n3A_448 = arith.select %gt3A_444, %broadcast_in_dim3A_447, %select_n3A_437 : vector<16xi1>, vector<16xi32>
      %eq3A_449 = arith.constant 4 : i32
      %eq3A_450 = vector.broadcast %eq3A_449 : i32 to vector<16xi32>
      %eq3A_451 = arith.cmpi eq, %select_n3A_400, %eq3A_450 : vector<16xi32>
      %jit3A_452 = arith.constant -1.000000e+30 : f32
      %broadcast_in_dim3A_453 = vector.broadcast %jit3A_452 : f32 to vector<16xf32>
      %select_n3A_454 = arith.select %eq3A_451, %broadcast_in_dim3A_453, %get3A_348 : vector<16xi1>, vector<16xf32>
      %gt3A_455 = arith.cmpf ogt, %select_n3A_454, %select_n3A_445 : vector<16xf32>
      %select_n3A_456 = arith.select %gt3A_455, %select_n3A_454, %select_n3A_445 : vector<16xi1>, vector<16xf32>
      %jit3A_457 = arith.constant 4 : i32
      %broadcast_in_dim3A_458 = vector.broadcast %jit3A_457 : i32 to vector<16xi32>
      %select_n3A_459 = arith.select %gt3A_455, %broadcast_in_dim3A_458, %select_n3A_448 : vector<16xi1>, vector<16xi32>
      %eq3A_460 = arith.constant 5 : i32
      %eq3A_461 = vector.broadcast %eq3A_460 : i32 to vector<16xi32>
      %eq3A_462 = arith.cmpi eq, %select_n3A_400, %eq3A_461 : vector<16xi32>
      %jit3A_463 = arith.constant -1.000000e+30 : f32
      %broadcast_in_dim3A_464 = vector.broadcast %jit3A_463 : f32 to vector<16xf32>
      %select_n3A_465 = arith.select %eq3A_462, %broadcast_in_dim3A_464, %get3A_353 : vector<16xi1>, vector<16xf32>
      %gt3A_466 = arith.cmpf ogt, %select_n3A_465, %select_n3A_456 : vector<16xf32>
      %select_n3A_467 = arith.select %gt3A_466, %select_n3A_465, %select_n3A_456 : vector<16xi1>, vector<16xf32>
      %jit3A_468 = arith.constant 5 : i32
      %broadcast_in_dim3A_469 = vector.broadcast %jit3A_468 : i32 to vector<16xi32>
      %select_n3A_470 = arith.select %gt3A_466, %broadcast_in_dim3A_469, %select_n3A_459 : vector<16xi1>, vector<16xi32>
      %eq3A_471 = arith.constant 6 : i32
      %eq3A_472 = vector.broadcast %eq3A_471 : i32 to vector<16xi32>
      %eq3A_473 = arith.cmpi eq, %select_n3A_400, %eq3A_472 : vector<16xi32>
      %jit3A_474 = arith.constant -1.000000e+30 : f32
      %broadcast_in_dim3A_475 = vector.broadcast %jit3A_474 : f32 to vector<16xf32>
      %select_n3A_476 = arith.select %eq3A_473, %broadcast_in_dim3A_475, %get3A_358 : vector<16xi1>, vector<16xf32>
      %gt3A_477 = arith.cmpf ogt, %select_n3A_476, %select_n3A_467 : vector<16xf32>
      %select_n3A_478 = arith.select %gt3A_477, %select_n3A_476, %select_n3A_467 : vector<16xi1>, vector<16xf32>
      %jit3A_479 = arith.constant 6 : i32
      %broadcast_in_dim3A_480 = vector.broadcast %jit3A_479 : i32 to vector<16xi32>
      %select_n3A_481 = arith.select %gt3A_477, %broadcast_in_dim3A_480, %select_n3A_470 : vector<16xi1>, vector<16xi32>
      %eq3A_482 = arith.constant 7 : i32
      %eq3A_483 = vector.broadcast %eq3A_482 : i32 to vector<16xi32>
      %eq3A_484 = arith.cmpi eq, %select_n3A_400, %eq3A_483 : vector<16xi32>
      %jit3A_485 = arith.constant -1.000000e+30 : f32
      %broadcast_in_dim3A_486 = vector.broadcast %jit3A_485 : f32 to vector<16xf32>
      %select_n3A_487 = arith.select %eq3A_484, %broadcast_in_dim3A_486, %get3A_363 : vector<16xi1>, vector<16xf32>
      %gt3A_488 = arith.cmpf ogt, %select_n3A_487, %select_n3A_478 : vector<16xf32>
      %select_n3A_489 = arith.select %gt3A_488, %select_n3A_487, %select_n3A_478 : vector<16xi1>, vector<16xf32>
      %jit3A_490 = arith.constant 7 : i32
      %broadcast_in_dim3A_491 = vector.broadcast %jit3A_490 : i32 to vector<16xi32>
      %select_n3A_492 = arith.select %gt3A_488, %broadcast_in_dim3A_491, %select_n3A_481 : vector<16xi1>, vector<16xi32>
      %broadcast_in_dim3A_493 = arith.constant 0.000000e+00 : f32
      %broadcast_in_dim3A_494 = vector.broadcast %broadcast_in_dim3A_493 : f32 to vector<16xf32>
      %sub3A_495 = arith.subf %get3A_328, %select_n3A_397 : vector<16xf32>
      %exp3A_496 = math.exp %sub3A_495 : vector<16xf32>
      %add3A_497 = arith.addf %broadcast_in_dim3A_494, %exp3A_496 : vector<16xf32>
      %sub3A_498 = arith.subf %get3A_333, %select_n3A_397 : vector<16xf32>
      %exp3A_499 = math.exp %sub3A_498 : vector<16xf32>
      %add3A_500 = arith.addf %add3A_497, %exp3A_499 : vector<16xf32>
      %sub3A_501 = arith.subf %get3A_338, %select_n3A_397 : vector<16xf32>
      %exp3A_502 = math.exp %sub3A_501 : vector<16xf32>
      %add3A_503 = arith.addf %add3A_500, %exp3A_502 : vector<16xf32>
      %sub3A_504 = arith.subf %get3A_343, %select_n3A_397 : vector<16xf32>
      %exp3A_505 = math.exp %sub3A_504 : vector<16xf32>
      %add3A_506 = arith.addf %add3A_503, %exp3A_505 : vector<16xf32>
      %sub3A_507 = arith.subf %get3A_348, %select_n3A_397 : vector<16xf32>
      %exp3A_508 = math.exp %sub3A_507 : vector<16xf32>
      %add3A_509 = arith.addf %add3A_506, %exp3A_508 : vector<16xf32>
      %sub3A_510 = arith.subf %get3A_353, %select_n3A_397 : vector<16xf32>
      %exp3A_511 = math.exp %sub3A_510 : vector<16xf32>
      %add3A_512 = arith.addf %add3A_509, %exp3A_511 : vector<16xf32>
      %sub3A_513 = arith.subf %get3A_358, %select_n3A_397 : vector<16xf32>
      %exp3A_514 = math.exp %sub3A_513 : vector<16xf32>
      %add3A_515 = arith.addf %add3A_512, %exp3A_514 : vector<16xf32>
      %sub3A_516 = arith.subf %get3A_363, %select_n3A_397 : vector<16xf32>
      %exp3A_517 = math.exp %sub3A_516 : vector<16xf32>
      %add3A_518 = arith.addf %add3A_515, %exp3A_517 : vector<16xf32>
      %div3A_519 = arith.constant 1.000000e+00 : f32
      %div3A_520 = vector.broadcast %div3A_519 : f32 to vector<16xf32>
      %div3A_521 = arith.divf %div3A_520, %add3A_518 : vector<16xf32>
      %sub3A_522 = arith.subf %select_n3A_489, %select_n3A_397 : vector<16xf32>
      %exp3A_523 = math.exp %sub3A_522 : vector<16xf32>
      %div3A_524 = arith.divf %exp3A_523, %add3A_518 : vector<16xf32>
      %eq3A_525 = arith.constant 0 : i32
      %eq3A_526 = vector.broadcast %eq3A_525 : i32 to vector<16xi32>
      %eq3A_527 = arith.cmpi eq, %select_n3A_400, %eq3A_526 : vector<16xi32>
      %eq3A_528 = arith.constant 0 : i32
      %eq3A_529 = vector.broadcast %eq3A_528 : i32 to vector<16xi32>
      %eq3A_530 = arith.cmpi eq, %select_n3A_492, %eq3A_529 : vector<16xi32>
      %jit3A_531 = arith.constant 0.000000e+00 : f32
      %broadcast_in_dim3A_532 = vector.broadcast %jit3A_531 : f32 to vector<16xf32>
      %select_n3A_533 = arith.select %eq3A_530, %div3A_524, %broadcast_in_dim3A_532 : vector<16xi1>, vector<16xf32>
      %select_n3A_534 = arith.select %eq3A_527, %div3A_521, %select_n3A_533 : vector<16xi1>, vector<16xf32>
      %swap3A_535 = arith.constant 0 : i32
      %swap3A_536 = arith.index_cast %swap3A_535 : i32 to index
      %swap3A_537 = arith.constant 16 : index
      %swap3A_538 = tpu.vector_load %arg5[%swap3A_536, %swap3A_537] {strides = array<i32>} : memref<8x128xf32, #tpu.memory_space<vmem>>, vector<1x16xf32>,
      %swap3A_539 = vector.shape_cast %swap3A_538 : vector<1x16xf32> to vector<16xf32>
      %swap3A_540 = vector.shape_cast %select_n3A_534 : vector<16xf32> to vector<1x16xf32>
      tpu.vector_store %arg5[%swap3A_536, %swap3A_537], %swap3A_540 {strides = array<i32>} : memref<8x128xf32, #tpu.memory_space<vmem>>, vector<1x16xf32>,
      %eq3A_541 = arith.constant 1 : i32
      %eq3A_542 = vector.broadcast %eq3A_541 : i32 to vector<16xi32>
      %eq3A_543 = arith.cmpi eq, %select_n3A_400, %eq3A_542 : vector<16xi32>
      %eq3A_544 = arith.constant 1 : i32
      %eq3A_545 = vector.broadcast %eq3A_544 : i32 to vector<16xi32>
      %eq3A_546 = arith.cmpi eq, %select_n3A_492, %eq3A_545 : vector<16xi32>
      %jit3A_547 = arith.constant 0.000000e+00 : f32
      %broadcast_in_dim3A_548 = vector.broadcast %jit3A_547 : f32 to vector<16xf32>
      %select_n3A_549 = arith.select %eq3A_546, %div3A_524, %broadcast_in_dim3A_548 : vector<16xi1>, vector<16xf32>
      %select_n3A_550 = arith.select %eq3A_543, %div3A_521, %select_n3A_549 : vector<16xi1>, vector<16xf32>
      %swap3A_551 = arith.constant 1 : i32
      %swap3A_552 = arith.index_cast %swap3A_551 : i32 to index
      %swap3A_553 = arith.constant 16 : index
      %swap3A_554 = tpu.vector_load %arg5[%swap3A_552, %swap3A_553] {strides = array<i32>} : memref<8x128xf32, #tpu.memory_space<vmem>>, vector<1x16xf32>,
      %swap3A_555 = vector.shape_cast %swap3A_554 : vector<1x16xf32> to vector<16xf32>
      %swap3A_556 = vector.shape_cast %select_n3A_550 : vector<16xf32> to vector<1x16xf32>
      tpu.vector_store %arg5[%swap3A_552, %swap3A_553], %swap3A_556 {strides = array<i32>} : memref<8x128xf32, #tpu.memory_space<vmem>>, vector<1x16xf32>,
      %eq3A_557 = arith.constant 2 : i32
      %eq3A_558 = vector.broadcast %eq3A_557 : i32 to vector<16xi32>
      %eq3A_559 = arith.cmpi eq, %select_n3A_400, %eq3A_558 : vector<16xi32>
      %eq3A_560 = arith.constant 2 : i32
      %eq3A_561 = vector.broadcast %eq3A_560 : i32 to vector<16xi32>
      %eq3A_562 = arith.cmpi eq, %select_n3A_492, %eq3A_561 : vector<16xi32>
      %jit3A_563 = arith.constant 0.000000e+00 : f32
      %broadcast_in_dim3A_564 = vector.broadcast %jit3A_563 : f32 to vector<16xf32>
      %select_n3A_565 = arith.select %eq3A_562, %div3A_524, %broadcast_in_dim3A_564 : vector<16xi1>, vector<16xf32>
      %select_n3A_566 = arith.select %eq3A_559, %div3A_521, %select_n3A_565 : vector<16xi1>, vector<16xf32>
      %swap3A_567 = arith.constant 2 : i32
      %swap3A_568 = arith.index_cast %swap3A_567 : i32 to index
      %swap3A_569 = arith.constant 16 : index
      %swap3A_570 = tpu.vector_load %arg5[%swap3A_568, %swap3A_569] {strides = array<i32>} : memref<8x128xf32, #tpu.memory_space<vmem>>, vector<1x16xf32>,
      %swap3A_571 = vector.shape_cast %swap3A_570 : vector<1x16xf32> to vector<16xf32>
      %swap3A_572 = vector.shape_cast %select_n3A_566 : vector<16xf32> to vector<1x16xf32>
      tpu.vector_store %arg5[%swap3A_568, %swap3A_569], %swap3A_572 {strides = array<i32>} : memref<8x128xf32, #tpu.memory_space<vmem>>, vector<1x16xf32>,
      %eq3A_573 = arith.constant 3 : i32
      %eq3A_574 = vector.broadcast %eq3A_573 : i32 to vector<16xi32>
      %eq3A_575 = arith.cmpi eq, %select_n3A_400, %eq3A_574 : vector<16xi32>
      %eq3A_576 = arith.constant 3 : i32
      %eq3A_577 = vector.broadcast %eq3A_576 : i32 to vector<16xi32>
      %eq3A_578 = arith.cmpi eq, %select_n3A_492, %eq3A_577 : vector<16xi32>
      %jit3A_579 = arith.constant 0.000000e+00 : f32
      %broadcast_in_dim3A_580 = vector.broadcast %jit3A_579 : f32 to vector<16xf32>
      %select_n3A_581 = arith.select %eq3A_578, %div3A_524, %broadcast_in_dim3A_580 : vector<16xi1>, vector<16xf32>
      %select_n3A_582 = arith.select %eq3A_575, %div3A_521, %select_n3A_581 : vector<16xi1>, vector<16xf32>
      %swap3A_583 = arith.constant 3 : i32
      %swap3A_584 = arith.index_cast %swap3A_583 : i32 to index
      %swap3A_585 = arith.constant 16 : index
      %swap3A_586 = tpu.vector_load %arg5[%swap3A_584, %swap3A_585] {strides = array<i32>} : memref<8x128xf32, #tpu.memory_space<vmem>>, vector<1x16xf32>,
      %swap3A_587 = vector.shape_cast %swap3A_586 : vector<1x16xf32> to vector<16xf32>
      %swap3A_588 = vector.shape_cast %select_n3A_582 : vector<16xf32> to vector<1x16xf32>
      tpu.vector_store %arg5[%swap3A_584, %swap3A_585], %swap3A_588 {strides = array<i32>} : memref<8x128xf32, #tpu.memory_space<vmem>>, vector<1x16xf32>,
      %eq3A_589 = arith.constant 4 : i32
      %eq3A_590 = vector.broadcast %eq3A_589 : i32 to vector<16xi32>
      %eq3A_591 = arith.cmpi eq, %select_n3A_400, %eq3A_590 : vector<16xi32>
      %eq3A_592 = arith.constant 4 : i32
      %eq3A_593 = vector.broadcast %eq3A_592 : i32 to vector<16xi32>
      %eq3A_594 = arith.cmpi eq, %select_n3A_492, %eq3A_593 : vector<16xi32>
      %jit3A_595 = arith.constant 0.000000e+00 : f32
      %broadcast_in_dim3A_596 = vector.broadcast %jit3A_595 : f32 to vector<16xf32>
      %select_n3A_597 = arith.select %eq3A_594, %div3A_524, %broadcast_in_dim3A_596 : vector<16xi1>, vector<16xf32>
      %select_n3A_598 = arith.select %eq3A_591, %div3A_521, %select_n3A_597 : vector<16xi1>, vector<16xf32>
      %swap3A_599 = arith.constant 4 : i32
      %swap3A_600 = arith.index_cast %swap3A_599 : i32 to index
      %swap3A_601 = arith.constant 16 : index
      %swap3A_602 = tpu.vector_load %arg5[%swap3A_600, %swap3A_601] {strides = array<i32>} : memref<8x128xf32, #tpu.memory_space<vmem>>, vector<1x16xf32>,
      %swap3A_603 = vector.shape_cast %swap3A_602 : vector<1x16xf32> to vector<16xf32>
      %swap3A_604 = vector.shape_cast %select_n3A_598 : vector<16xf32> to vector<1x16xf32>
      tpu.vector_store %arg5[%swap3A_600, %swap3A_601], %swap3A_604 {strides = array<i32>} : memref<8x128xf32, #tpu.memory_space<vmem>>, vector<1x16xf32>,
      %eq3A_605 = arith.constant 5 : i32
      %eq3A_606 = vector.broadcast %eq3A_605 : i32 to vector<16xi32>
      %eq3A_607 = arith.cmpi eq, %select_n3A_400, %eq3A_606 : vector<16xi32>
      %eq3A_608 = arith.constant 5 : i32
      %eq3A_609 = vector.broadcast %eq3A_608 : i32 to vector<16xi32>
      %eq3A_610 = arith.cmpi eq, %select_n3A_492, %eq3A_609 : vector<16xi32>
      %jit3A_611 = arith.constant 0.000000e+00 : f32
      %broadcast_in_dim3A_612 = vector.broadcast %jit3A_611 : f32 to vector<16xf32>
      %select_n3A_613 = arith.select %eq3A_610, %div3A_524, %broadcast_in_dim3A_612 : vector<16xi1>, vector<16xf32>
      %select_n3A_614 = arith.select %eq3A_607, %div3A_521, %select_n3A_613 : vector<16xi1>, vector<16xf32>
      %swap3A_615 = arith.constant 5 : i32
      %swap3A_616 = arith.index_cast %swap3A_615 : i32 to index
      %swap3A_617 = arith.constant 16 : index
      %swap3A_618 = tpu.vector_load %arg5[%swap3A_616, %swap3A_617] {strides = array<i32>} : memref<8x128xf32, #tpu.memory_space<vmem>>, vector<1x16xf32>,
      %swap3A_619 = vector.shape_cast %swap3A_618 : vector<1x16xf32> to vector<16xf32>
      %swap3A_620 = vector.shape_cast %select_n3A_614 : vector<16xf32> to vector<1x16xf32>
      tpu.vector_store %arg5[%swap3A_616, %swap3A_617], %swap3A_620 {strides = array<i32>} : memref<8x128xf32, #tpu.memory_space<vmem>>, vector<1x16xf32>,
      %eq3A_621 = arith.constant 6 : i32
      %eq3A_622 = vector.broadcast %eq3A_621 : i32 to vector<16xi32>
      %eq3A_623 = arith.cmpi eq, %select_n3A_400, %eq3A_622 : vector<16xi32>
      %eq3A_624 = arith.constant 6 : i32
      %eq3A_625 = vector.broadcast %eq3A_624 : i32 to vector<16xi32>
      %eq3A_626 = arith.cmpi eq, %select_n3A_492, %eq3A_625 : vector<16xi32>
      %jit3A_627 = arith.constant 0.000000e+00 : f32
      %broadcast_in_dim3A_628 = vector.broadcast %jit3A_627 : f32 to vector<16xf32>
      %select_n3A_629 = arith.select %eq3A_626, %div3A_524, %broadcast_in_dim3A_628 : vector<16xi1>, vector<16xf32>
      %select_n3A_630 = arith.select %eq3A_623, %div3A_521, %select_n3A_629 : vector<16xi1>, vector<16xf32>
      %swap3A_631 = arith.constant 6 : i32
      %swap3A_632 = arith.index_cast %swap3A_631 : i32 to index
      %swap3A_633 = arith.constant 16 : index
      %swap3A_634 = tpu.vector_load %arg5[%swap3A_632, %swap3A_633] {strides = array<i32>} : memref<8x128xf32, #tpu.memory_space<vmem>>, vector<1x16xf32>,
      %swap3A_635 = vector.shape_cast %swap3A_634 : vector<1x16xf32> to vector<16xf32>
      %swap3A_636 = vector.shape_cast %select_n3A_630 : vector<16xf32> to vector<1x16xf32>
      tpu.vector_store %arg5[%swap3A_632, %swap3A_633], %swap3A_636 {strides = array<i32>} : memref<8x128xf32, #tpu.memory_space<vmem>>, vector<1x16xf32>,
      %eq3A_637 = arith.constant 7 : i32
      %eq3A_638 = vector.broadcast %eq3A_637 : i32 to vector<16xi32>
      %eq3A_639 = arith.cmpi eq, %select_n3A_400, %eq3A_638 : vector<16xi32>
      %eq3A_640 = arith.constant 7 : i32
      %eq3A_641 = vector.broadcast %eq3A_640 : i32 to vector<16xi32>
      %eq3A_642 = arith.cmpi eq, %select_n3A_492, %eq3A_641 : vector<16xi32>
      %jit3A_643 = arith.constant 0.000000e+00 : f32
      %broadcast_in_dim3A_644 = vector.broadcast %jit3A_643 : f32 to vector<16xf32>
      %select_n3A_645 = arith.select %eq3A_642, %div3A_524, %broadcast_in_dim3A_644 : vector<16xi1>, vector<16xf32>
      %select_n3A_646 = arith.select %eq3A_639, %div3A_521, %select_n3A_645 : vector<16xi1>, vector<16xf32>
      %swap3A_647 = arith.constant 7 : i32
      %swap3A_648 = arith.index_cast %swap3A_647 : i32 to index
      %swap3A_649 = arith.constant 16 : index
      %swap3A_650 = tpu.vector_load %arg5[%swap3A_648, %swap3A_649] {strides = array<i32>} : memref<8x128xf32, #tpu.memory_space<vmem>>, vector<1x16xf32>,
      %swap3A_651 = vector.shape_cast %swap3A_650 : vector<1x16xf32> to vector<16xf32>
      %swap3A_652 = vector.shape_cast %select_n3A_646 : vector<16xf32> to vector<1x16xf32>
      tpu.vector_store %arg5[%swap3A_648, %swap3A_649], %swap3A_652 {strides = array<i32>} : memref<8x128xf32, #tpu.memory_space<vmem>>, vector<1x16xf32>,
      %get3A_653 = arith.constant 0 : i32
      %get3A_654 = arith.index_cast %get3A_653 : i32 to index
      %get3A_655 = arith.constant 32 : index
      %get3A_656 = tpu.vector_load %arg4[%get3A_654, %get3A_655] {strides = array<i32>} : memref<8x128xf32, #tpu.memory_space<vmem>>, vector<1x16xf32>,
      %get3A_657 = vector.shape_cast %get3A_656 : vector<1x16xf32> to vector<16xf32>
      %get3A_658 = arith.constant 1 : i32
      %get3A_659 = arith.index_cast %get3A_658 : i32 to index
      %get3A_660 = arith.constant 32 : index
      %get3A_661 = tpu.vector_load %arg4[%get3A_659, %get3A_660] {strides = array<i32>} : memref<8x128xf32, #tpu.memory_space<vmem>>, vector<1x16xf32>,
      %get3A_662 = vector.shape_cast %get3A_661 : vector<1x16xf32> to vector<16xf32>
      %get3A_663 = arith.constant 2 : i32
      %get3A_664 = arith.index_cast %get3A_663 : i32 to index
      %get3A_665 = arith.constant 32 : index
      %get3A_666 = tpu.vector_load %arg4[%get3A_664, %get3A_665] {strides = array<i32>} : memref<8x128xf32, #tpu.memory_space<vmem>>, vector<1x16xf32>,
      %get3A_667 = vector.shape_cast %get3A_666 : vector<1x16xf32> to vector<16xf32>
      %get3A_668 = arith.constant 3 : i32
      %get3A_669 = arith.index_cast %get3A_668 : i32 to index
      %get3A_670 = arith.constant 32 : index
      %get3A_671 = tpu.vector_load %arg4[%get3A_669, %get3A_670] {strides = array<i32>} : memref<8x128xf32, #tpu.memory_space<vmem>>, vector<1x16xf32>,
      %get3A_672 = vector.shape_cast %get3A_671 : vector<1x16xf32> to vector<16xf32>
      %get3A_673 = arith.constant 4 : i32
      %get3A_674 = arith.index_cast %get3A_673 : i32 to index
      %get3A_675 = arith.constant 32 : index
      %get3A_676 = tpu.vector_load %arg4[%get3A_674, %get3A_675] {strides = array<i32>} : memref<8x128xf32, #tpu.memory_space<vmem>>, vector<1x16xf32>,
      %get3A_677 = vector.shape_cast %get3A_676 : vector<1x16xf32> to vector<16xf32>
      %get3A_678 = arith.constant 5 : i32
      %get3A_679 = arith.index_cast %get3A_678 : i32 to index
      %get3A_680 = arith.constant 32 : index
      %get3A_681 = tpu.vector_load %arg4[%get3A_679, %get3A_680] {strides = array<i32>} : memref<8x128xf32, #tpu.memory_space<vmem>>, vector<1x16xf32>,
      %get3A_682 = vector.shape_cast %get3A_681 : vector<1x16xf32> to vector<16xf32>
      %get3A_683 = arith.constant 6 : i32
      %get3A_684 = arith.index_cast %get3A_683 : i32 to index
      %get3A_685 = arith.constant 32 : index
      %get3A_686 = tpu.vector_load %arg4[%get3A_684, %get3A_685] {strides = array<i32>} : memref<8x128xf32, #tpu.memory_space<vmem>>, vector<1x16xf32>,
      %get3A_687 = vector.shape_cast %get3A_686 : vector<1x16xf32> to vector<16xf32>
      %get3A_688 = arith.constant 7 : i32
      %get3A_689 = arith.index_cast %get3A_688 : i32 to index
      %get3A_690 = arith.constant 32 : index
      %get3A_691 = tpu.vector_load %arg4[%get3A_689, %get3A_690] {strides = array<i32>} : memref<8x128xf32, #tpu.memory_space<vmem>>, vector<1x16xf32>,
      %get3A_692 = vector.shape_cast %get3A_691 : vector<1x16xf32> to vector<16xf32>
      %broadcast_in_dim3A_693 = arith.constant 0 : i32
      %broadcast_in_dim3A_694 = vector.broadcast %broadcast_in_dim3A_693 : i32 to vector<16xi32>
      %gt3A_695 = arith.cmpf ogt, %get3A_662, %get3A_657 : vector<16xf32>
      %select_n3A_696 = arith.select %gt3A_695, %get3A_662, %get3A_657 : vector<16xi1>, vector<16xf32>
      %jit3A_697 = arith.constant 1 : i32
      %broadcast_in_dim3A_698 = vector.broadcast %jit3A_697 : i32 to vector<16xi32>
      %select_n3A_699 = arith.select %gt3A_695, %broadcast_in_dim3A_698, %broadcast_in_dim3A_694 : vector<16xi1>, vector<16xi32>
      %gt3A_700 = arith.cmpf ogt, %get3A_667, %select_n3A_696 : vector<16xf32>
      %select_n3A_701 = arith.select %gt3A_700, %get3A_667, %select_n3A_696 : vector<16xi1>, vector<16xf32>
      %jit3A_702 = arith.constant 2 : i32
      %broadcast_in_dim3A_703 = vector.broadcast %jit3A_702 : i32 to vector<16xi32>
      %select_n3A_704 = arith.select %gt3A_700, %broadcast_in_dim3A_703, %select_n3A_699 : vector<16xi1>, vector<16xi32>
      %gt3A_705 = arith.cmpf ogt, %get3A_672, %select_n3A_701 : vector<16xf32>
      %select_n3A_706 = arith.select %gt3A_705, %get3A_672, %select_n3A_701 : vector<16xi1>, vector<16xf32>
      %jit3A_707 = arith.constant 3 : i32
      %broadcast_in_dim3A_708 = vector.broadcast %jit3A_707 : i32 to vector<16xi32>
      %select_n3A_709 = arith.select %gt3A_705, %broadcast_in_dim3A_708, %select_n3A_704 : vector<16xi1>, vector<16xi32>
      %gt3A_710 = arith.cmpf ogt, %get3A_677, %select_n3A_706 : vector<16xf32>
      %select_n3A_711 = arith.select %gt3A_710, %get3A_677, %select_n3A_706 : vector<16xi1>, vector<16xf32>
      %jit3A_712 = arith.constant 4 : i32
      %broadcast_in_dim3A_713 = vector.broadcast %jit3A_712 : i32 to vector<16xi32>
      %select_n3A_714 = arith.select %gt3A_710, %broadcast_in_dim3A_713, %select_n3A_709 : vector<16xi1>, vector<16xi32>
      %gt3A_715 = arith.cmpf ogt, %get3A_682, %select_n3A_711 : vector<16xf32>
      %select_n3A_716 = arith.select %gt3A_715, %get3A_682, %select_n3A_711 : vector<16xi1>, vector<16xf32>
      %jit3A_717 = arith.constant 5 : i32
      %broadcast_in_dim3A_718 = vector.broadcast %jit3A_717 : i32 to vector<16xi32>
      %select_n3A_719 = arith.select %gt3A_715, %broadcast_in_dim3A_718, %select_n3A_714 : vector<16xi1>, vector<16xi32>
      %gt3A_720 = arith.cmpf ogt, %get3A_687, %select_n3A_716 : vector<16xf32>
      %select_n3A_721 = arith.select %gt3A_720, %get3A_687, %select_n3A_716 : vector<16xi1>, vector<16xf32>
      %jit3A_722 = arith.constant 6 : i32
      %broadcast_in_dim3A_723 = vector.broadcast %jit3A_722 : i32 to vector<16xi32>
      %select_n3A_724 = arith.select %gt3A_720, %broadcast_in_dim3A_723, %select_n3A_719 : vector<16xi1>, vector<16xi32>
      %gt3A_725 = arith.cmpf ogt, %get3A_692, %select_n3A_721 : vector<16xf32>
      %select_n3A_726 = arith.select %gt3A_725, %get3A_692, %select_n3A_721 : vector<16xi1>, vector<16xf32>
      %jit3A_727 = arith.constant 7 : i32
      %broadcast_in_dim3A_728 = vector.broadcast %jit3A_727 : i32 to vector<16xi32>
      %select_n3A_729 = arith.select %gt3A_725, %broadcast_in_dim3A_728, %select_n3A_724 : vector<16xi1>, vector<16xi32>
      %broadcast_in_dim3A_730 = arith.constant -1.000000e+30 : f32
      %broadcast_in_dim3A_731 = vector.broadcast %broadcast_in_dim3A_730 : f32 to vector<16xf32>
      %broadcast_in_dim3A_732 = arith.constant 8 : i32
      %broadcast_in_dim3A_733 = vector.broadcast %broadcast_in_dim3A_732 : i32 to vector<16xi32>
      %eq3A_734 = arith.constant 0 : i32
      %eq3A_735 = vector.broadcast %eq3A_734 : i32 to vector<16xi32>
      %eq3A_736 = arith.cmpi eq, %select_n3A_729, %eq3A_735 : vector<16xi32>
      %jit3A_737 = arith.constant -1.000000e+30 : f32
      %broadcast_in_dim3A_738 = vector.broadcast %jit3A_737 : f32 to vector<16xf32>
      %select_n3A_739 = arith.select %eq3A_736, %broadcast_in_dim3A_738, %get3A_657 : vector<16xi1>, vector<16xf32>
      %gt3A_740 = arith.cmpf ogt, %select_n3A_739, %broadcast_in_dim3A_731 : vector<16xf32>
      %select_n3A_741 = arith.select %gt3A_740, %select_n3A_739, %broadcast_in_dim3A_731 : vector<16xi1>, vector<16xf32>
      %jit3A_742 = arith.constant 0 : i32
      %broadcast_in_dim3A_743 = vector.broadcast %jit3A_742 : i32 to vector<16xi32>
      %select_n3A_744 = arith.select %gt3A_740, %broadcast_in_dim3A_743, %broadcast_in_dim3A_733 : vector<16xi1>, vector<16xi32>
      %eq3A_745 = arith.constant 1 : i32
      %eq3A_746 = vector.broadcast %eq3A_745 : i32 to vector<16xi32>
      %eq3A_747 = arith.cmpi eq, %select_n3A_729, %eq3A_746 : vector<16xi32>
      %jit3A_748 = arith.constant -1.000000e+30 : f32
      %broadcast_in_dim3A_749 = vector.broadcast %jit3A_748 : f32 to vector<16xf32>
      %select_n3A_750 = arith.select %eq3A_747, %broadcast_in_dim3A_749, %get3A_662 : vector<16xi1>, vector<16xf32>
      %gt3A_751 = arith.cmpf ogt, %select_n3A_750, %select_n3A_741 : vector<16xf32>
      %select_n3A_752 = arith.select %gt3A_751, %select_n3A_750, %select_n3A_741 : vector<16xi1>, vector<16xf32>
      %jit3A_753 = arith.constant 1 : i32
      %broadcast_in_dim3A_754 = vector.broadcast %jit3A_753 : i32 to vector<16xi32>
      %select_n3A_755 = arith.select %gt3A_751, %broadcast_in_dim3A_754, %select_n3A_744 : vector<16xi1>, vector<16xi32>
      %eq3A_756 = arith.constant 2 : i32
      %eq3A_757 = vector.broadcast %eq3A_756 : i32 to vector<16xi32>
      %eq3A_758 = arith.cmpi eq, %select_n3A_729, %eq3A_757 : vector<16xi32>
      %jit3A_759 = arith.constant -1.000000e+30 : f32
      %broadcast_in_dim3A_760 = vector.broadcast %jit3A_759 : f32 to vector<16xf32>
      %select_n3A_761 = arith.select %eq3A_758, %broadcast_in_dim3A_760, %get3A_667 : vector<16xi1>, vector<16xf32>
      %gt3A_762 = arith.cmpf ogt, %select_n3A_761, %select_n3A_752 : vector<16xf32>
      %select_n3A_763 = arith.select %gt3A_762, %select_n3A_761, %select_n3A_752 : vector<16xi1>, vector<16xf32>
      %jit3A_764 = arith.constant 2 : i32
      %broadcast_in_dim3A_765 = vector.broadcast %jit3A_764 : i32 to vector<16xi32>
      %select_n3A_766 = arith.select %gt3A_762, %broadcast_in_dim3A_765, %select_n3A_755 : vector<16xi1>, vector<16xi32>
      %eq3A_767 = arith.constant 3 : i32
      %eq3A_768 = vector.broadcast %eq3A_767 : i32 to vector<16xi32>
      %eq3A_769 = arith.cmpi eq, %select_n3A_729, %eq3A_768 : vector<16xi32>
      %jit3A_770 = arith.constant -1.000000e+30 : f32
      %broadcast_in_dim3A_771 = vector.broadcast %jit3A_770 : f32 to vector<16xf32>
      %select_n3A_772 = arith.select %eq3A_769, %broadcast_in_dim3A_771, %get3A_672 : vector<16xi1>, vector<16xf32>
      %gt3A_773 = arith.cmpf ogt, %select_n3A_772, %select_n3A_763 : vector<16xf32>
      %select_n3A_774 = arith.select %gt3A_773, %select_n3A_772, %select_n3A_763 : vector<16xi1>, vector<16xf32>
      %jit3A_775 = arith.constant 3 : i32
      %broadcast_in_dim3A_776 = vector.broadcast %jit3A_775 : i32 to vector<16xi32>
      %select_n3A_777 = arith.select %gt3A_773, %broadcast_in_dim3A_776, %select_n3A_766 : vector<16xi1>, vector<16xi32>
      %eq3A_778 = arith.constant 4 : i32
      %eq3A_779 = vector.broadcast %eq3A_778 : i32 to vector<16xi32>
      %eq3A_780 = arith.cmpi eq, %select_n3A_729, %eq3A_779 : vector<16xi32>
      %jit3A_781 = arith.constant -1.000000e+30 : f32
      %broadcast_in_dim3A_782 = vector.broadcast %jit3A_781 : f32 to vector<16xf32>
      %select_n3A_783 = arith.select %eq3A_780, %broadcast_in_dim3A_782, %get3A_677 : vector<16xi1>, vector<16xf32>
      %gt3A_784 = arith.cmpf ogt, %select_n3A_783, %select_n3A_774 : vector<16xf32>
      %select_n3A_785 = arith.select %gt3A_784, %select_n3A_783, %select_n3A_774 : vector<16xi1>, vector<16xf32>
      %jit3A_786 = arith.constant 4 : i32
      %broadcast_in_dim3A_787 = vector.broadcast %jit3A_786 : i32 to vector<16xi32>
      %select_n3A_788 = arith.select %gt3A_784, %broadcast_in_dim3A_787, %select_n3A_777 : vector<16xi1>, vector<16xi32>
      %eq3A_789 = arith.constant 5 : i32
      %eq3A_790 = vector.broadcast %eq3A_789 : i32 to vector<16xi32>
      %eq3A_791 = arith.cmpi eq, %select_n3A_729, %eq3A_790 : vector<16xi32>
      %jit3A_792 = arith.constant -1.000000e+30 : f32
      %broadcast_in_dim3A_793 = vector.broadcast %jit3A_792 : f32 to vector<16xf32>
      %select_n3A_794 = arith.select %eq3A_791, %broadcast_in_dim3A_793, %get3A_682 : vector<16xi1>, vector<16xf32>
      %gt3A_795 = arith.cmpf ogt, %select_n3A_794, %select_n3A_785 : vector<16xf32>
      %select_n3A_796 = arith.select %gt3A_795, %select_n3A_794, %select_n3A_785 : vector<16xi1>, vector<16xf32>
      %jit3A_797 = arith.constant 5 : i32
      %broadcast_in_dim3A_798 = vector.broadcast %jit3A_797 : i32 to vector<16xi32>
      %select_n3A_799 = arith.select %gt3A_795, %broadcast_in_dim3A_798, %select_n3A_788 : vector<16xi1>, vector<16xi32>
      %eq3A_800 = arith.constant 6 : i32
      %eq3A_801 = vector.broadcast %eq3A_800 : i32 to vector<16xi32>
      %eq3A_802 = arith.cmpi eq, %select_n3A_729, %eq3A_801 : vector<16xi32>
      %jit3A_803 = arith.constant -1.000000e+30 : f32
      %broadcast_in_dim3A_804 = vector.broadcast %jit3A_803 : f32 to vector<16xf32>
      %select_n3A_805 = arith.select %eq3A_802, %broadcast_in_dim3A_804, %get3A_687 : vector<16xi1>, vector<16xf32>
      %gt3A_806 = arith.cmpf ogt, %select_n3A_805, %select_n3A_796 : vector<16xf32>
      %select_n3A_807 = arith.select %gt3A_806, %select_n3A_805, %select_n3A_796 : vector<16xi1>, vector<16xf32>
      %jit3A_808 = arith.constant 6 : i32
      %broadcast_in_dim3A_809 = vector.broadcast %jit3A_808 : i32 to vector<16xi32>
      %select_n3A_810 = arith.select %gt3A_806, %broadcast_in_dim3A_809, %select_n3A_799 : vector<16xi1>, vector<16xi32>
      %eq3A_811 = arith.constant 7 : i32
      %eq3A_812 = vector.broadcast %eq3A_811 : i32 to vector<16xi32>
      %eq3A_813 = arith.cmpi eq, %select_n3A_729, %eq3A_812 : vector<16xi32>
      %jit3A_814 = arith.constant -1.000000e+30 : f32
      %broadcast_in_dim3A_815 = vector.broadcast %jit3A_814 : f32 to vector<16xf32>
      %select_n3A_816 = arith.select %eq3A_813, %broadcast_in_dim3A_815, %get3A_692 : vector<16xi1>, vector<16xf32>
      %gt3A_817 = arith.cmpf ogt, %select_n3A_816, %select_n3A_807 : vector<16xf32>
      %select_n3A_818 = arith.select %gt3A_817, %select_n3A_816, %select_n3A_807 : vector<16xi1>, vector<16xf32>
      %jit3A_819 = arith.constant 7 : i32
      %broadcast_in_dim3A_820 = vector.broadcast %jit3A_819 : i32 to vector<16xi32>
      %select_n3A_821 = arith.select %gt3A_817, %broadcast_in_dim3A_820, %select_n3A_810 : vector<16xi1>, vector<16xi32>
      %broadcast_in_dim3A_822 = arith.constant 0.000000e+00 : f32
      %broadcast_in_dim3A_823 = vector.broadcast %broadcast_in_dim3A_822 : f32 to vector<16xf32>
      %sub3A_824 = arith.subf %get3A_657, %select_n3A_726 : vector<16xf32>
      %exp3A_825 = math.exp %sub3A_824 : vector<16xf32>
      %add3A_826 = arith.addf %broadcast_in_dim3A_823, %exp3A_825 : vector<16xf32>
      %sub3A_827 = arith.subf %get3A_662, %select_n3A_726 : vector<16xf32>
      %exp3A_828 = math.exp %sub3A_827 : vector<16xf32>
      %add3A_829 = arith.addf %add3A_826, %exp3A_828 : vector<16xf32>
      %sub3A_830 = arith.subf %get3A_667, %select_n3A_726 : vector<16xf32>
      %exp3A_831 = math.exp %sub3A_830 : vector<16xf32>
      %add3A_832 = arith.addf %add3A_829, %exp3A_831 : vector<16xf32>
      %sub3A_833 = arith.subf %get3A_672, %select_n3A_726 : vector<16xf32>
      %exp3A_834 = math.exp %sub3A_833 : vector<16xf32>
      %add3A_835 = arith.addf %add3A_832, %exp3A_834 : vector<16xf32>
      %sub3A_836 = arith.subf %get3A_677, %select_n3A_726 : vector<16xf32>
      %exp3A_837 = math.exp %sub3A_836 : vector<16xf32>
      %add3A_838 = arith.addf %add3A_835, %exp3A_837 : vector<16xf32>
      %sub3A_839 = arith.subf %get3A_682, %select_n3A_726 : vector<16xf32>
      %exp3A_840 = math.exp %sub3A_839 : vector<16xf32>
      %add3A_841 = arith.addf %add3A_838, %exp3A_840 : vector<16xf32>
      %sub3A_842 = arith.subf %get3A_687, %select_n3A_726 : vector<16xf32>
      %exp3A_843 = math.exp %sub3A_842 : vector<16xf32>
      %add3A_844 = arith.addf %add3A_841, %exp3A_843 : vector<16xf32>
      %sub3A_845 = arith.subf %get3A_692, %select_n3A_726 : vector<16xf32>
      %exp3A_846 = math.exp %sub3A_845 : vector<16xf32>
      %add3A_847 = arith.addf %add3A_844, %exp3A_846 : vector<16xf32>
      %div3A_848 = arith.constant 1.000000e+00 : f32
      %div3A_849 = vector.broadcast %div3A_848 : f32 to vector<16xf32>
      %div3A_850 = arith.divf %div3A_849, %add3A_847 : vector<16xf32>
      %sub3A_851 = arith.subf %select_n3A_818, %select_n3A_726 : vector<16xf32>
      %exp3A_852 = math.exp %sub3A_851 : vector<16xf32>
      %div3A_853 = arith.divf %exp3A_852, %add3A_847 : vector<16xf32>
      %eq3A_854 = arith.constant 0 : i32
      %eq3A_855 = vector.broadcast %eq3A_854 : i32 to vector<16xi32>
      %eq3A_856 = arith.cmpi eq, %select_n3A_729, %eq3A_855 : vector<16xi32>
      %eq3A_857 = arith.constant 0 : i32
      %eq3A_858 = vector.broadcast %eq3A_857 : i32 to vector<16xi32>
      %eq3A_859 = arith.cmpi eq, %select_n3A_821, %eq3A_858 : vector<16xi32>
      %jit3A_860 = arith.constant 0.000000e+00 : f32
      %broadcast_in_dim3A_861 = vector.broadcast %jit3A_860 : f32 to vector<16xf32>
      %select_n3A_862 = arith.select %eq3A_859, %div3A_853, %broadcast_in_dim3A_861 : vector<16xi1>, vector<16xf32>
      %select_n3A_863 = arith.select %eq3A_856, %div3A_850, %select_n3A_862 : vector<16xi1>, vector<16xf32>
      %swap3A_864 = arith.constant 0 : i32
      %swap3A_865 = arith.index_cast %swap3A_864 : i32 to index
      %swap3A_866 = arith.constant 32 : index
      %swap3A_867 = tpu.vector_load %arg5[%swap3A_865, %swap3A_866] {strides = array<i32>} : memref<8x128xf32, #tpu.memory_space<vmem>>, vector<1x16xf32>,
      %swap3A_868 = vector.shape_cast %swap3A_867 : vector<1x16xf32> to vector<16xf32>
      %swap3A_869 = vector.shape_cast %select_n3A_863 : vector<16xf32> to vector<1x16xf32>
      tpu.vector_store %arg5[%swap3A_865, %swap3A_866], %swap3A_869 {strides = array<i32>} : memref<8x128xf32, #tpu.memory_space<vmem>>, vector<1x16xf32>,
      %eq3A_870 = arith.constant 1 : i32
      %eq3A_871 = vector.broadcast %eq3A_870 : i32 to vector<16xi32>
      %eq3A_872 = arith.cmpi eq, %select_n3A_729, %eq3A_871 : vector<16xi32>
      %eq3A_873 = arith.constant 1 : i32
      %eq3A_874 = vector.broadcast %eq3A_873 : i32 to vector<16xi32>
      %eq3A_875 = arith.cmpi eq, %select_n3A_821, %eq3A_874 : vector<16xi32>
      %jit3A_876 = arith.constant 0.000000e+00 : f32
      %broadcast_in_dim3A_877 = vector.broadcast %jit3A_876 : f32 to vector<16xf32>
      %select_n3A_878 = arith.select %eq3A_875, %div3A_853, %broadcast_in_dim3A_877 : vector<16xi1>, vector<16xf32>
      %select_n3A_879 = arith.select %eq3A_872, %div3A_850, %select_n3A_878 : vector<16xi1>, vector<16xf32>
      %swap3A_880 = arith.constant 1 : i32
      %swap3A_881 = arith.index_cast %swap3A_880 : i32 to index
      %swap3A_882 = arith.constant 32 : index
      %swap3A_883 = tpu.vector_load %arg5[%swap3A_881, %swap3A_882] {strides = array<i32>} : memref<8x128xf32, #tpu.memory_space<vmem>>, vector<1x16xf32>,
      %swap3A_884 = vector.shape_cast %swap3A_883 : vector<1x16xf32> to vector<16xf32>
      %swap3A_885 = vector.shape_cast %select_n3A_879 : vector<16xf32> to vector<1x16xf32>
      tpu.vector_store %arg5[%swap3A_881, %swap3A_882], %swap3A_885 {strides = array<i32>} : memref<8x128xf32, #tpu.memory_space<vmem>>, vector<1x16xf32>,
      %eq3A_886 = arith.constant 2 : i32
      %eq3A_887 = vector.broadcast %eq3A_886 : i32 to vector<16xi32>
      %eq3A_888 = arith.cmpi eq, %select_n3A_729, %eq3A_887 : vector<16xi32>
      %eq3A_889 = arith.constant 2 : i32
      %eq3A_890 = vector.broadcast %eq3A_889 : i32 to vector<16xi32>
      %eq3A_891 = arith.cmpi eq, %select_n3A_821, %eq3A_890 : vector<16xi32>
      %jit3A_892 = arith.constant 0.000000e+00 : f32
      %broadcast_in_dim3A_893 = vector.broadcast %jit3A_892 : f32 to vector<16xf32>
      %select_n3A_894 = arith.select %eq3A_891, %div3A_853, %broadcast_in_dim3A_893 : vector<16xi1>, vector<16xf32>
      %select_n3A_895 = arith.select %eq3A_888, %div3A_850, %select_n3A_894 : vector<16xi1>, vector<16xf32>
      %swap3A_896 = arith.constant 2 : i32
      %swap3A_897 = arith.index_cast %swap3A_896 : i32 to index
      %swap3A_898 = arith.constant 32 : index
      %swap3A_899 = tpu.vector_load %arg5[%swap3A_897, %swap3A_898] {strides = array<i32>} : memref<8x128xf32, #tpu.memory_space<vmem>>, vector<1x16xf32>,
      %swap3A_900 = vector.shape_cast %swap3A_899 : vector<1x16xf32> to vector<16xf32>
      %swap3A_901 = vector.shape_cast %select_n3A_895 : vector<16xf32> to vector<1x16xf32>
      tpu.vector_store %arg5[%swap3A_897, %swap3A_898], %swap3A_901 {strides = array<i32>} : memref<8x128xf32, #tpu.memory_space<vmem>>, vector<1x16xf32>,
      %eq3A_902 = arith.constant 3 : i32
      %eq3A_903 = vector.broadcast %eq3A_902 : i32 to vector<16xi32>
      %eq3A_904 = arith.cmpi eq, %select_n3A_729, %eq3A_903 : vector<16xi32>
      %eq3A_905 = arith.constant 3 : i32
      %eq3A_906 = vector.broadcast %eq3A_905 : i32 to vector<16xi32>
      %eq3A_907 = arith.cmpi eq, %select_n3A_821, %eq3A_906 : vector<16xi32>
      %jit3A_908 = arith.constant 0.000000e+00 : f32
      %broadcast_in_dim3A_909 = vector.broadcast %jit3A_908 : f32 to vector<16xf32>
      %select_n3A_910 = arith.select %eq3A_907, %div3A_853, %broadcast_in_dim3A_909 : vector<16xi1>, vector<16xf32>
      %select_n3A_911 = arith.select %eq3A_904, %div3A_850, %select_n3A_910 : vector<16xi1>, vector<16xf32>
      %swap3A_912 = arith.constant 3 : i32
      %swap3A_913 = arith.index_cast %swap3A_912 : i32 to index
      %swap3A_914 = arith.constant 32 : index
      %swap3A_915 = tpu.vector_load %arg5[%swap3A_913, %swap3A_914] {strides = array<i32>} : memref<8x128xf32, #tpu.memory_space<vmem>>, vector<1x16xf32>,
      %swap3A_916 = vector.shape_cast %swap3A_915 : vector<1x16xf32> to vector<16xf32>
      %swap3A_917 = vector.shape_cast %select_n3A_911 : vector<16xf32> to vector<1x16xf32>
      tpu.vector_store %arg5[%swap3A_913, %swap3A_914], %swap3A_917 {strides = array<i32>} : memref<8x128xf32, #tpu.memory_space<vmem>>, vector<1x16xf32>,
      %eq3A_918 = arith.constant 4 : i32
      %eq3A_919 = vector.broadcast %eq3A_918 : i32 to vector<16xi32>
      %eq3A_920 = arith.cmpi eq, %select_n3A_729, %eq3A_919 : vector<16xi32>
      %eq3A_921 = arith.constant 4 : i32
      %eq3A_922 = vector.broadcast %eq3A_921 : i32 to vector<16xi32>
      %eq3A_923 = arith.cmpi eq, %select_n3A_821, %eq3A_922 : vector<16xi32>
      %jit3A_924 = arith.constant 0.000000e+00 : f32
      %broadcast_in_dim3A_925 = vector.broadcast %jit3A_924 : f32 to vector<16xf32>
      %select_n3A_926 = arith.select %eq3A_923, %div3A_853, %broadcast_in_dim3A_925 : vector<16xi1>, vector<16xf32>
      %select_n3A_927 = arith.select %eq3A_920, %div3A_850, %select_n3A_926 : vector<16xi1>, vector<16xf32>
      %swap3A_928 = arith.constant 4 : i32
      %swap3A_929 = arith.index_cast %swap3A_928 : i32 to index
      %swap3A_930 = arith.constant 32 : index
      %swap3A_931 = tpu.vector_load %arg5[%swap3A_929, %swap3A_930] {strides = array<i32>} : memref<8x128xf32, #tpu.memory_space<vmem>>, vector<1x16xf32>,
      %swap3A_932 = vector.shape_cast %swap3A_931 : vector<1x16xf32> to vector<16xf32>
      %swap3A_933 = vector.shape_cast %select_n3A_927 : vector<16xf32> to vector<1x16xf32>
      tpu.vector_store %arg5[%swap3A_929, %swap3A_930], %swap3A_933 {strides = array<i32>} : memref<8x128xf32, #tpu.memory_space<vmem>>, vector<1x16xf32>,
      %eq3A_934 = arith.constant 5 : i32
      %eq3A_935 = vector.broadcast %eq3A_934 : i32 to vector<16xi32>
      %eq3A_936 = arith.cmpi eq, %select_n3A_729, %eq3A_935 : vector<16xi32>
      %eq3A_937 = arith.constant 5 : i32
      %eq3A_938 = vector.broadcast %eq3A_937 : i32 to vector<16xi32>
      %eq3A_939 = arith.cmpi eq, %select_n3A_821, %eq3A_938 : vector<16xi32>
      %jit3A_940 = arith.constant 0.000000e+00 : f32
      %broadcast_in_dim3A_941 = vector.broadcast %jit3A_940 : f32 to vector<16xf32>
      %select_n3A_942 = arith.select %eq3A_939, %div3A_853, %broadcast_in_dim3A_941 : vector<16xi1>, vector<16xf32>
      %select_n3A_943 = arith.select %eq3A_936, %div3A_850, %select_n3A_942 : vector<16xi1>, vector<16xf32>
      %swap3A_944 = arith.constant 5 : i32
      %swap3A_945 = arith.index_cast %swap3A_944 : i32 to index
      %swap3A_946 = arith.constant 32 : index
      %swap3A_947 = tpu.vector_load %arg5[%swap3A_945, %swap3A_946] {strides = array<i32>} : memref<8x128xf32, #tpu.memory_space<vmem>>, vector<1x16xf32>,
      %swap3A_948 = vector.shape_cast %swap3A_947 : vector<1x16xf32> to vector<16xf32>
      %swap3A_949 = vector.shape_cast %select_n3A_943 : vector<16xf32> to vector<1x16xf32>
      tpu.vector_store %arg5[%swap3A_945, %swap3A_946], %swap3A_949 {strides = array<i32>} : memref<8x128xf32, #tpu.memory_space<vmem>>, vector<1x16xf32>,
      %eq3A_950 = arith.constant 6 : i32
      %eq3A_951 = vector.broadcast %eq3A_950 : i32 to vector<16xi32>
      %eq3A_952 = arith.cmpi eq, %select_n3A_729, %eq3A_951 : vector<16xi32>
      %eq3A_953 = arith.constant 6 : i32
      %eq3A_954 = vector.broadcast %eq3A_953 : i32 to vector<16xi32>
      %eq3A_955 = arith.cmpi eq, %select_n3A_821, %eq3A_954 : vector<16xi32>
      %jit3A_956 = arith.constant 0.000000e+00 : f32
      %broadcast_in_dim3A_957 = vector.broadcast %jit3A_956 : f32 to vector<16xf32>
      %select_n3A_958 = arith.select %eq3A_955, %div3A_853, %broadcast_in_dim3A_957 : vector<16xi1>, vector<16xf32>
      %select_n3A_959 = arith.select %eq3A_952, %div3A_850, %select_n3A_958 : vector<16xi1>, vector<16xf32>
      %swap3A_960 = arith.constant 6 : i32
      %swap3A_961 = arith.index_cast %swap3A_960 : i32 to index
      %swap3A_962 = arith.constant 32 : index
      %swap3A_963 = tpu.vector_load %arg5[%swap3A_961, %swap3A_962] {strides = array<i32>} : memref<8x128xf32, #tpu.memory_space<vmem>>, vector<1x16xf32>,
      %swap3A_964 = vector.shape_cast %swap3A_963 : vector<1x16xf32> to vector<16xf32>
      %swap3A_965 = vector.shape_cast %select_n3A_959 : vector<16xf32> to vector<1x16xf32>
      tpu.vector_store %arg5[%swap3A_961, %swap3A_962], %swap3A_965 {strides = array<i32>} : memref<8x128xf32, #tpu.memory_space<vmem>>, vector<1x16xf32>,
      %eq3A_966 = arith.constant 7 : i32
      %eq3A_967 = vector.broadcast %eq3A_966 : i32 to vector<16xi32>
      %eq3A_968 = arith.cmpi eq, %select_n3A_729, %eq3A_967 : vector<16xi32>
      %eq3A_969 = arith.constant 7 : i32
      %eq3A_970 = vector.broadcast %eq3A_969 : i32 to vector<16xi32>
      %eq3A_971 = arith.cmpi eq, %select_n3A_821, %eq3A_970 : vector<16xi32>
      %jit3A_972 = arith.constant 0.000000e+00 : f32
      %broadcast_in_dim3A_973 = vector.broadcast %jit3A_972 : f32 to vector<16xf32>
      %select_n3A_974 = arith.select %eq3A_971, %div3A_853, %broadcast_in_dim3A_973 : vector<16xi1>, vector<16xf32>
      %select_n3A_975 = arith.select %eq3A_968, %div3A_850, %select_n3A_974 : vector<16xi1>, vector<16xf32>
      %swap3A_976 = arith.constant 7 : i32
      %swap3A_977 = arith.index_cast %swap3A_976 : i32 to index
      %swap3A_978 = arith.constant 32 : index
      %swap3A_979 = tpu.vector_load %arg5[%swap3A_977, %swap3A_978] {strides = array<i32>} : memref<8x128xf32, #tpu.memory_space<vmem>>, vector<1x16xf32>,
      %swap3A_980 = vector.shape_cast %swap3A_979 : vector<1x16xf32> to vector<16xf32>
      %swap3A_981 = vector.shape_cast %select_n3A_975 : vector<16xf32> to vector<1x16xf32>
      tpu.vector_store %arg5[%swap3A_977, %swap3A_978], %swap3A_981 {strides = array<i32>} : memref<8x128xf32, #tpu.memory_space<vmem>>, vector<1x16xf32>,
      %get3A_982 = arith.constant 0 : i32
      %get3A_983 = arith.index_cast %get3A_982 : i32 to index
      %get3A_984 = arith.constant 48 : index
      %get3A_985 = tpu.vector_load %arg4[%get3A_983, %get3A_984] {strides = array<i32>} : memref<8x128xf32, #tpu.memory_space<vmem>>, vector<1x16xf32>,
      %get3A_986 = vector.shape_cast %get3A_985 : vector<1x16xf32> to vector<16xf32>
      %get3A_987 = arith.constant 1 : i32
      %get3A_988 = arith.index_cast %get3A_987 : i32 to index
      %get3A_989 = arith.constant 48 : index
      %get3A_990 = tpu.vector_load %arg4[%get3A_988, %get3A_989] {strides = array<i32>} : memref<8x128xf32, #tpu.memory_space<vmem>>, vector<1x16xf32>,
      %get3A_991 = vector.shape_cast %get3A_990 : vector<1x16xf32> to vector<16xf32>
      %get3A_992 = arith.constant 2 : i32
      %get3A_993 = arith.index_cast %get3A_992 : i32 to index
      %get3A_994 = arith.constant 48 : index
      %get3A_995 = tpu.vector_load %arg4[%get3A_993, %get3A_994] {strides = array<i32>} : memref<8x128xf32, #tpu.memory_space<vmem>>, vector<1x16xf32>,
      %get3A_996 = vector.shape_cast %get3A_995 : vector<1x16xf32> to vector<16xf32>
      %get3A_997 = arith.constant 3 : i32
      %get3A_998 = arith.index_cast %get3A_997 : i32 to index
      %get3A_999 = arith.constant 48 : index
      %get3A_1000 = tpu.vector_load %arg4[%get3A_998, %get3A_999] {strides = array<i32>} : memref<8x128xf32, #tpu.memory_space<vmem>>, vector<1x16xf32>,
      %get3A_1001 = vector.shape_cast %get3A_1000 : vector<1x16xf32> to vector<16xf32>
      %get3A_1002 = arith.constant 4 : i32
      %get3A_1003 = arith.index_cast %get3A_1002 : i32 to index
      %get3A_1004 = arith.constant 48 : index
      %get3A_1005 = tpu.vector_load %arg4[%get3A_1003, %get3A_1004] {strides = array<i32>} : memref<8x128xf32, #tpu.memory_space<vmem>>, vector<1x16xf32>,
      %get3A_1006 = vector.shape_cast %get3A_1005 : vector<1x16xf32> to vector<16xf32>
      %get3A_1007 = arith.constant 5 : i32
      %get3A_1008 = arith.index_cast %get3A_1007 : i32 to index
      %get3A_1009 = arith.constant 48 : index
      %get3A_1010 = tpu.vector_load %arg4[%get3A_1008, %get3A_1009] {strides = array<i32>} : memref<8x128xf32, #tpu.memory_space<vmem>>, vector<1x16xf32>,
      %get3A_1011 = vector.shape_cast %get3A_1010 : vector<1x16xf32> to vector<16xf32>
      %get3A_1012 = arith.constant 6 : i32
      %get3A_1013 = arith.index_cast %get3A_1012 : i32 to index
      %get3A_1014 = arith.constant 48 : index
      %get3A_1015 = tpu.vector_load %arg4[%get3A_1013, %get3A_1014] {strides = array<i32>} : memref<8x128xf32, #tpu.memory_space<vmem>>, vector<1x16xf32>,
      %get3A_1016 = vector.shape_cast %get3A_1015 : vector<1x16xf32> to vector<16xf32>
      %get3A_1017 = arith.constant 7 : i32
      %get3A_1018 = arith.index_cast %get3A_1017 : i32 to index
      %get3A_1019 = arith.constant 48 : index
      %get3A_1020 = tpu.vector_load %arg4[%get3A_1018, %get3A_1019] {strides = array<i32>} : memref<8x128xf32, #tpu.memory_space<vmem>>, vector<1x16xf32>,
      %get3A_1021 = vector.shape_cast %get3A_1020 : vector<1x16xf32> to vector<16xf32>
      %broadcast_in_dim3A_1022 = arith.constant 0 : i32
      %broadcast_in_dim3A_1023 = vector.broadcast %broadcast_in_dim3A_1022 : i32 to vector<16xi32>
      %gt3A_1024 = arith.cmpf ogt, %get3A_991, %get3A_986 : vector<16xf32>
      %select_n3A_1025 = arith.select %gt3A_1024, %get3A_991, %get3A_986 : vector<16xi1>, vector<16xf32>
      %jit3A_1026 = arith.constant 1 : i32
      %broadcast_in_dim3A_1027 = vector.broadcast %jit3A_1026 : i32 to vector<16xi32>
      %select_n3A_1028 = arith.select %gt3A_1024, %broadcast_in_dim3A_1027, %broadcast_in_dim3A_1023 : vector<16xi1>, vector<16xi32>
      %gt3A_1029 = arith.cmpf ogt, %get3A_996, %select_n3A_1025 : vector<16xf32>
      %select_n3A_1030 = arith.select %gt3A_1029, %get3A_996, %select_n3A_1025 : vector<16xi1>, vector<16xf32>
      %jit3A_1031 = arith.constant 2 : i32
      %broadcast_in_dim3A_1032 = vector.broadcast %jit3A_1031 : i32 to vector<16xi32>
      %select_n3A_1033 = arith.select %gt3A_1029, %broadcast_in_dim3A_1032, %select_n3A_1028 : vector<16xi1>, vector<16xi32>
      %gt3A_1034 = arith.cmpf ogt, %get3A_1001, %select_n3A_1030 : vector<16xf32>
      %select_n3A_1035 = arith.select %gt3A_1034, %get3A_1001, %select_n3A_1030 : vector<16xi1>, vector<16xf32>
      %jit3A_1036 = arith.constant 3 : i32
      %broadcast_in_dim3A_1037 = vector.broadcast %jit3A_1036 : i32 to vector<16xi32>
      %select_n3A_1038 = arith.select %gt3A_1034, %broadcast_in_dim3A_1037, %select_n3A_1033 : vector<16xi1>, vector<16xi32>
      %gt3A_1039 = arith.cmpf ogt, %get3A_1006, %select_n3A_1035 : vector<16xf32>
      %select_n3A_1040 = arith.select %gt3A_1039, %get3A_1006, %select_n3A_1035 : vector<16xi1>, vector<16xf32>
      %jit3A_1041 = arith.constant 4 : i32
      %broadcast_in_dim3A_1042 = vector.broadcast %jit3A_1041 : i32 to vector<16xi32>
      %select_n3A_1043 = arith.select %gt3A_1039, %broadcast_in_dim3A_1042, %select_n3A_1038 : vector<16xi1>, vector<16xi32>
      %gt3A_1044 = arith.cmpf ogt, %get3A_1011, %select_n3A_1040 : vector<16xf32>
      %select_n3A_1045 = arith.select %gt3A_1044, %get3A_1011, %select_n3A_1040 : vector<16xi1>, vector<16xf32>
      %jit3A_1046 = arith.constant 5 : i32
      %broadcast_in_dim3A_1047 = vector.broadcast %jit3A_1046 : i32 to vector<16xi32>
      %select_n3A_1048 = arith.select %gt3A_1044, %broadcast_in_dim3A_1047, %select_n3A_1043 : vector<16xi1>, vector<16xi32>
      %gt3A_1049 = arith.cmpf ogt, %get3A_1016, %select_n3A_1045 : vector<16xf32>
      %select_n3A_1050 = arith.select %gt3A_1049, %get3A_1016, %select_n3A_1045 : vector<16xi1>, vector<16xf32>
      %jit3A_1051 = arith.constant 6 : i32
      %broadcast_in_dim3A_1052 = vector.broadcast %jit3A_1051 : i32 to vector<16xi32>
      %select_n3A_1053 = arith.select %gt3A_1049, %broadcast_in_dim3A_1052, %select_n3A_1048 : vector<16xi1>, vector<16xi32>
      %gt3A_1054 = arith.cmpf ogt, %get3A_1021, %select_n3A_1050 : vector<16xf32>
      %select_n3A_1055 = arith.select %gt3A_1054, %get3A_1021, %select_n3A_1050 : vector<16xi1>, vector<16xf32>
      %jit3A_1056 = arith.constant 7 : i32
      %broadcast_in_dim3A_1057 = vector.broadcast %jit3A_1056 : i32 to vector<16xi32>
      %select_n3A_1058 = arith.select %gt3A_1054, %broadcast_in_dim3A_1057, %select_n3A_1053 : vector<16xi1>, vector<16xi32>
      %broadcast_in_dim3A_1059 = arith.constant -1.000000e+30 : f32
      %broadcast_in_dim3A_1060 = vector.broadcast %broadcast_in_dim3A_1059 : f32 to vector<16xf32>
      %broadcast_in_dim3A_1061 = arith.constant 8 : i32
      %broadcast_in_dim3A_1062 = vector.broadcast %broadcast_in_dim3A_1061 : i32 to vector<16xi32>
      %eq3A_1063 = arith.constant 0 : i32
      %eq3A_1064 = vector.broadcast %eq3A_1063 : i32 to vector<16xi32>
      %eq3A_1065 = arith.cmpi eq, %select_n3A_1058, %eq3A_1064 : vector<16xi32>
      %jit3A_1066 = arith.constant -1.000000e+30 : f32
      %broadcast_in_dim3A_1067 = vector.broadcast %jit3A_1066 : f32 to vector<16xf32>
      %select_n3A_1068 = arith.select %eq3A_1065, %broadcast_in_dim3A_1067, %get3A_986 : vector<16xi1>, vector<16xf32>
      %gt3A_1069 = arith.cmpf ogt, %select_n3A_1068, %broadcast_in_dim3A_1060 : vector<16xf32>
      %select_n3A_1070 = arith.select %gt3A_1069, %select_n3A_1068, %broadcast_in_dim3A_1060 : vector<16xi1>, vector<16xf32>
      %jit3A_1071 = arith.constant 0 : i32
      %broadcast_in_dim3A_1072 = vector.broadcast %jit3A_1071 : i32 to vector<16xi32>
      %select_n3A_1073 = arith.select %gt3A_1069, %broadcast_in_dim3A_1072, %broadcast_in_dim3A_1062 : vector<16xi1>, vector<16xi32>
      %eq3A_1074 = arith.constant 1 : i32
      %eq3A_1075 = vector.broadcast %eq3A_1074 : i32 to vector<16xi32>
      %eq3A_1076 = arith.cmpi eq, %select_n3A_1058, %eq3A_1075 : vector<16xi32>
      %jit3A_1077 = arith.constant -1.000000e+30 : f32
      %broadcast_in_dim3A_1078 = vector.broadcast %jit3A_1077 : f32 to vector<16xf32>
      %select_n3A_1079 = arith.select %eq3A_1076, %broadcast_in_dim3A_1078, %get3A_991 : vector<16xi1>, vector<16xf32>
      %gt3A_1080 = arith.cmpf ogt, %select_n3A_1079, %select_n3A_1070 : vector<16xf32>
      %select_n3A_1081 = arith.select %gt3A_1080, %select_n3A_1079, %select_n3A_1070 : vector<16xi1>, vector<16xf32>
      %jit3A_1082 = arith.constant 1 : i32
      %broadcast_in_dim3A_1083 = vector.broadcast %jit3A_1082 : i32 to vector<16xi32>
      %select_n3A_1084 = arith.select %gt3A_1080, %broadcast_in_dim3A_1083, %select_n3A_1073 : vector<16xi1>, vector<16xi32>
      %eq3A_1085 = arith.constant 2 : i32
      %eq3A_1086 = vector.broadcast %eq3A_1085 : i32 to vector<16xi32>
      %eq3A_1087 = arith.cmpi eq, %select_n3A_1058, %eq3A_1086 : vector<16xi32>
      %jit3A_1088 = arith.constant -1.000000e+30 : f32
      %broadcast_in_dim3A_1089 = vector.broadcast %jit3A_1088 : f32 to vector<16xf32>
      %select_n3A_1090 = arith.select %eq3A_1087, %broadcast_in_dim3A_1089, %get3A_996 : vector<16xi1>, vector<16xf32>
      %gt3A_1091 = arith.cmpf ogt, %select_n3A_1090, %select_n3A_1081 : vector<16xf32>
      %select_n3A_1092 = arith.select %gt3A_1091, %select_n3A_1090, %select_n3A_1081 : vector<16xi1>, vector<16xf32>
      %jit3A_1093 = arith.constant 2 : i32
      %broadcast_in_dim3A_1094 = vector.broadcast %jit3A_1093 : i32 to vector<16xi32>
      %select_n3A_1095 = arith.select %gt3A_1091, %broadcast_in_dim3A_1094, %select_n3A_1084 : vector<16xi1>, vector<16xi32>
      %eq3A_1096 = arith.constant 3 : i32
      %eq3A_1097 = vector.broadcast %eq3A_1096 : i32 to vector<16xi32>
      %eq3A_1098 = arith.cmpi eq, %select_n3A_1058, %eq3A_1097 : vector<16xi32>
      %jit3A_1099 = arith.constant -1.000000e+30 : f32
      %broadcast_in_dim3A_1100 = vector.broadcast %jit3A_1099 : f32 to vector<16xf32>
      %select_n3A_1101 = arith.select %eq3A_1098, %broadcast_in_dim3A_1100, %get3A_1001 : vector<16xi1>, vector<16xf32>
      %gt3A_1102 = arith.cmpf ogt, %select_n3A_1101, %select_n3A_1092 : vector<16xf32>
      %select_n3A_1103 = arith.select %gt3A_1102, %select_n3A_1101, %select_n3A_1092 : vector<16xi1>, vector<16xf32>
      %jit3A_1104 = arith.constant 3 : i32
      %broadcast_in_dim3A_1105 = vector.broadcast %jit3A_1104 : i32 to vector<16xi32>
      %select_n3A_1106 = arith.select %gt3A_1102, %broadcast_in_dim3A_1105, %select_n3A_1095 : vector<16xi1>, vector<16xi32>
      %eq3A_1107 = arith.constant 4 : i32
      %eq3A_1108 = vector.broadcast %eq3A_1107 : i32 to vector<16xi32>
      %eq3A_1109 = arith.cmpi eq, %select_n3A_1058, %eq3A_1108 : vector<16xi32>
      %jit3A_1110 = arith.constant -1.000000e+30 : f32
      %broadcast_in_dim3A_1111 = vector.broadcast %jit3A_1110 : f32 to vector<16xf32>
      %select_n3A_1112 = arith.select %eq3A_1109, %broadcast_in_dim3A_1111, %get3A_1006 : vector<16xi1>, vector<16xf32>
      %gt3A_1113 = arith.cmpf ogt, %select_n3A_1112, %select_n3A_1103 : vector<16xf32>
      %select_n3A_1114 = arith.select %gt3A_1113, %select_n3A_1112, %select_n3A_1103 : vector<16xi1>, vector<16xf32>
      %jit3A_1115 = arith.constant 4 : i32
      %broadcast_in_dim3A_1116 = vector.broadcast %jit3A_1115 : i32 to vector<16xi32>
      %select_n3A_1117 = arith.select %gt3A_1113, %broadcast_in_dim3A_1116, %select_n3A_1106 : vector<16xi1>, vector<16xi32>
      %eq3A_1118 = arith.constant 5 : i32
      %eq3A_1119 = vector.broadcast %eq3A_1118 : i32 to vector<16xi32>
      %eq3A_1120 = arith.cmpi eq, %select_n3A_1058, %eq3A_1119 : vector<16xi32>
      %jit3A_1121 = arith.constant -1.000000e+30 : f32
      %broadcast_in_dim3A_1122 = vector.broadcast %jit3A_1121 : f32 to vector<16xf32>
      %select_n3A_1123 = arith.select %eq3A_1120, %broadcast_in_dim3A_1122, %get3A_1011 : vector<16xi1>, vector<16xf32>
      %gt3A_1124 = arith.cmpf ogt, %select_n3A_1123, %select_n3A_1114 : vector<16xf32>
      %select_n3A_1125 = arith.select %gt3A_1124, %select_n3A_1123, %select_n3A_1114 : vector<16xi1>, vector<16xf32>
      %jit3A_1126 = arith.constant 5 : i32
      %broadcast_in_dim3A_1127 = vector.broadcast %jit3A_1126 : i32 to vector<16xi32>
      %select_n3A_1128 = arith.select %gt3A_1124, %broadcast_in_dim3A_1127, %select_n3A_1117 : vector<16xi1>, vector<16xi32>
      %eq3A_1129 = arith.constant 6 : i32
      %eq3A_1130 = vector.broadcast %eq3A_1129 : i32 to vector<16xi32>
      %eq3A_1131 = arith.cmpi eq, %select_n3A_1058, %eq3A_1130 : vector<16xi32>
      %jit3A_1132 = arith.constant -1.000000e+30 : f32
      %broadcast_in_dim3A_1133 = vector.broadcast %jit3A_1132 : f32 to vector<16xf32>
      %select_n3A_1134 = arith.select %eq3A_1131, %broadcast_in_dim3A_1133, %get3A_1016 : vector<16xi1>, vector<16xf32>
      %gt3A_1135 = arith.cmpf ogt, %select_n3A_1134, %select_n3A_1125 : vector<16xf32>
      %select_n3A_1136 = arith.select %gt3A_1135, %select_n3A_1134, %select_n3A_1125 : vector<16xi1>, vector<16xf32>
      %jit3A_1137 = arith.constant 6 : i32
      %broadcast_in_dim3A_1138 = vector.broadcast %jit3A_1137 : i32 to vector<16xi32>
      %select_n3A_1139 = arith.select %gt3A_1135, %broadcast_in_dim3A_1138, %select_n3A_1128 : vector<16xi1>, vector<16xi32>
      %eq3A_1140 = arith.constant 7 : i32
      %eq3A_1141 = vector.broadcast %eq3A_1140 : i32 to vector<16xi32>
      %eq3A_1142 = arith.cmpi eq, %select_n3A_1058, %eq3A_1141 : vector<16xi32>
      %jit3A_1143 = arith.constant -1.000000e+30 : f32
      %broadcast_in_dim3A_1144 = vector.broadcast %jit3A_1143 : f32 to vector<16xf32>
      %select_n3A_1145 = arith.select %eq3A_1142, %broadcast_in_dim3A_1144, %get3A_1021 : vector<16xi1>, vector<16xf32>
      %gt3A_1146 = arith.cmpf ogt, %select_n3A_1145, %select_n3A_1136 : vector<16xf32>
      %select_n3A_1147 = arith.select %gt3A_1146, %select_n3A_1145, %select_n3A_1136 : vector<16xi1>, vector<16xf32>
      %jit3A_1148 = arith.constant 7 : i32
      %broadcast_in_dim3A_1149 = vector.broadcast %jit3A_1148 : i32 to vector<16xi32>
      %select_n3A_1150 = arith.select %gt3A_1146, %broadcast_in_dim3A_1149, %select_n3A_1139 : vector<16xi1>, vector<16xi32>
      %broadcast_in_dim3A_1151 = arith.constant 0.000000e+00 : f32
      %broadcast_in_dim3A_1152 = vector.broadcast %broadcast_in_dim3A_1151 : f32 to vector<16xf32>
      %sub3A_1153 = arith.subf %get3A_986, %select_n3A_1055 : vector<16xf32>
      %exp3A_1154 = math.exp %sub3A_1153 : vector<16xf32>
      %add3A_1155 = arith.addf %broadcast_in_dim3A_1152, %exp3A_1154 : vector<16xf32>
      %sub3A_1156 = arith.subf %get3A_991, %select_n3A_1055 : vector<16xf32>
      %exp3A_1157 = math.exp %sub3A_1156 : vector<16xf32>
      %add3A_1158 = arith.addf %add3A_1155, %exp3A_1157 : vector<16xf32>
      %sub3A_1159 = arith.subf %get3A_996, %select_n3A_1055 : vector<16xf32>
      %exp3A_1160 = math.exp %sub3A_1159 : vector<16xf32>
      %add3A_1161 = arith.addf %add3A_1158, %exp3A_1160 : vector<16xf32>
      %sub3A_1162 = arith.subf %get3A_1001, %select_n3A_1055 : vector<16xf32>
      %exp3A_1163 = math.exp %sub3A_1162 : vector<16xf32>
      %add3A_1164 = arith.addf %add3A_1161, %exp3A_1163 : vector<16xf32>
      %sub3A_1165 = arith.subf %get3A_1006, %select_n3A_1055 : vector<16xf32>
      %exp3A_1166 = math.exp %sub3A_1165 : vector<16xf32>
      %add3A_1167 = arith.addf %add3A_1164, %exp3A_1166 : vector<16xf32>
      %sub3A_1168 = arith.subf %get3A_1011, %select_n3A_1055 : vector<16xf32>
      %exp3A_1169 = math.exp %sub3A_1168 : vector<16xf32>
      %add3A_1170 = arith.addf %add3A_1167, %exp3A_1169 : vector<16xf32>
      %sub3A_1171 = arith.subf %get3A_1016, %select_n3A_1055 : vector<16xf32>
      %exp3A_1172 = math.exp %sub3A_1171 : vector<16xf32>
      %add3A_1173 = arith.addf %add3A_1170, %exp3A_1172 : vector<16xf32>
      %sub3A_1174 = arith.subf %get3A_1021, %select_n3A_1055 : vector<16xf32>
      %exp3A_1175 = math.exp %sub3A_1174 : vector<16xf32>
      %add3A_1176 = arith.addf %add3A_1173, %exp3A_1175 : vector<16xf32>
      %div3A_1177 = arith.constant 1.000000e+00 : f32
      %div3A_1178 = vector.broadcast %div3A_1177 : f32 to vector<16xf32>
      %div3A_1179 = arith.divf %div3A_1178, %add3A_1176 : vector<16xf32>
      %sub3A_1180 = arith.subf %select_n3A_1147, %select_n3A_1055 : vector<16xf32>
      %exp3A_1181 = math.exp %sub3A_1180 : vector<16xf32>
      %div3A_1182 = arith.divf %exp3A_1181, %add3A_1176 : vector<16xf32>
      %eq3A_1183 = arith.constant 0 : i32
      %eq3A_1184 = vector.broadcast %eq3A_1183 : i32 to vector<16xi32>
      %eq3A_1185 = arith.cmpi eq, %select_n3A_1058, %eq3A_1184 : vector<16xi32>
      %eq3A_1186 = arith.constant 0 : i32
      %eq3A_1187 = vector.broadcast %eq3A_1186 : i32 to vector<16xi32>
      %eq3A_1188 = arith.cmpi eq, %select_n3A_1150, %eq3A_1187 : vector<16xi32>
      %jit3A_1189 = arith.constant 0.000000e+00 : f32
      %broadcast_in_dim3A_1190 = vector.broadcast %jit3A_1189 : f32 to vector<16xf32>
      %select_n3A_1191 = arith.select %eq3A_1188, %div3A_1182, %broadcast_in_dim3A_1190 : vector<16xi1>, vector<16xf32>
      %select_n3A_1192 = arith.select %eq3A_1185, %div3A_1179, %select_n3A_1191 : vector<16xi1>, vector<16xf32>
      %swap3A_1193 = arith.constant 0 : i32
      %swap3A_1194 = arith.index_cast %swap3A_1193 : i32 to index
      %swap3A_1195 = arith.constant 48 : index
      %swap3A_1196 = tpu.vector_load %arg5[%swap3A_1194, %swap3A_1195] {strides = array<i32>} : memref<8x128xf32, #tpu.memory_space<vmem>>, vector<1x16xf32>,
      %swap3A_1197 = vector.shape_cast %swap3A_1196 : vector<1x16xf32> to vector<16xf32>
      %swap3A_1198 = vector.shape_cast %select_n3A_1192 : vector<16xf32> to vector<1x16xf32>
      tpu.vector_store %arg5[%swap3A_1194, %swap3A_1195], %swap3A_1198 {strides = array<i32>} : memref<8x128xf32, #tpu.memory_space<vmem>>, vector<1x16xf32>,
      %eq3A_1199 = arith.constant 1 : i32
      %eq3A_1200 = vector.broadcast %eq3A_1199 : i32 to vector<16xi32>
      %eq3A_1201 = arith.cmpi eq, %select_n3A_1058, %eq3A_1200 : vector<16xi32>
      %eq3A_1202 = arith.constant 1 : i32
      %eq3A_1203 = vector.broadcast %eq3A_1202 : i32 to vector<16xi32>
      %eq3A_1204 = arith.cmpi eq, %select_n3A_1150, %eq3A_1203 : vector<16xi32>
      %jit3A_1205 = arith.constant 0.000000e+00 : f32
      %broadcast_in_dim3A_1206 = vector.broadcast %jit3A_1205 : f32 to vector<16xf32>
      %select_n3A_1207 = arith.select %eq3A_1204, %div3A_1182, %broadcast_in_dim3A_1206 : vector<16xi1>, vector<16xf32>
      %select_n3A_1208 = arith.select %eq3A_1201, %div3A_1179, %select_n3A_1207 : vector<16xi1>, vector<16xf32>
      %swap3A_1209 = arith.constant 1 : i32
      %swap3A_1210 = arith.index_cast %swap3A_1209 : i32 to index
      %swap3A_1211 = arith.constant 48 : index
      %swap3A_1212 = tpu.vector_load %arg5[%swap3A_1210, %swap3A_1211] {strides = array<i32>} : memref<8x128xf32, #tpu.memory_space<vmem>>, vector<1x16xf32>,
      %swap3A_1213 = vector.shape_cast %swap3A_1212 : vector<1x16xf32> to vector<16xf32>
      %swap3A_1214 = vector.shape_cast %select_n3A_1208 : vector<16xf32> to vector<1x16xf32>
      tpu.vector_store %arg5[%swap3A_1210, %swap3A_1211], %swap3A_1214 {strides = array<i32>} : memref<8x128xf32, #tpu.memory_space<vmem>>, vector<1x16xf32>,
      %eq3A_1215 = arith.constant 2 : i32
      %eq3A_1216 = vector.broadcast %eq3A_1215 : i32 to vector<16xi32>
      %eq3A_1217 = arith.cmpi eq, %select_n3A_1058, %eq3A_1216 : vector<16xi32>
      %eq3A_1218 = arith.constant 2 : i32
      %eq3A_1219 = vector.broadcast %eq3A_1218 : i32 to vector<16xi32>
      %eq3A_1220 = arith.cmpi eq, %select_n3A_1150, %eq3A_1219 : vector<16xi32>
      %jit3A_1221 = arith.constant 0.000000e+00 : f32
      %broadcast_in_dim3A_1222 = vector.broadcast %jit3A_1221 : f32 to vector<16xf32>
      %select_n3A_1223 = arith.select %eq3A_1220, %div3A_1182, %broadcast_in_dim3A_1222 : vector<16xi1>, vector<16xf32>
      %select_n3A_1224 = arith.select %eq3A_1217, %div3A_1179, %select_n3A_1223 : vector<16xi1>, vector<16xf32>
      %swap3A_1225 = arith.constant 2 : i32
      %swap3A_1226 = arith.index_cast %swap3A_1225 : i32 to index
      %swap3A_1227 = arith.constant 48 : index
      %swap3A_1228 = tpu.vector_load %arg5[%swap3A_1226, %swap3A_1227] {strides = array<i32>} : memref<8x128xf32, #tpu.memory_space<vmem>>, vector<1x16xf32>,
      %swap3A_1229 = vector.shape_cast %swap3A_1228 : vector<1x16xf32> to vector<16xf32>
      %swap3A_1230 = vector.shape_cast %select_n3A_1224 : vector<16xf32> to vector<1x16xf32>
      tpu.vector_store %arg5[%swap3A_1226, %swap3A_1227], %swap3A_1230 {strides = array<i32>} : memref<8x128xf32, #tpu.memory_space<vmem>>, vector<1x16xf32>,
      %eq3A_1231 = arith.constant 3 : i32
      %eq3A_1232 = vector.broadcast %eq3A_1231 : i32 to vector<16xi32>
      %eq3A_1233 = arith.cmpi eq, %select_n3A_1058, %eq3A_1232 : vector<16xi32>
      %eq3A_1234 = arith.constant 3 : i32
      %eq3A_1235 = vector.broadcast %eq3A_1234 : i32 to vector<16xi32>
      %eq3A_1236 = arith.cmpi eq, %select_n3A_1150, %eq3A_1235 : vector<16xi32>
      %jit3A_1237 = arith.constant 0.000000e+00 : f32
      %broadcast_in_dim3A_1238 = vector.broadcast %jit3A_1237 : f32 to vector<16xf32>
      %select_n3A_1239 = arith.select %eq3A_1236, %div3A_1182, %broadcast_in_dim3A_1238 : vector<16xi1>, vector<16xf32>
      %select_n3A_1240 = arith.select %eq3A_1233, %div3A_1179, %select_n3A_1239 : vector<16xi1>, vector<16xf32>
      %swap3A_1241 = arith.constant 3 : i32
      %swap3A_1242 = arith.index_cast %swap3A_1241 : i32 to index
      %swap3A_1243 = arith.constant 48 : index
      %swap3A_1244 = tpu.vector_load %arg5[%swap3A_1242, %swap3A_1243] {strides = array<i32>} : memref<8x128xf32, #tpu.memory_space<vmem>>, vector<1x16xf32>,
      %swap3A_1245 = vector.shape_cast %swap3A_1244 : vector<1x16xf32> to vector<16xf32>
      %swap3A_1246 = vector.shape_cast %select_n3A_1240 : vector<16xf32> to vector<1x16xf32>
      tpu.vector_store %arg5[%swap3A_1242, %swap3A_1243], %swap3A_1246 {strides = array<i32>} : memref<8x128xf32, #tpu.memory_space<vmem>>, vector<1x16xf32>,
      %eq3A_1247 = arith.constant 4 : i32
      %eq3A_1248 = vector.broadcast %eq3A_1247 : i32 to vector<16xi32>
      %eq3A_1249 = arith.cmpi eq, %select_n3A_1058, %eq3A_1248 : vector<16xi32>
      %eq3A_1250 = arith.constant 4 : i32
      %eq3A_1251 = vector.broadcast %eq3A_1250 : i32 to vector<16xi32>
      %eq3A_1252 = arith.cmpi eq, %select_n3A_1150, %eq3A_1251 : vector<16xi32>
      %jit3A_1253 = arith.constant 0.000000e+00 : f32
      %broadcast_in_dim3A_1254 = vector.broadcast %jit3A_1253 : f32 to vector<16xf32>
      %select_n3A_1255 = arith.select %eq3A_1252, %div3A_1182, %broadcast_in_dim3A_1254 : vector<16xi1>, vector<16xf32>
      %select_n3A_1256 = arith.select %eq3A_1249, %div3A_1179, %select_n3A_1255 : vector<16xi1>, vector<16xf32>
      %swap3A_1257 = arith.constant 4 : i32
      %swap3A_1258 = arith.index_cast %swap3A_1257 : i32 to index
      %swap3A_1259 = arith.constant 48 : index
      %swap3A_1260 = tpu.vector_load %arg5[%swap3A_1258, %swap3A_1259] {strides = array<i32>} : memref<8x128xf32, #tpu.memory_space<vmem>>, vector<1x16xf32>,
      %swap3A_1261 = vector.shape_cast %swap3A_1260 : vector<1x16xf32> to vector<16xf32>
      %swap3A_1262 = vector.shape_cast %select_n3A_1256 : vector<16xf32> to vector<1x16xf32>
      tpu.vector_store %arg5[%swap3A_1258, %swap3A_1259], %swap3A_1262 {strides = array<i32>} : memref<8x128xf32, #tpu.memory_space<vmem>>, vector<1x16xf32>,
      %eq3A_1263 = arith.constant 5 : i32
      %eq3A_1264 = vector.broadcast %eq3A_1263 : i32 to vector<16xi32>
      %eq3A_1265 = arith.cmpi eq, %select_n3A_1058, %eq3A_1264 : vector<16xi32>
      %eq3A_1266 = arith.constant 5 : i32
      %eq3A_1267 = vector.broadcast %eq3A_1266 : i32 to vector<16xi32>
      %eq3A_1268 = arith.cmpi eq, %select_n3A_1150, %eq3A_1267 : vector<16xi32>
      %jit3A_1269 = arith.constant 0.000000e+00 : f32
      %broadcast_in_dim3A_1270 = vector.broadcast %jit3A_1269 : f32 to vector<16xf32>
      %select_n3A_1271 = arith.select %eq3A_1268, %div3A_1182, %broadcast_in_dim3A_1270 : vector<16xi1>, vector<16xf32>
      %select_n3A_1272 = arith.select %eq3A_1265, %div3A_1179, %select_n3A_1271 : vector<16xi1>, vector<16xf32>
      %swap3A_1273 = arith.constant 5 : i32
      %swap3A_1274 = arith.index_cast %swap3A_1273 : i32 to index
      %swap3A_1275 = arith.constant 48 : index
      %swap3A_1276 = tpu.vector_load %arg5[%swap3A_1274, %swap3A_1275] {strides = array<i32>} : memref<8x128xf32, #tpu.memory_space<vmem>>, vector<1x16xf32>,
      %swap3A_1277 = vector.shape_cast %swap3A_1276 : vector<1x16xf32> to vector<16xf32>
      %swap3A_1278 = vector.shape_cast %select_n3A_1272 : vector<16xf32> to vector<1x16xf32>
      tpu.vector_store %arg5[%swap3A_1274, %swap3A_1275], %swap3A_1278 {strides = array<i32>} : memref<8x128xf32, #tpu.memory_space<vmem>>, vector<1x16xf32>,
      %eq3A_1279 = arith.constant 6 : i32
      %eq3A_1280 = vector.broadcast %eq3A_1279 : i32 to vector<16xi32>
      %eq3A_1281 = arith.cmpi eq, %select_n3A_1058, %eq3A_1280 : vector<16xi32>
      %eq3A_1282 = arith.constant 6 : i32
      %eq3A_1283 = vector.broadcast %eq3A_1282 : i32 to vector<16xi32>
      %eq3A_1284 = arith.cmpi eq, %select_n3A_1150, %eq3A_1283 : vector<16xi32>
      %jit3A_1285 = arith.constant 0.000000e+00 : f32
      %broadcast_in_dim3A_1286 = vector.broadcast %jit3A_1285 : f32 to vector<16xf32>
      %select_n3A_1287 = arith.select %eq3A_1284, %div3A_1182, %broadcast_in_dim3A_1286 : vector<16xi1>, vector<16xf32>
      %select_n3A_1288 = arith.select %eq3A_1281, %div3A_1179, %select_n3A_1287 : vector<16xi1>, vector<16xf32>
      %swap3A_1289 = arith.constant 6 : i32
      %swap3A_1290 = arith.index_cast %swap3A_1289 : i32 to index
      %swap3A_1291 = arith.constant 48 : index
      %swap3A_1292 = tpu.vector_load %arg5[%swap3A_1290, %swap3A_1291] {strides = array<i32>} : memref<8x128xf32, #tpu.memory_space<vmem>>, vector<1x16xf32>,
      %swap3A_1293 = vector.shape_cast %swap3A_1292 : vector<1x16xf32> to vector<16xf32>
      %swap3A_1294 = vector.shape_cast %select_n3A_1288 : vector<16xf32> to vector<1x16xf32>
      tpu.vector_store %arg5[%swap3A_1290, %swap3A_1291], %swap3A_1294 {strides = array<i32>} : memref<8x128xf32, #tpu.memory_space<vmem>>, vector<1x16xf32>,
      %eq3A_1295 = arith.constant 7 : i32
      %eq3A_1296 = vector.broadcast %eq3A_1295 : i32 to vector<16xi32>
      %eq3A_1297 = arith.cmpi eq, %select_n3A_1058, %eq3A_1296 : vector<16xi32>
      %eq3A_1298 = arith.constant 7 : i32
      %eq3A_1299 = vector.broadcast %eq3A_1298 : i32 to vector<16xi32>
      %eq3A_1300 = arith.cmpi eq, %select_n3A_1150, %eq3A_1299 : vector<16xi32>
      %jit3A_1301 = arith.constant 0.000000e+00 : f32
      %broadcast_in_dim3A_1302 = vector.broadcast %jit3A_1301 : f32 to vector<16xf32>
      %select_n3A_1303 = arith.select %eq3A_1300, %div3A_1182, %broadcast_in_dim3A_1302 : vector<16xi1>, vector<16xf32>
      %select_n3A_1304 = arith.select %eq3A_1297, %div3A_1179, %select_n3A_1303 : vector<16xi1>, vector<16xf32>
      %swap3A_1305 = arith.constant 7 : i32
      %swap3A_1306 = arith.index_cast %swap3A_1305 : i32 to index
      %swap3A_1307 = arith.constant 48 : index
      %swap3A_1308 = tpu.vector_load %arg5[%swap3A_1306, %swap3A_1307] {strides = array<i32>} : memref<8x128xf32, #tpu.memory_space<vmem>>, vector<1x16xf32>,
      %swap3A_1309 = vector.shape_cast %swap3A_1308 : vector<1x16xf32> to vector<16xf32>
      %swap3A_1310 = vector.shape_cast %select_n3A_1304 : vector<16xf32> to vector<1x16xf32>
      tpu.vector_store %arg5[%swap3A_1306, %swap3A_1307], %swap3A_1310 {strides = array<i32>} : memref<8x128xf32, #tpu.memory_space<vmem>>, vector<1x16xf32>,
      %get3A_1311 = arith.constant 0 : i32
      %get3A_1312 = arith.index_cast %get3A_1311 : i32 to index
      %get3A_1313 = arith.constant 64 : index
      %get3A_1314 = tpu.vector_load %arg4[%get3A_1312, %get3A_1313] {strides = array<i32>} : memref<8x128xf32, #tpu.memory_space<vmem>>, vector<1x16xf32>,
      %get3A_1315 = vector.shape_cast %get3A_1314 : vector<1x16xf32> to vector<16xf32>
      %get3A_1316 = arith.constant 1 : i32
      %get3A_1317 = arith.index_cast %get3A_1316 : i32 to index
      %get3A_1318 = arith.constant 64 : index
      %get3A_1319 = tpu.vector_load %arg4[%get3A_1317, %get3A_1318] {strides = array<i32>} : memref<8x128xf32, #tpu.memory_space<vmem>>, vector<1x16xf32>,
      %get3A_1320 = vector.shape_cast %get3A_1319 : vector<1x16xf32> to vector<16xf32>
      %get3A_1321 = arith.constant 2 : i32
      %get3A_1322 = arith.index_cast %get3A_1321 : i32 to index
      %get3A_1323 = arith.constant 64 : index
      %get3A_1324 = tpu.vector_load %arg4[%get3A_1322, %get3A_1323] {strides = array<i32>} : memref<8x128xf32, #tpu.memory_space<vmem>>, vector<1x16xf32>,
      %get3A_1325 = vector.shape_cast %get3A_1324 : vector<1x16xf32> to vector<16xf32>
      %get3A_1326 = arith.constant 3 : i32
      %get3A_1327 = arith.index_cast %get3A_1326 : i32 to index
      %get3A_1328 = arith.constant 64 : index
      %get3A_1329 = tpu.vector_load %arg4[%get3A_1327, %get3A_1328] {strides = array<i32>} : memref<8x128xf32, #tpu.memory_space<vmem>>, vector<1x16xf32>,
      %get3A_1330 = vector.shape_cast %get3A_1329 : vector<1x16xf32> to vector<16xf32>
      %get3A_1331 = arith.constant 4 : i32
      %get3A_1332 = arith.index_cast %get3A_1331 : i32 to index
      %get3A_1333 = arith.constant 64 : index
      %get3A_1334 = tpu.vector_load %arg4[%get3A_1332, %get3A_1333] {strides = array<i32>} : memref<8x128xf32, #tpu.memory_space<vmem>>, vector<1x16xf32>,
      %get3A_1335 = vector.shape_cast %get3A_1334 : vector<1x16xf32> to vector<16xf32>
      %get3A_1336 = arith.constant 5 : i32
      %get3A_1337 = arith.index_cast %get3A_1336 : i32 to index
      %get3A_1338 = arith.constant 64 : index
      %get3A_1339 = tpu.vector_load %arg4[%get3A_1337, %get3A_1338] {strides = array<i32>} : memref<8x128xf32, #tpu.memory_space<vmem>>, vector<1x16xf32>,
      %get3A_1340 = vector.shape_cast %get3A_1339 : vector<1x16xf32> to vector<16xf32>
      %get3A_1341 = arith.constant 6 : i32
      %get3A_1342 = arith.index_cast %get3A_1341 : i32 to index
      %get3A_1343 = arith.constant 64 : index
      %get3A_1344 = tpu.vector_load %arg4[%get3A_1342, %get3A_1343] {strides = array<i32>} : memref<8x128xf32, #tpu.memory_space<vmem>>, vector<1x16xf32>,
      %get3A_1345 = vector.shape_cast %get3A_1344 : vector<1x16xf32> to vector<16xf32>
      %get3A_1346 = arith.constant 7 : i32
      %get3A_1347 = arith.index_cast %get3A_1346 : i32 to index
      %get3A_1348 = arith.constant 64 : index
      %get3A_1349 = tpu.vector_load %arg4[%get3A_1347, %get3A_1348] {strides = array<i32>} : memref<8x128xf32, #tpu.memory_space<vmem>>, vector<1x16xf32>,
      %get3A_1350 = vector.shape_cast %get3A_1349 : vector<1x16xf32> to vector<16xf32>
      %broadcast_in_dim3A_1351 = arith.constant 0 : i32
      %broadcast_in_dim3A_1352 = vector.broadcast %broadcast_in_dim3A_1351 : i32 to vector<16xi32>
      %gt3A_1353 = arith.cmpf ogt, %get3A_1320, %get3A_1315 : vector<16xf32>
      %select_n3A_1354 = arith.select %gt3A_1353, %get3A_1320, %get3A_1315 : vector<16xi1>, vector<16xf32>
      %jit3A_1355 = arith.constant 1 : i32
      %broadcast_in_dim3A_1356 = vector.broadcast %jit3A_1355 : i32 to vector<16xi32>
      %select_n3A_1357 = arith.select %gt3A_1353, %broadcast_in_dim3A_1356, %broadcast_in_dim3A_1352 : vector<16xi1>, vector<16xi32>
      %gt3A_1358 = arith.cmpf ogt, %get3A_1325, %select_n3A_1354 : vector<16xf32>
      %select_n3A_1359 = arith.select %gt3A_1358, %get3A_1325, %select_n3A_1354 : vector<16xi1>, vector<16xf32>
      %jit3A_1360 = arith.constant 2 : i32
      %broadcast_in_dim3A_1361 = vector.broadcast %jit3A_1360 : i32 to vector<16xi32>
      %select_n3A_1362 = arith.select %gt3A_1358, %broadcast_in_dim3A_1361, %select_n3A_1357 : vector<16xi1>, vector<16xi32>
      %gt3A_1363 = arith.cmpf ogt, %get3A_1330, %select_n3A_1359 : vector<16xf32>
      %select_n3A_1364 = arith.select %gt3A_1363, %get3A_1330, %select_n3A_1359 : vector<16xi1>, vector<16xf32>
      %jit3A_1365 = arith.constant 3 : i32
      %broadcast_in_dim3A_1366 = vector.broadcast %jit3A_1365 : i32 to vector<16xi32>
      %select_n3A_1367 = arith.select %gt3A_1363, %broadcast_in_dim3A_1366, %select_n3A_1362 : vector<16xi1>, vector<16xi32>
      %gt3A_1368 = arith.cmpf ogt, %get3A_1335, %select_n3A_1364 : vector<16xf32>
      %select_n3A_1369 = arith.select %gt3A_1368, %get3A_1335, %select_n3A_1364 : vector<16xi1>, vector<16xf32>
      %jit3A_1370 = arith.constant 4 : i32
      %broadcast_in_dim3A_1371 = vector.broadcast %jit3A_1370 : i32 to vector<16xi32>
      %select_n3A_1372 = arith.select %gt3A_1368, %broadcast_in_dim3A_1371, %select_n3A_1367 : vector<16xi1>, vector<16xi32>
      %gt3A_1373 = arith.cmpf ogt, %get3A_1340, %select_n3A_1369 : vector<16xf32>
      %select_n3A_1374 = arith.select %gt3A_1373, %get3A_1340, %select_n3A_1369 : vector<16xi1>, vector<16xf32>
      %jit3A_1375 = arith.constant 5 : i32
      %broadcast_in_dim3A_1376 = vector.broadcast %jit3A_1375 : i32 to vector<16xi32>
      %select_n3A_1377 = arith.select %gt3A_1373, %broadcast_in_dim3A_1376, %select_n3A_1372 : vector<16xi1>, vector<16xi32>
      %gt3A_1378 = arith.cmpf ogt, %get3A_1345, %select_n3A_1374 : vector<16xf32>
      %select_n3A_1379 = arith.select %gt3A_1378, %get3A_1345, %select_n3A_1374 : vector<16xi1>, vector<16xf32>
      %jit3A_1380 = arith.constant 6 : i32
      %broadcast_in_dim3A_1381 = vector.broadcast %jit3A_1380 : i32 to vector<16xi32>
      %select_n3A_1382 = arith.select %gt3A_1378, %broadcast_in_dim3A_1381, %select_n3A_1377 : vector<16xi1>, vector<16xi32>
      %gt3A_1383 = arith.cmpf ogt, %get3A_1350, %select_n3A_1379 : vector<16xf32>
      %select_n3A_1384 = arith.select %gt3A_1383, %get3A_1350, %select_n3A_1379 : vector<16xi1>, vector<16xf32>
      %jit3A_1385 = arith.constant 7 : i32
      %broadcast_in_dim3A_1386 = vector.broadcast %jit3A_1385 : i32 to vector<16xi32>
      %select_n3A_1387 = arith.select %gt3A_1383, %broadcast_in_dim3A_1386, %select_n3A_1382 : vector<16xi1>, vector<16xi32>
      %broadcast_in_dim3A_1388 = arith.constant -1.000000e+30 : f32
      %broadcast_in_dim3A_1389 = vector.broadcast %broadcast_in_dim3A_1388 : f32 to vector<16xf32>
      %broadcast_in_dim3A_1390 = arith.constant 8 : i32
      %broadcast_in_dim3A_1391 = vector.broadcast %broadcast_in_dim3A_1390 : i32 to vector<16xi32>
      %eq3A_1392 = arith.constant 0 : i32
      %eq3A_1393 = vector.broadcast %eq3A_1392 : i32 to vector<16xi32>
      %eq3A_1394 = arith.cmpi eq, %select_n3A_1387, %eq3A_1393 : vector<16xi32>
      %jit3A_1395 = arith.constant -1.000000e+30 : f32
      %broadcast_in_dim3A_1396 = vector.broadcast %jit3A_1395 : f32 to vector<16xf32>
      %select_n3A_1397 = arith.select %eq3A_1394, %broadcast_in_dim3A_1396, %get3A_1315 : vector<16xi1>, vector<16xf32>
      %gt3A_1398 = arith.cmpf ogt, %select_n3A_1397, %broadcast_in_dim3A_1389 : vector<16xf32>
      %select_n3A_1399 = arith.select %gt3A_1398, %select_n3A_1397, %broadcast_in_dim3A_1389 : vector<16xi1>, vector<16xf32>
      %jit3A_1400 = arith.constant 0 : i32
      %broadcast_in_dim3A_1401 = vector.broadcast %jit3A_1400 : i32 to vector<16xi32>
      %select_n3A_1402 = arith.select %gt3A_1398, %broadcast_in_dim3A_1401, %broadcast_in_dim3A_1391 : vector<16xi1>, vector<16xi32>
      %eq3A_1403 = arith.constant 1 : i32
      %eq3A_1404 = vector.broadcast %eq3A_1403 : i32 to vector<16xi32>
      %eq3A_1405 = arith.cmpi eq, %select_n3A_1387, %eq3A_1404 : vector<16xi32>
      %jit3A_1406 = arith.constant -1.000000e+30 : f32
      %broadcast_in_dim3A_1407 = vector.broadcast %jit3A_1406 : f32 to vector<16xf32>
      %select_n3A_1408 = arith.select %eq3A_1405, %broadcast_in_dim3A_1407, %get3A_1320 : vector<16xi1>, vector<16xf32>
      %gt3A_1409 = arith.cmpf ogt, %select_n3A_1408, %select_n3A_1399 : vector<16xf32>
      %select_n3A_1410 = arith.select %gt3A_1409, %select_n3A_1408, %select_n3A_1399 : vector<16xi1>, vector<16xf32>
      %jit3A_1411 = arith.constant 1 : i32
      %broadcast_in_dim3A_1412 = vector.broadcast %jit3A_1411 : i32 to vector<16xi32>
      %select_n3A_1413 = arith.select %gt3A_1409, %broadcast_in_dim3A_1412, %select_n3A_1402 : vector<16xi1>, vector<16xi32>
      %eq3A_1414 = arith.constant 2 : i32
      %eq3A_1415 = vector.broadcast %eq3A_1414 : i32 to vector<16xi32>
      %eq3A_1416 = arith.cmpi eq, %select_n3A_1387, %eq3A_1415 : vector<16xi32>
      %jit3A_1417 = arith.constant -1.000000e+30 : f32
      %broadcast_in_dim3A_1418 = vector.broadcast %jit3A_1417 : f32 to vector<16xf32>
      %select_n3A_1419 = arith.select %eq3A_1416, %broadcast_in_dim3A_1418, %get3A_1325 : vector<16xi1>, vector<16xf32>
      %gt3A_1420 = arith.cmpf ogt, %select_n3A_1419, %select_n3A_1410 : vector<16xf32>
      %select_n3A_1421 = arith.select %gt3A_1420, %select_n3A_1419, %select_n3A_1410 : vector<16xi1>, vector<16xf32>
      %jit3A_1422 = arith.constant 2 : i32
      %broadcast_in_dim3A_1423 = vector.broadcast %jit3A_1422 : i32 to vector<16xi32>
      %select_n3A_1424 = arith.select %gt3A_1420, %broadcast_in_dim3A_1423, %select_n3A_1413 : vector<16xi1>, vector<16xi32>
      %eq3A_1425 = arith.constant 3 : i32
      %eq3A_1426 = vector.broadcast %eq3A_1425 : i32 to vector<16xi32>
      %eq3A_1427 = arith.cmpi eq, %select_n3A_1387, %eq3A_1426 : vector<16xi32>
      %jit3A_1428 = arith.constant -1.000000e+30 : f32
      %broadcast_in_dim3A_1429 = vector.broadcast %jit3A_1428 : f32 to vector<16xf32>
      %select_n3A_1430 = arith.select %eq3A_1427, %broadcast_in_dim3A_1429, %get3A_1330 : vector<16xi1>, vector<16xf32>
      %gt3A_1431 = arith.cmpf ogt, %select_n3A_1430, %select_n3A_1421 : vector<16xf32>
      %select_n3A_1432 = arith.select %gt3A_1431, %select_n3A_1430, %select_n3A_1421 : vector<16xi1>, vector<16xf32>
      %jit3A_1433 = arith.constant 3 : i32
      %broadcast_in_dim3A_1434 = vector.broadcast %jit3A_1433 : i32 to vector<16xi32>
      %select_n3A_1435 = arith.select %gt3A_1431, %broadcast_in_dim3A_1434, %select_n3A_1424 : vector<16xi1>, vector<16xi32>
      %eq3A_1436 = arith.constant 4 : i32
      %eq3A_1437 = vector.broadcast %eq3A_1436 : i32 to vector<16xi32>
      %eq3A_1438 = arith.cmpi eq, %select_n3A_1387, %eq3A_1437 : vector<16xi32>
      %jit3A_1439 = arith.constant -1.000000e+30 : f32
      %broadcast_in_dim3A_1440 = vector.broadcast %jit3A_1439 : f32 to vector<16xf32>
      %select_n3A_1441 = arith.select %eq3A_1438, %broadcast_in_dim3A_1440, %get3A_1335 : vector<16xi1>, vector<16xf32>
      %gt3A_1442 = arith.cmpf ogt, %select_n3A_1441, %select_n3A_1432 : vector<16xf32>
      %select_n3A_1443 = arith.select %gt3A_1442, %select_n3A_1441, %select_n3A_1432 : vector<16xi1>, vector<16xf32>
      %jit3A_1444 = arith.constant 4 : i32
      %broadcast_in_dim3A_1445 = vector.broadcast %jit3A_1444 : i32 to vector<16xi32>
      %select_n3A_1446 = arith.select %gt3A_1442, %broadcast_in_dim3A_1445, %select_n3A_1435 : vector<16xi1>, vector<16xi32>
      %eq3A_1447 = arith.constant 5 : i32
      %eq3A_1448 = vector.broadcast %eq3A_1447 : i32 to vector<16xi32>
      %eq3A_1449 = arith.cmpi eq, %select_n3A_1387, %eq3A_1448 : vector<16xi32>
      %jit3A_1450 = arith.constant -1.000000e+30 : f32
      %broadcast_in_dim3A_1451 = vector.broadcast %jit3A_1450 : f32 to vector<16xf32>
      %select_n3A_1452 = arith.select %eq3A_1449, %broadcast_in_dim3A_1451, %get3A_1340 : vector<16xi1>, vector<16xf32>
      %gt3A_1453 = arith.cmpf ogt, %select_n3A_1452, %select_n3A_1443 : vector<16xf32>
      %select_n3A_1454 = arith.select %gt3A_1453, %select_n3A_1452, %select_n3A_1443 : vector<16xi1>, vector<16xf32>
      %jit3A_1455 = arith.constant 5 : i32
      %broadcast_in_dim3A_1456 = vector.broadcast %jit3A_1455 : i32 to vector<16xi32>
      %select_n3A_1457 = arith.select %gt3A_1453, %broadcast_in_dim3A_1456, %select_n3A_1446 : vector<16xi1>, vector<16xi32>
      %eq3A_1458 = arith.constant 6 : i32
      %eq3A_1459 = vector.broadcast %eq3A_1458 : i32 to vector<16xi32>
      %eq3A_1460 = arith.cmpi eq, %select_n3A_1387, %eq3A_1459 : vector<16xi32>
      %jit3A_1461 = arith.constant -1.000000e+30 : f32
      %broadcast_in_dim3A_1462 = vector.broadcast %jit3A_1461 : f32 to vector<16xf32>
      %select_n3A_1463 = arith.select %eq3A_1460, %broadcast_in_dim3A_1462, %get3A_1345 : vector<16xi1>, vector<16xf32>
      %gt3A_1464 = arith.cmpf ogt, %select_n3A_1463, %select_n3A_1454 : vector<16xf32>
      %select_n3A_1465 = arith.select %gt3A_1464, %select_n3A_1463, %select_n3A_1454 : vector<16xi1>, vector<16xf32>
      %jit3A_1466 = arith.constant 6 : i32
      %broadcast_in_dim3A_1467 = vector.broadcast %jit3A_1466 : i32 to vector<16xi32>
      %select_n3A_1468 = arith.select %gt3A_1464, %broadcast_in_dim3A_1467, %select_n3A_1457 : vector<16xi1>, vector<16xi32>
      %eq3A_1469 = arith.constant 7 : i32
      %eq3A_1470 = vector.broadcast %eq3A_1469 : i32 to vector<16xi32>
      %eq3A_1471 = arith.cmpi eq, %select_n3A_1387, %eq3A_1470 : vector<16xi32>
      %jit3A_1472 = arith.constant -1.000000e+30 : f32
      %broadcast_in_dim3A_1473 = vector.broadcast %jit3A_1472 : f32 to vector<16xf32>
      %select_n3A_1474 = arith.select %eq3A_1471, %broadcast_in_dim3A_1473, %get3A_1350 : vector<16xi1>, vector<16xf32>
      %gt3A_1475 = arith.cmpf ogt, %select_n3A_1474, %select_n3A_1465 : vector<16xf32>
      %select_n3A_1476 = arith.select %gt3A_1475, %select_n3A_1474, %select_n3A_1465 : vector<16xi1>, vector<16xf32>
      %jit3A_1477 = arith.constant 7 : i32
      %broadcast_in_dim3A_1478 = vector.broadcast %jit3A_1477 : i32 to vector<16xi32>
      %select_n3A_1479 = arith.select %gt3A_1475, %broadcast_in_dim3A_1478, %select_n3A_1468 : vector<16xi1>, vector<16xi32>
      %broadcast_in_dim3A_1480 = arith.constant 0.000000e+00 : f32
      %broadcast_in_dim3A_1481 = vector.broadcast %broadcast_in_dim3A_1480 : f32 to vector<16xf32>
      %sub3A_1482 = arith.subf %get3A_1315, %select_n3A_1384 : vector<16xf32>
      %exp3A_1483 = math.exp %sub3A_1482 : vector<16xf32>
      %add3A_1484 = arith.addf %broadcast_in_dim3A_1481, %exp3A_1483 : vector<16xf32>
      %sub3A_1485 = arith.subf %get3A_1320, %select_n3A_1384 : vector<16xf32>
      %exp3A_1486 = math.exp %sub3A_1485 : vector<16xf32>
      %add3A_1487 = arith.addf %add3A_1484, %exp3A_1486 : vector<16xf32>
      %sub3A_1488 = arith.subf %get3A_1325, %select_n3A_1384 : vector<16xf32>
      %exp3A_1489 = math.exp %sub3A_1488 : vector<16xf32>
      %add3A_1490 = arith.addf %add3A_1487, %exp3A_1489 : vector<16xf32>
      %sub3A_1491 = arith.subf %get3A_1330, %select_n3A_1384 : vector<16xf32>
      %exp3A_1492 = math.exp %sub3A_1491 : vector<16xf32>
      %add3A_1493 = arith.addf %add3A_1490, %exp3A_1492 : vector<16xf32>
      %sub3A_1494 = arith.subf %get3A_1335, %select_n3A_1384 : vector<16xf32>
      %exp3A_1495 = math.exp %sub3A_1494 : vector<16xf32>
      %add3A_1496 = arith.addf %add3A_1493, %exp3A_1495 : vector<16xf32>
      %sub3A_1497 = arith.subf %get3A_1340, %select_n3A_1384 : vector<16xf32>
      %exp3A_1498 = math.exp %sub3A_1497 : vector<16xf32>
      %add3A_1499 = arith.addf %add3A_1496, %exp3A_1498 : vector<16xf32>
      %sub3A_1500 = arith.subf %get3A_1345, %select_n3A_1384 : vector<16xf32>
      %exp3A_1501 = math.exp %sub3A_1500 : vector<16xf32>
      %add3A_1502 = arith.addf %add3A_1499, %exp3A_1501 : vector<16xf32>
      %sub3A_1503 = arith.subf %get3A_1350, %select_n3A_1384 : vector<16xf32>
      %exp3A_1504 = math.exp %sub3A_1503 : vector<16xf32>
      %add3A_1505 = arith.addf %add3A_1502, %exp3A_1504 : vector<16xf32>
      %div3A_1506 = arith.constant 1.000000e+00 : f32
      %div3A_1507 = vector.broadcast %div3A_1506 : f32 to vector<16xf32>
      %div3A_1508 = arith.divf %div3A_1507, %add3A_1505 : vector<16xf32>
      %sub3A_1509 = arith.subf %select_n3A_1476, %select_n3A_1384 : vector<16xf32>
      %exp3A_1510 = math.exp %sub3A_1509 : vector<16xf32>
      %div3A_1511 = arith.divf %exp3A_1510, %add3A_1505 : vector<16xf32>
      %eq3A_1512 = arith.constant 0 : i32
      %eq3A_1513 = vector.broadcast %eq3A_1512 : i32 to vector<16xi32>
      %eq3A_1514 = arith.cmpi eq, %select_n3A_1387, %eq3A_1513 : vector<16xi32>
      %eq3A_1515 = arith.constant 0 : i32
      %eq3A_1516 = vector.broadcast %eq3A_1515 : i32 to vector<16xi32>
      %eq3A_1517 = arith.cmpi eq, %select_n3A_1479, %eq3A_1516 : vector<16xi32>
      %jit3A_1518 = arith.constant 0.000000e+00 : f32
      %broadcast_in_dim3A_1519 = vector.broadcast %jit3A_1518 : f32 to vector<16xf32>
      %select_n3A_1520 = arith.select %eq3A_1517, %div3A_1511, %broadcast_in_dim3A_1519 : vector<16xi1>, vector<16xf32>
      %select_n3A_1521 = arith.select %eq3A_1514, %div3A_1508, %select_n3A_1520 : vector<16xi1>, vector<16xf32>
      %swap3A_1522 = arith.constant 0 : i32
      %swap3A_1523 = arith.index_cast %swap3A_1522 : i32 to index
      %swap3A_1524 = arith.constant 64 : index
      %swap3A_1525 = tpu.vector_load %arg5[%swap3A_1523, %swap3A_1524] {strides = array<i32>} : memref<8x128xf32, #tpu.memory_space<vmem>>, vector<1x16xf32>,
      %swap3A_1526 = vector.shape_cast %swap3A_1525 : vector<1x16xf32> to vector<16xf32>
      %swap3A_1527 = vector.shape_cast %select_n3A_1521 : vector<16xf32> to vector<1x16xf32>
      tpu.vector_store %arg5[%swap3A_1523, %swap3A_1524], %swap3A_1527 {strides = array<i32>} : memref<8x128xf32, #tpu.memory_space<vmem>>, vector<1x16xf32>,
      %eq3A_1528 = arith.constant 1 : i32
      %eq3A_1529 = vector.broadcast %eq3A_1528 : i32 to vector<16xi32>
      %eq3A_1530 = arith.cmpi eq, %select_n3A_1387, %eq3A_1529 : vector<16xi32>
      %eq3A_1531 = arith.constant 1 : i32
      %eq3A_1532 = vector.broadcast %eq3A_1531 : i32 to vector<16xi32>
      %eq3A_1533 = arith.cmpi eq, %select_n3A_1479, %eq3A_1532 : vector<16xi32>
      %jit3A_1534 = arith.constant 0.000000e+00 : f32
      %broadcast_in_dim3A_1535 = vector.broadcast %jit3A_1534 : f32 to vector<16xf32>
      %select_n3A_1536 = arith.select %eq3A_1533, %div3A_1511, %broadcast_in_dim3A_1535 : vector<16xi1>, vector<16xf32>
      %select_n3A_1537 = arith.select %eq3A_1530, %div3A_1508, %select_n3A_1536 : vector<16xi1>, vector<16xf32>
      %swap3A_1538 = arith.constant 1 : i32
      %swap3A_1539 = arith.index_cast %swap3A_1538 : i32 to index
      %swap3A_1540 = arith.constant 64 : index
      %swap3A_1541 = tpu.vector_load %arg5[%swap3A_1539, %swap3A_1540] {strides = array<i32>} : memref<8x128xf32, #tpu.memory_space<vmem>>, vector<1x16xf32>,
      %swap3A_1542 = vector.shape_cast %swap3A_1541 : vector<1x16xf32> to vector<16xf32>
      %swap3A_1543 = vector.shape_cast %select_n3A_1537 : vector<16xf32> to vector<1x16xf32>
      tpu.vector_store %arg5[%swap3A_1539, %swap3A_1540], %swap3A_1543 {strides = array<i32>} : memref<8x128xf32, #tpu.memory_space<vmem>>, vector<1x16xf32>,
      %eq3A_1544 = arith.constant 2 : i32
      %eq3A_1545 = vector.broadcast %eq3A_1544 : i32 to vector<16xi32>
      %eq3A_1546 = arith.cmpi eq, %select_n3A_1387, %eq3A_1545 : vector<16xi32>
      %eq3A_1547 = arith.constant 2 : i32
      %eq3A_1548 = vector.broadcast %eq3A_1547 : i32 to vector<16xi32>
      %eq3A_1549 = arith.cmpi eq, %select_n3A_1479, %eq3A_1548 : vector<16xi32>
      %jit3A_1550 = arith.constant 0.000000e+00 : f32
      %broadcast_in_dim3A_1551 = vector.broadcast %jit3A_1550 : f32 to vector<16xf32>
      %select_n3A_1552 = arith.select %eq3A_1549, %div3A_1511, %broadcast_in_dim3A_1551 : vector<16xi1>, vector<16xf32>
      %select_n3A_1553 = arith.select %eq3A_1546, %div3A_1508, %select_n3A_1552 : vector<16xi1>, vector<16xf32>
      %swap3A_1554 = arith.constant 2 : i32
      %swap3A_1555 = arith.index_cast %swap3A_1554 : i32 to index
      %swap3A_1556 = arith.constant 64 : index
      %swap3A_1557 = tpu.vector_load %arg5[%swap3A_1555, %swap3A_1556] {strides = array<i32>} : memref<8x128xf32, #tpu.memory_space<vmem>>, vector<1x16xf32>,
      %swap3A_1558 = vector.shape_cast %swap3A_1557 : vector<1x16xf32> to vector<16xf32>
      %swap3A_1559 = vector.shape_cast %select_n3A_1553 : vector<16xf32> to vector<1x16xf32>
      tpu.vector_store %arg5[%swap3A_1555, %swap3A_1556], %swap3A_1559 {strides = array<i32>} : memref<8x128xf32, #tpu.memory_space<vmem>>, vector<1x16xf32>,
      %eq3A_1560 = arith.constant 3 : i32
      %eq3A_1561 = vector.broadcast %eq3A_1560 : i32 to vector<16xi32>
      %eq3A_1562 = arith.cmpi eq, %select_n3A_1387, %eq3A_1561 : vector<16xi32>
      %eq3A_1563 = arith.constant 3 : i32
      %eq3A_1564 = vector.broadcast %eq3A_1563 : i32 to vector<16xi32>
      %eq3A_1565 = arith.cmpi eq, %select_n3A_1479, %eq3A_1564 : vector<16xi32>
      %jit3A_1566 = arith.constant 0.000000e+00 : f32
      %broadcast_in_dim3A_1567 = vector.broadcast %jit3A_1566 : f32 to vector<16xf32>
      %select_n3A_1568 = arith.select %eq3A_1565, %div3A_1511, %broadcast_in_dim3A_1567 : vector<16xi1>, vector<16xf32>
      %select_n3A_1569 = arith.select %eq3A_1562, %div3A_1508, %select_n3A_1568 : vector<16xi1>, vector<16xf32>
      %swap3A_1570 = arith.constant 3 : i32
      %swap3A_1571 = arith.index_cast %swap3A_1570 : i32 to index
      %swap3A_1572 = arith.constant 64 : index
      %swap3A_1573 = tpu.vector_load %arg5[%swap3A_1571, %swap3A_1572] {strides = array<i32>} : memref<8x128xf32, #tpu.memory_space<vmem>>, vector<1x16xf32>,
      %swap3A_1574 = vector.shape_cast %swap3A_1573 : vector<1x16xf32> to vector<16xf32>
      %swap3A_1575 = vector.shape_cast %select_n3A_1569 : vector<16xf32> to vector<1x16xf32>
      tpu.vector_store %arg5[%swap3A_1571, %swap3A_1572], %swap3A_1575 {strides = array<i32>} : memref<8x128xf32, #tpu.memory_space<vmem>>, vector<1x16xf32>,
      %eq3A_1576 = arith.constant 4 : i32
      %eq3A_1577 = vector.broadcast %eq3A_1576 : i32 to vector<16xi32>
      %eq3A_1578 = arith.cmpi eq, %select_n3A_1387, %eq3A_1577 : vector<16xi32>
      %eq3A_1579 = arith.constant 4 : i32
      %eq3A_1580 = vector.broadcast %eq3A_1579 : i32 to vector<16xi32>
      %eq3A_1581 = arith.cmpi eq, %select_n3A_1479, %eq3A_1580 : vector<16xi32>
      %jit3A_1582 = arith.constant 0.000000e+00 : f32
      %broadcast_in_dim3A_1583 = vector.broadcast %jit3A_1582 : f32 to vector<16xf32>
      %select_n3A_1584 = arith.select %eq3A_1581, %div3A_1511, %broadcast_in_dim3A_1583 : vector<16xi1>, vector<16xf32>
      %select_n3A_1585 = arith.select %eq3A_1578, %div3A_1508, %select_n3A_1584 : vector<16xi1>, vector<16xf32>
      %swap3A_1586 = arith.constant 4 : i32
      %swap3A_1587 = arith.index_cast %swap3A_1586 : i32 to index
      %swap3A_1588 = arith.constant 64 : index
      %swap3A_1589 = tpu.vector_load %arg5[%swap3A_1587, %swap3A_1588] {strides = array<i32>} : memref<8x128xf32, #tpu.memory_space<vmem>>, vector<1x16xf32>,
      %swap3A_1590 = vector.shape_cast %swap3A_1589 : vector<1x16xf32> to vector<16xf32>
      %swap3A_1591 = vector.shape_cast %select_n3A_1585 : vector<16xf32> to vector<1x16xf32>
      tpu.vector_store %arg5[%swap3A_1587, %swap3A_1588], %swap3A_1591 {strides = array<i32>} : memref<8x128xf32, #tpu.memory_space<vmem>>, vector<1x16xf32>,
      %eq3A_1592 = arith.constant 5 : i32
      %eq3A_1593 = vector.broadcast %eq3A_1592 : i32 to vector<16xi32>
      %eq3A_1594 = arith.cmpi eq, %select_n3A_1387, %eq3A_1593 : vector<16xi32>
      %eq3A_1595 = arith.constant 5 : i32
      %eq3A_1596 = vector.broadcast %eq3A_1595 : i32 to vector<16xi32>
      %eq3A_1597 = arith.cmpi eq, %select_n3A_1479, %eq3A_1596 : vector<16xi32>
      %jit3A_1598 = arith.constant 0.000000e+00 : f32
      %broadcast_in_dim3A_1599 = vector.broadcast %jit3A_1598 : f32 to vector<16xf32>
      %select_n3A_1600 = arith.select %eq3A_1597, %div3A_1511, %broadcast_in_dim3A_1599 : vector<16xi1>, vector<16xf32>
      %select_n3A_1601 = arith.select %eq3A_1594, %div3A_1508, %select_n3A_1600 : vector<16xi1>, vector<16xf32>
      %swap3A_1602 = arith.constant 5 : i32
      %swap3A_1603 = arith.index_cast %swap3A_1602 : i32 to index
      %swap3A_1604 = arith.constant 64 : index
      %swap3A_1605 = tpu.vector_load %arg5[%swap3A_1603, %swap3A_1604] {strides = array<i32>} : memref<8x128xf32, #tpu.memory_space<vmem>>, vector<1x16xf32>,
      %swap3A_1606 = vector.shape_cast %swap3A_1605 : vector<1x16xf32> to vector<16xf32>
      %swap3A_1607 = vector.shape_cast %select_n3A_1601 : vector<16xf32> to vector<1x16xf32>
      tpu.vector_store %arg5[%swap3A_1603, %swap3A_1604], %swap3A_1607 {strides = array<i32>} : memref<8x128xf32, #tpu.memory_space<vmem>>, vector<1x16xf32>,
      %eq3A_1608 = arith.constant 6 : i32
      %eq3A_1609 = vector.broadcast %eq3A_1608 : i32 to vector<16xi32>
      %eq3A_1610 = arith.cmpi eq, %select_n3A_1387, %eq3A_1609 : vector<16xi32>
      %eq3A_1611 = arith.constant 6 : i32
      %eq3A_1612 = vector.broadcast %eq3A_1611 : i32 to vector<16xi32>
      %eq3A_1613 = arith.cmpi eq, %select_n3A_1479, %eq3A_1612 : vector<16xi32>
      %jit3A_1614 = arith.constant 0.000000e+00 : f32
      %broadcast_in_dim3A_1615 = vector.broadcast %jit3A_1614 : f32 to vector<16xf32>
      %select_n3A_1616 = arith.select %eq3A_1613, %div3A_1511, %broadcast_in_dim3A_1615 : vector<16xi1>, vector<16xf32>
      %select_n3A_1617 = arith.select %eq3A_1610, %div3A_1508, %select_n3A_1616 : vector<16xi1>, vector<16xf32>
      %swap3A_1618 = arith.constant 6 : i32
      %swap3A_1619 = arith.index_cast %swap3A_1618 : i32 to index
      %swap3A_1620 = arith.constant 64 : index
      %swap3A_1621 = tpu.vector_load %arg5[%swap3A_1619, %swap3A_1620] {strides = array<i32>} : memref<8x128xf32, #tpu.memory_space<vmem>>, vector<1x16xf32>,
      %swap3A_1622 = vector.shape_cast %swap3A_1621 : vector<1x16xf32> to vector<16xf32>
      %swap3A_1623 = vector.shape_cast %select_n3A_1617 : vector<16xf32> to vector<1x16xf32>
      tpu.vector_store %arg5[%swap3A_1619, %swap3A_1620], %swap3A_1623 {strides = array<i32>} : memref<8x128xf32, #tpu.memory_space<vmem>>, vector<1x16xf32>,
      %eq3A_1624 = arith.constant 7 : i32
      %eq3A_1625 = vector.broadcast %eq3A_1624 : i32 to vector<16xi32>
      %eq3A_1626 = arith.cmpi eq, %select_n3A_1387, %eq3A_1625 : vector<16xi32>
      %eq3A_1627 = arith.constant 7 : i32
      %eq3A_1628 = vector.broadcast %eq3A_1627 : i32 to vector<16xi32>
      %eq3A_1629 = arith.cmpi eq, %select_n3A_1479, %eq3A_1628 : vector<16xi32>
      %jit3A_1630 = arith.constant 0.000000e+00 : f32
      %broadcast_in_dim3A_1631 = vector.broadcast %jit3A_1630 : f32 to vector<16xf32>
      %select_n3A_1632 = arith.select %eq3A_1629, %div3A_1511, %broadcast_in_dim3A_1631 : vector<16xi1>, vector<16xf32>
      %select_n3A_1633 = arith.select %eq3A_1626, %div3A_1508, %select_n3A_1632 : vector<16xi1>, vector<16xf32>
      %swap3A_1634 = arith.constant 7 : i32
      %swap3A_1635 = arith.index_cast %swap3A_1634 : i32 to index
      %swap3A_1636 = arith.constant 64 : index
      %swap3A_1637 = tpu.vector_load %arg5[%swap3A_1635, %swap3A_1636] {strides = array<i32>} : memref<8x128xf32, #tpu.memory_space<vmem>>, vector<1x16xf32>,
      %swap3A_1638 = vector.shape_cast %swap3A_1637 : vector<1x16xf32> to vector<16xf32>
      %swap3A_1639 = vector.shape_cast %select_n3A_1633 : vector<16xf32> to vector<1x16xf32>
      tpu.vector_store %arg5[%swap3A_1635, %swap3A_1636], %swap3A_1639 {strides = array<i32>} : memref<8x128xf32, #tpu.memory_space<vmem>>, vector<1x16xf32>,
      %get3A_1640 = arith.constant 0 : i32
      %get3A_1641 = arith.index_cast %get3A_1640 : i32 to index
      %get3A_1642 = arith.constant 80 : index
      %get3A_1643 = tpu.vector_load %arg4[%get3A_1641, %get3A_1642] {strides = array<i32>} : memref<8x128xf32, #tpu.memory_space<vmem>>, vector<1x16xf32>,
      %get3A_1644 = vector.shape_cast %get3A_1643 : vector<1x16xf32> to vector<16xf32>
      %get3A_1645 = arith.constant 1 : i32
      %get3A_1646 = arith.index_cast %get3A_1645 : i32 to index
      %get3A_1647 = arith.constant 80 : index
      %get3A_1648 = tpu.vector_load %arg4[%get3A_1646, %get3A_1647] {strides = array<i32>} : memref<8x128xf32, #tpu.memory_space<vmem>>, vector<1x16xf32>,
      %get3A_1649 = vector.shape_cast %get3A_1648 : vector<1x16xf32> to vector<16xf32>
      %get3A_1650 = arith.constant 2 : i32
      %get3A_1651 = arith.index_cast %get3A_1650 : i32 to index
      %get3A_1652 = arith.constant 80 : index
      %get3A_1653 = tpu.vector_load %arg4[%get3A_1651, %get3A_1652] {strides = array<i32>} : memref<8x128xf32, #tpu.memory_space<vmem>>, vector<1x16xf32>,
      %get3A_1654 = vector.shape_cast %get3A_1653 : vector<1x16xf32> to vector<16xf32>
      %get3A_1655 = arith.constant 3 : i32
      %get3A_1656 = arith.index_cast %get3A_1655 : i32 to index
      %get3A_1657 = arith.constant 80 : index
      %get3A_1658 = tpu.vector_load %arg4[%get3A_1656, %get3A_1657] {strides = array<i32>} : memref<8x128xf32, #tpu.memory_space<vmem>>, vector<1x16xf32>,
      %get3A_1659 = vector.shape_cast %get3A_1658 : vector<1x16xf32> to vector<16xf32>
      %get3A_1660 = arith.constant 4 : i32
      %get3A_1661 = arith.index_cast %get3A_1660 : i32 to index
      %get3A_1662 = arith.constant 80 : index
      %get3A_1663 = tpu.vector_load %arg4[%get3A_1661, %get3A_1662] {strides = array<i32>} : memref<8x128xf32, #tpu.memory_space<vmem>>, vector<1x16xf32>,
      %get3A_1664 = vector.shape_cast %get3A_1663 : vector<1x16xf32> to vector<16xf32>
      %get3A_1665 = arith.constant 5 : i32
      %get3A_1666 = arith.index_cast %get3A_1665 : i32 to index
      %get3A_1667 = arith.constant 80 : index
      %get3A_1668 = tpu.vector_load %arg4[%get3A_1666, %get3A_1667] {strides = array<i32>} : memref<8x128xf32, #tpu.memory_space<vmem>>, vector<1x16xf32>,
      %get3A_1669 = vector.shape_cast %get3A_1668 : vector<1x16xf32> to vector<16xf32>
      %get3A_1670 = arith.constant 6 : i32
      %get3A_1671 = arith.index_cast %get3A_1670 : i32 to index
      %get3A_1672 = arith.constant 80 : index
      %get3A_1673 = tpu.vector_load %arg4[%get3A_1671, %get3A_1672] {strides = array<i32>} : memref<8x128xf32, #tpu.memory_space<vmem>>, vector<1x16xf32>,
      %get3A_1674 = vector.shape_cast %get3A_1673 : vector<1x16xf32> to vector<16xf32>
      %get3A_1675 = arith.constant 7 : i32
      %get3A_1676 = arith.index_cast %get3A_1675 : i32 to index
      %get3A_1677 = arith.constant 80 : index
      %get3A_1678 = tpu.vector_load %arg4[%get3A_1676, %get3A_1677] {strides = array<i32>} : memref<8x128xf32, #tpu.memory_space<vmem>>, vector<1x16xf32>,
      %get3A_1679 = vector.shape_cast %get3A_1678 : vector<1x16xf32> to vector<16xf32>
      %broadcast_in_dim3A_1680 = arith.constant 0 : i32
      %broadcast_in_dim3A_1681 = vector.broadcast %broadcast_in_dim3A_1680 : i32 to vector<16xi32>
      %gt3A_1682 = arith.cmpf ogt, %get3A_1649, %get3A_1644 : vector<16xf32>
      %select_n3A_1683 = arith.select %gt3A_1682, %get3A_1649, %get3A_1644 : vector<16xi1>, vector<16xf32>
      %jit3A_1684 = arith.constant 1 : i32
      %broadcast_in_dim3A_1685 = vector.broadcast %jit3A_1684 : i32 to vector<16xi32>
      %select_n3A_1686 = arith.select %gt3A_1682, %broadcast_in_dim3A_1685, %broadcast_in_dim3A_1681 : vector<16xi1>, vector<16xi32>
      %gt3A_1687 = arith.cmpf ogt, %get3A_1654, %select_n3A_1683 : vector<16xf32>
      %select_n3A_1688 = arith.select %gt3A_1687, %get3A_1654, %select_n3A_1683 : vector<16xi1>, vector<16xf32>
      %jit3A_1689 = arith.constant 2 : i32
      %broadcast_in_dim3A_1690 = vector.broadcast %jit3A_1689 : i32 to vector<16xi32>
      %select_n3A_1691 = arith.select %gt3A_1687, %broadcast_in_dim3A_1690, %select_n3A_1686 : vector<16xi1>, vector<16xi32>
      %gt3A_1692 = arith.cmpf ogt, %get3A_1659, %select_n3A_1688 : vector<16xf32>
      %select_n3A_1693 = arith.select %gt3A_1692, %get3A_1659, %select_n3A_1688 : vector<16xi1>, vector<16xf32>
      %jit3A_1694 = arith.constant 3 : i32
      %broadcast_in_dim3A_1695 = vector.broadcast %jit3A_1694 : i32 to vector<16xi32>
      %select_n3A_1696 = arith.select %gt3A_1692, %broadcast_in_dim3A_1695, %select_n3A_1691 : vector<16xi1>, vector<16xi32>
      %gt3A_1697 = arith.cmpf ogt, %get3A_1664, %select_n3A_1693 : vector<16xf32>
      %select_n3A_1698 = arith.select %gt3A_1697, %get3A_1664, %select_n3A_1693 : vector<16xi1>, vector<16xf32>
      %jit3A_1699 = arith.constant 4 : i32
      %broadcast_in_dim3A_1700 = vector.broadcast %jit3A_1699 : i32 to vector<16xi32>
      %select_n3A_1701 = arith.select %gt3A_1697, %broadcast_in_dim3A_1700, %select_n3A_1696 : vector<16xi1>, vector<16xi32>
      %gt3A_1702 = arith.cmpf ogt, %get3A_1669, %select_n3A_1698 : vector<16xf32>
      %select_n3A_1703 = arith.select %gt3A_1702, %get3A_1669, %select_n3A_1698 : vector<16xi1>, vector<16xf32>
      %jit3A_1704 = arith.constant 5 : i32
      %broadcast_in_dim3A_1705 = vector.broadcast %jit3A_1704 : i32 to vector<16xi32>
      %select_n3A_1706 = arith.select %gt3A_1702, %broadcast_in_dim3A_1705, %select_n3A_1701 : vector<16xi1>, vector<16xi32>
      %gt3A_1707 = arith.cmpf ogt, %get3A_1674, %select_n3A_1703 : vector<16xf32>
      %select_n3A_1708 = arith.select %gt3A_1707, %get3A_1674, %select_n3A_1703 : vector<16xi1>, vector<16xf32>
      %jit3A_1709 = arith.constant 6 : i32
      %broadcast_in_dim3A_1710 = vector.broadcast %jit3A_1709 : i32 to vector<16xi32>
      %select_n3A_1711 = arith.select %gt3A_1707, %broadcast_in_dim3A_1710, %select_n3A_1706 : vector<16xi1>, vector<16xi32>
      %gt3A_1712 = arith.cmpf ogt, %get3A_1679, %select_n3A_1708 : vector<16xf32>
      %select_n3A_1713 = arith.select %gt3A_1712, %get3A_1679, %select_n3A_1708 : vector<16xi1>, vector<16xf32>
      %jit3A_1714 = arith.constant 7 : i32
      %broadcast_in_dim3A_1715 = vector.broadcast %jit3A_1714 : i32 to vector<16xi32>
      %select_n3A_1716 = arith.select %gt3A_1712, %broadcast_in_dim3A_1715, %select_n3A_1711 : vector<16xi1>, vector<16xi32>
      %broadcast_in_dim3A_1717 = arith.constant -1.000000e+30 : f32
      %broadcast_in_dim3A_1718 = vector.broadcast %broadcast_in_dim3A_1717 : f32 to vector<16xf32>
      %broadcast_in_dim3A_1719 = arith.constant 8 : i32
      %broadcast_in_dim3A_1720 = vector.broadcast %broadcast_in_dim3A_1719 : i32 to vector<16xi32>
      %eq3A_1721 = arith.constant 0 : i32
      %eq3A_1722 = vector.broadcast %eq3A_1721 : i32 to vector<16xi32>
      %eq3A_1723 = arith.cmpi eq, %select_n3A_1716, %eq3A_1722 : vector<16xi32>
      %jit3A_1724 = arith.constant -1.000000e+30 : f32
      %broadcast_in_dim3A_1725 = vector.broadcast %jit3A_1724 : f32 to vector<16xf32>
      %select_n3A_1726 = arith.select %eq3A_1723, %broadcast_in_dim3A_1725, %get3A_1644 : vector<16xi1>, vector<16xf32>
      %gt3A_1727 = arith.cmpf ogt, %select_n3A_1726, %broadcast_in_dim3A_1718 : vector<16xf32>
      %select_n3A_1728 = arith.select %gt3A_1727, %select_n3A_1726, %broadcast_in_dim3A_1718 : vector<16xi1>, vector<16xf32>
      %jit3A_1729 = arith.constant 0 : i32
      %broadcast_in_dim3A_1730 = vector.broadcast %jit3A_1729 : i32 to vector<16xi32>
      %select_n3A_1731 = arith.select %gt3A_1727, %broadcast_in_dim3A_1730, %broadcast_in_dim3A_1720 : vector<16xi1>, vector<16xi32>
      %eq3A_1732 = arith.constant 1 : i32
      %eq3A_1733 = vector.broadcast %eq3A_1732 : i32 to vector<16xi32>
      %eq3A_1734 = arith.cmpi eq, %select_n3A_1716, %eq3A_1733 : vector<16xi32>
      %jit3A_1735 = arith.constant -1.000000e+30 : f32
      %broadcast_in_dim3A_1736 = vector.broadcast %jit3A_1735 : f32 to vector<16xf32>
      %select_n3A_1737 = arith.select %eq3A_1734, %broadcast_in_dim3A_1736, %get3A_1649 : vector<16xi1>, vector<16xf32>
      %gt3A_1738 = arith.cmpf ogt, %select_n3A_1737, %select_n3A_1728 : vector<16xf32>
      %select_n3A_1739 = arith.select %gt3A_1738, %select_n3A_1737, %select_n3A_1728 : vector<16xi1>, vector<16xf32>
      %jit3A_1740 = arith.constant 1 : i32
      %broadcast_in_dim3A_1741 = vector.broadcast %jit3A_1740 : i32 to vector<16xi32>
      %select_n3A_1742 = arith.select %gt3A_1738, %broadcast_in_dim3A_1741, %select_n3A_1731 : vector<16xi1>, vector<16xi32>
      %eq3A_1743 = arith.constant 2 : i32
      %eq3A_1744 = vector.broadcast %eq3A_1743 : i32 to vector<16xi32>
      %eq3A_1745 = arith.cmpi eq, %select_n3A_1716, %eq3A_1744 : vector<16xi32>
      %jit3A_1746 = arith.constant -1.000000e+30 : f32
      %broadcast_in_dim3A_1747 = vector.broadcast %jit3A_1746 : f32 to vector<16xf32>
      %select_n3A_1748 = arith.select %eq3A_1745, %broadcast_in_dim3A_1747, %get3A_1654 : vector<16xi1>, vector<16xf32>
      %gt3A_1749 = arith.cmpf ogt, %select_n3A_1748, %select_n3A_1739 : vector<16xf32>
      %select_n3A_1750 = arith.select %gt3A_1749, %select_n3A_1748, %select_n3A_1739 : vector<16xi1>, vector<16xf32>
      %jit3A_1751 = arith.constant 2 : i32
      %broadcast_in_dim3A_1752 = vector.broadcast %jit3A_1751 : i32 to vector<16xi32>
      %select_n3A_1753 = arith.select %gt3A_1749, %broadcast_in_dim3A_1752, %select_n3A_1742 : vector<16xi1>, vector<16xi32>
      %eq3A_1754 = arith.constant 3 : i32
      %eq3A_1755 = vector.broadcast %eq3A_1754 : i32 to vector<16xi32>
      %eq3A_1756 = arith.cmpi eq, %select_n3A_1716, %eq3A_1755 : vector<16xi32>
      %jit3A_1757 = arith.constant -1.000000e+30 : f32
      %broadcast_in_dim3A_1758 = vector.broadcast %jit3A_1757 : f32 to vector<16xf32>
      %select_n3A_1759 = arith.select %eq3A_1756, %broadcast_in_dim3A_1758, %get3A_1659 : vector<16xi1>, vector<16xf32>
      %gt3A_1760 = arith.cmpf ogt, %select_n3A_1759, %select_n3A_1750 : vector<16xf32>
      %select_n3A_1761 = arith.select %gt3A_1760, %select_n3A_1759, %select_n3A_1750 : vector<16xi1>, vector<16xf32>
      %jit3A_1762 = arith.constant 3 : i32
      %broadcast_in_dim3A_1763 = vector.broadcast %jit3A_1762 : i32 to vector<16xi32>
      %select_n3A_1764 = arith.select %gt3A_1760, %broadcast_in_dim3A_1763, %select_n3A_1753 : vector<16xi1>, vector<16xi32>
      %eq3A_1765 = arith.constant 4 : i32
      %eq3A_1766 = vector.broadcast %eq3A_1765 : i32 to vector<16xi32>
      %eq3A_1767 = arith.cmpi eq, %select_n3A_1716, %eq3A_1766 : vector<16xi32>
      %jit3A_1768 = arith.constant -1.000000e+30 : f32
      %broadcast_in_dim3A_1769 = vector.broadcast %jit3A_1768 : f32 to vector<16xf32>
      %select_n3A_1770 = arith.select %eq3A_1767, %broadcast_in_dim3A_1769, %get3A_1664 : vector<16xi1>, vector<16xf32>
      %gt3A_1771 = arith.cmpf ogt, %select_n3A_1770, %select_n3A_1761 : vector<16xf32>
      %select_n3A_1772 = arith.select %gt3A_1771, %select_n3A_1770, %select_n3A_1761 : vector<16xi1>, vector<16xf32>
      %jit3A_1773 = arith.constant 4 : i32
      %broadcast_in_dim3A_1774 = vector.broadcast %jit3A_1773 : i32 to vector<16xi32>
      %select_n3A_1775 = arith.select %gt3A_1771, %broadcast_in_dim3A_1774, %select_n3A_1764 : vector<16xi1>, vector<16xi32>
      %eq3A_1776 = arith.constant 5 : i32
      %eq3A_1777 = vector.broadcast %eq3A_1776 : i32 to vector<16xi32>
      %eq3A_1778 = arith.cmpi eq, %select_n3A_1716, %eq3A_1777 : vector<16xi32>
      %jit3A_1779 = arith.constant -1.000000e+30 : f32
      %broadcast_in_dim3A_1780 = vector.broadcast %jit3A_1779 : f32 to vector<16xf32>
      %select_n3A_1781 = arith.select %eq3A_1778, %broadcast_in_dim3A_1780, %get3A_1669 : vector<16xi1>, vector<16xf32>
      %gt3A_1782 = arith.cmpf ogt, %select_n3A_1781, %select_n3A_1772 : vector<16xf32>
      %select_n3A_1783 = arith.select %gt3A_1782, %select_n3A_1781, %select_n3A_1772 : vector<16xi1>, vector<16xf32>
      %jit3A_1784 = arith.constant 5 : i32
      %broadcast_in_dim3A_1785 = vector.broadcast %jit3A_1784 : i32 to vector<16xi32>
      %select_n3A_1786 = arith.select %gt3A_1782, %broadcast_in_dim3A_1785, %select_n3A_1775 : vector<16xi1>, vector<16xi32>
      %eq3A_1787 = arith.constant 6 : i32
      %eq3A_1788 = vector.broadcast %eq3A_1787 : i32 to vector<16xi32>
      %eq3A_1789 = arith.cmpi eq, %select_n3A_1716, %eq3A_1788 : vector<16xi32>
      %jit3A_1790 = arith.constant -1.000000e+30 : f32
      %broadcast_in_dim3A_1791 = vector.broadcast %jit3A_1790 : f32 to vector<16xf32>
      %select_n3A_1792 = arith.select %eq3A_1789, %broadcast_in_dim3A_1791, %get3A_1674 : vector<16xi1>, vector<16xf32>
      %gt3A_1793 = arith.cmpf ogt, %select_n3A_1792, %select_n3A_1783 : vector<16xf32>
      %select_n3A_1794 = arith.select %gt3A_1793, %select_n3A_1792, %select_n3A_1783 : vector<16xi1>, vector<16xf32>
      %jit3A_1795 = arith.constant 6 : i32
      %broadcast_in_dim3A_1796 = vector.broadcast %jit3A_1795 : i32 to vector<16xi32>
      %select_n3A_1797 = arith.select %gt3A_1793, %broadcast_in_dim3A_1796, %select_n3A_1786 : vector<16xi1>, vector<16xi32>
      %eq3A_1798 = arith.constant 7 : i32
      %eq3A_1799 = vector.broadcast %eq3A_1798 : i32 to vector<16xi32>
      %eq3A_1800 = arith.cmpi eq, %select_n3A_1716, %eq3A_1799 : vector<16xi32>
      %jit3A_1801 = arith.constant -1.000000e+30 : f32
      %broadcast_in_dim3A_1802 = vector.broadcast %jit3A_1801 : f32 to vector<16xf32>
      %select_n3A_1803 = arith.select %eq3A_1800, %broadcast_in_dim3A_1802, %get3A_1679 : vector<16xi1>, vector<16xf32>
      %gt3A_1804 = arith.cmpf ogt, %select_n3A_1803, %select_n3A_1794 : vector<16xf32>
      %select_n3A_1805 = arith.select %gt3A_1804, %select_n3A_1803, %select_n3A_1794 : vector<16xi1>, vector<16xf32>
      %jit3A_1806 = arith.constant 7 : i32
      %broadcast_in_dim3A_1807 = vector.broadcast %jit3A_1806 : i32 to vector<16xi32>
      %select_n3A_1808 = arith.select %gt3A_1804, %broadcast_in_dim3A_1807, %select_n3A_1797 : vector<16xi1>, vector<16xi32>
      %broadcast_in_dim3A_1809 = arith.constant 0.000000e+00 : f32
      %broadcast_in_dim3A_1810 = vector.broadcast %broadcast_in_dim3A_1809 : f32 to vector<16xf32>
      %sub3A_1811 = arith.subf %get3A_1644, %select_n3A_1713 : vector<16xf32>
      %exp3A_1812 = math.exp %sub3A_1811 : vector<16xf32>
      %add3A_1813 = arith.addf %broadcast_in_dim3A_1810, %exp3A_1812 : vector<16xf32>
      %sub3A_1814 = arith.subf %get3A_1649, %select_n3A_1713 : vector<16xf32>
      %exp3A_1815 = math.exp %sub3A_1814 : vector<16xf32>
      %add3A_1816 = arith.addf %add3A_1813, %exp3A_1815 : vector<16xf32>
      %sub3A_1817 = arith.subf %get3A_1654, %select_n3A_1713 : vector<16xf32>
      %exp3A_1818 = math.exp %sub3A_1817 : vector<16xf32>
      %add3A_1819 = arith.addf %add3A_1816, %exp3A_1818 : vector<16xf32>
      %sub3A_1820 = arith.subf %get3A_1659, %select_n3A_1713 : vector<16xf32>
      %exp3A_1821 = math.exp %sub3A_1820 : vector<16xf32>
      %add3A_1822 = arith.addf %add3A_1819, %exp3A_1821 : vector<16xf32>
      %sub3A_1823 = arith.subf %get3A_1664, %select_n3A_1713 : vector<16xf32>
      %exp3A_1824 = math.exp %sub3A_1823 : vector<16xf32>
      %add3A_1825 = arith.addf %add3A_1822, %exp3A_1824 : vector<16xf32>
      %sub3A_1826 = arith.subf %get3A_1669, %select_n3A_1713 : vector<16xf32>
      %exp3A_1827 = math.exp %sub3A_1826 : vector<16xf32>
      %add3A_1828 = arith.addf %add3A_1825, %exp3A_1827 : vector<16xf32>
      %sub3A_1829 = arith.subf %get3A_1674, %select_n3A_1713 : vector<16xf32>
      %exp3A_1830 = math.exp %sub3A_1829 : vector<16xf32>
      %add3A_1831 = arith.addf %add3A_1828, %exp3A_1830 : vector<16xf32>
      %sub3A_1832 = arith.subf %get3A_1679, %select_n3A_1713 : vector<16xf32>
      %exp3A_1833 = math.exp %sub3A_1832 : vector<16xf32>
      %add3A_1834 = arith.addf %add3A_1831, %exp3A_1833 : vector<16xf32>
      %div3A_1835 = arith.constant 1.000000e+00 : f32
      %div3A_1836 = vector.broadcast %div3A_1835 : f32 to vector<16xf32>
      %div3A_1837 = arith.divf %div3A_1836, %add3A_1834 : vector<16xf32>
      %sub3A_1838 = arith.subf %select_n3A_1805, %select_n3A_1713 : vector<16xf32>
      %exp3A_1839 = math.exp %sub3A_1838 : vector<16xf32>
      %div3A_1840 = arith.divf %exp3A_1839, %add3A_1834 : vector<16xf32>
      %eq3A_1841 = arith.constant 0 : i32
      %eq3A_1842 = vector.broadcast %eq3A_1841 : i32 to vector<16xi32>
      %eq3A_1843 = arith.cmpi eq, %select_n3A_1716, %eq3A_1842 : vector<16xi32>
      %eq3A_1844 = arith.constant 0 : i32
      %eq3A_1845 = vector.broadcast %eq3A_1844 : i32 to vector<16xi32>
      %eq3A_1846 = arith.cmpi eq, %select_n3A_1808, %eq3A_1845 : vector<16xi32>
      %jit3A_1847 = arith.constant 0.000000e+00 : f32
      %broadcast_in_dim3A_1848 = vector.broadcast %jit3A_1847 : f32 to vector<16xf32>
      %select_n3A_1849 = arith.select %eq3A_1846, %div3A_1840, %broadcast_in_dim3A_1848 : vector<16xi1>, vector<16xf32>
      %select_n3A_1850 = arith.select %eq3A_1843, %div3A_1837, %select_n3A_1849 : vector<16xi1>, vector<16xf32>
      %swap3A_1851 = arith.constant 0 : i32
      %swap3A_1852 = arith.index_cast %swap3A_1851 : i32 to index
      %swap3A_1853 = arith.constant 80 : index
      %swap3A_1854 = tpu.vector_load %arg5[%swap3A_1852, %swap3A_1853] {strides = array<i32>} : memref<8x128xf32, #tpu.memory_space<vmem>>, vector<1x16xf32>,
      %swap3A_1855 = vector.shape_cast %swap3A_1854 : vector<1x16xf32> to vector<16xf32>
      %swap3A_1856 = vector.shape_cast %select_n3A_1850 : vector<16xf32> to vector<1x16xf32>
      tpu.vector_store %arg5[%swap3A_1852, %swap3A_1853], %swap3A_1856 {strides = array<i32>} : memref<8x128xf32, #tpu.memory_space<vmem>>, vector<1x16xf32>,
      %eq3A_1857 = arith.constant 1 : i32
      %eq3A_1858 = vector.broadcast %eq3A_1857 : i32 to vector<16xi32>
      %eq3A_1859 = arith.cmpi eq, %select_n3A_1716, %eq3A_1858 : vector<16xi32>
      %eq3A_1860 = arith.constant 1 : i32
      %eq3A_1861 = vector.broadcast %eq3A_1860 : i32 to vector<16xi32>
      %eq3A_1862 = arith.cmpi eq, %select_n3A_1808, %eq3A_1861 : vector<16xi32>
      %jit3A_1863 = arith.constant 0.000000e+00 : f32
      %broadcast_in_dim3A_1864 = vector.broadcast %jit3A_1863 : f32 to vector<16xf32>
      %select_n3A_1865 = arith.select %eq3A_1862, %div3A_1840, %broadcast_in_dim3A_1864 : vector<16xi1>, vector<16xf32>
      %select_n3A_1866 = arith.select %eq3A_1859, %div3A_1837, %select_n3A_1865 : vector<16xi1>, vector<16xf32>
      %swap3A_1867 = arith.constant 1 : i32
      %swap3A_1868 = arith.index_cast %swap3A_1867 : i32 to index
      %swap3A_1869 = arith.constant 80 : index
      %swap3A_1870 = tpu.vector_load %arg5[%swap3A_1868, %swap3A_1869] {strides = array<i32>} : memref<8x128xf32, #tpu.memory_space<vmem>>, vector<1x16xf32>,
      %swap3A_1871 = vector.shape_cast %swap3A_1870 : vector<1x16xf32> to vector<16xf32>
      %swap3A_1872 = vector.shape_cast %select_n3A_1866 : vector<16xf32> to vector<1x16xf32>
      tpu.vector_store %arg5[%swap3A_1868, %swap3A_1869], %swap3A_1872 {strides = array<i32>} : memref<8x128xf32, #tpu.memory_space<vmem>>, vector<1x16xf32>,
      %eq3A_1873 = arith.constant 2 : i32
      %eq3A_1874 = vector.broadcast %eq3A_1873 : i32 to vector<16xi32>
      %eq3A_1875 = arith.cmpi eq, %select_n3A_1716, %eq3A_1874 : vector<16xi32>
      %eq3A_1876 = arith.constant 2 : i32
      %eq3A_1877 = vector.broadcast %eq3A_1876 : i32 to vector<16xi32>
      %eq3A_1878 = arith.cmpi eq, %select_n3A_1808, %eq3A_1877 : vector<16xi32>
      %jit3A_1879 = arith.constant 0.000000e+00 : f32
      %broadcast_in_dim3A_1880 = vector.broadcast %jit3A_1879 : f32 to vector<16xf32>
      %select_n3A_1881 = arith.select %eq3A_1878, %div3A_1840, %broadcast_in_dim3A_1880 : vector<16xi1>, vector<16xf32>
      %select_n3A_1882 = arith.select %eq3A_1875, %div3A_1837, %select_n3A_1881 : vector<16xi1>, vector<16xf32>
      %swap3A_1883 = arith.constant 2 : i32
      %swap3A_1884 = arith.index_cast %swap3A_1883 : i32 to index
      %swap3A_1885 = arith.constant 80 : index
      %swap3A_1886 = tpu.vector_load %arg5[%swap3A_1884, %swap3A_1885] {strides = array<i32>} : memref<8x128xf32, #tpu.memory_space<vmem>>, vector<1x16xf32>,
      %swap3A_1887 = vector.shape_cast %swap3A_1886 : vector<1x16xf32> to vector<16xf32>
      %swap3A_1888 = vector.shape_cast %select_n3A_1882 : vector<16xf32> to vector<1x16xf32>
      tpu.vector_store %arg5[%swap3A_1884, %swap3A_1885], %swap3A_1888 {strides = array<i32>} : memref<8x128xf32, #tpu.memory_space<vmem>>, vector<1x16xf32>,
      %eq3A_1889 = arith.constant 3 : i32
      %eq3A_1890 = vector.broadcast %eq3A_1889 : i32 to vector<16xi32>
      %eq3A_1891 = arith.cmpi eq, %select_n3A_1716, %eq3A_1890 : vector<16xi32>
      %eq3A_1892 = arith.constant 3 : i32
      %eq3A_1893 = vector.broadcast %eq3A_1892 : i32 to vector<16xi32>
      %eq3A_1894 = arith.cmpi eq, %select_n3A_1808, %eq3A_1893 : vector<16xi32>
      %jit3A_1895 = arith.constant 0.000000e+00 : f32
      %broadcast_in_dim3A_1896 = vector.broadcast %jit3A_1895 : f32 to vector<16xf32>
      %select_n3A_1897 = arith.select %eq3A_1894, %div3A_1840, %broadcast_in_dim3A_1896 : vector<16xi1>, vector<16xf32>
      %select_n3A_1898 = arith.select %eq3A_1891, %div3A_1837, %select_n3A_1897 : vector<16xi1>, vector<16xf32>
      %swap3A_1899 = arith.constant 3 : i32
      %swap3A_1900 = arith.index_cast %swap3A_1899 : i32 to index
      %swap3A_1901 = arith.constant 80 : index
      %swap3A_1902 = tpu.vector_load %arg5[%swap3A_1900, %swap3A_1901] {strides = array<i32>} : memref<8x128xf32, #tpu.memory_space<vmem>>, vector<1x16xf32>,
      %swap3A_1903 = vector.shape_cast %swap3A_1902 : vector<1x16xf32> to vector<16xf32>
      %swap3A_1904 = vector.shape_cast %select_n3A_1898 : vector<16xf32> to vector<1x16xf32>
      tpu.vector_store %arg5[%swap3A_1900, %swap3A_1901], %swap3A_1904 {strides = array<i32>} : memref<8x128xf32, #tpu.memory_space<vmem>>, vector<1x16xf32>,
      %eq3A_1905 = arith.constant 4 : i32
      %eq3A_1906 = vector.broadcast %eq3A_1905 : i32 to vector<16xi32>
      %eq3A_1907 = arith.cmpi eq, %select_n3A_1716, %eq3A_1906 : vector<16xi32>
      %eq3A_1908 = arith.constant 4 : i32
      %eq3A_1909 = vector.broadcast %eq3A_1908 : i32 to vector<16xi32>
      %eq3A_1910 = arith.cmpi eq, %select_n3A_1808, %eq3A_1909 : vector<16xi32>
      %jit3A_1911 = arith.constant 0.000000e+00 : f32
      %broadcast_in_dim3A_1912 = vector.broadcast %jit3A_1911 : f32 to vector<16xf32>
      %select_n3A_1913 = arith.select %eq3A_1910, %div3A_1840, %broadcast_in_dim3A_1912 : vector<16xi1>, vector<16xf32>
      %select_n3A_1914 = arith.select %eq3A_1907, %div3A_1837, %select_n3A_1913 : vector<16xi1>, vector<16xf32>
      %swap3A_1915 = arith.constant 4 : i32
      %swap3A_1916 = arith.index_cast %swap3A_1915 : i32 to index
      %swap3A_1917 = arith.constant 80 : index
      %swap3A_1918 = tpu.vector_load %arg5[%swap3A_1916, %swap3A_1917] {strides = array<i32>} : memref<8x128xf32, #tpu.memory_space<vmem>>, vector<1x16xf32>,
      %swap3A_1919 = vector.shape_cast %swap3A_1918 : vector<1x16xf32> to vector<16xf32>
      %swap3A_1920 = vector.shape_cast %select_n3A_1914 : vector<16xf32> to vector<1x16xf32>
      tpu.vector_store %arg5[%swap3A_1916, %swap3A_1917], %swap3A_1920 {strides = array<i32>} : memref<8x128xf32, #tpu.memory_space<vmem>>, vector<1x16xf32>,
      %eq3A_1921 = arith.constant 5 : i32
      %eq3A_1922 = vector.broadcast %eq3A_1921 : i32 to vector<16xi32>
      %eq3A_1923 = arith.cmpi eq, %select_n3A_1716, %eq3A_1922 : vector<16xi32>
      %eq3A_1924 = arith.constant 5 : i32
      %eq3A_1925 = vector.broadcast %eq3A_1924 : i32 to vector<16xi32>
      %eq3A_1926 = arith.cmpi eq, %select_n3A_1808, %eq3A_1925 : vector<16xi32>
      %jit3A_1927 = arith.constant 0.000000e+00 : f32
      %broadcast_in_dim3A_1928 = vector.broadcast %jit3A_1927 : f32 to vector<16xf32>
      %select_n3A_1929 = arith.select %eq3A_1926, %div3A_1840, %broadcast_in_dim3A_1928 : vector<16xi1>, vector<16xf32>
      %select_n3A_1930 = arith.select %eq3A_1923, %div3A_1837, %select_n3A_1929 : vector<16xi1>, vector<16xf32>
      %swap3A_1931 = arith.constant 5 : i32
      %swap3A_1932 = arith.index_cast %swap3A_1931 : i32 to index
      %swap3A_1933 = arith.constant 80 : index
      %swap3A_1934 = tpu.vector_load %arg5[%swap3A_1932, %swap3A_1933] {strides = array<i32>} : memref<8x128xf32, #tpu.memory_space<vmem>>, vector<1x16xf32>,
      %swap3A_1935 = vector.shape_cast %swap3A_1934 : vector<1x16xf32> to vector<16xf32>
      %swap3A_1936 = vector.shape_cast %select_n3A_1930 : vector<16xf32> to vector<1x16xf32>
      tpu.vector_store %arg5[%swap3A_1932, %swap3A_1933], %swap3A_1936 {strides = array<i32>} : memref<8x128xf32, #tpu.memory_space<vmem>>, vector<1x16xf32>,
      %eq3A_1937 = arith.constant 6 : i32
      %eq3A_1938 = vector.broadcast %eq3A_1937 : i32 to vector<16xi32>
      %eq3A_1939 = arith.cmpi eq, %select_n3A_1716, %eq3A_1938 : vector<16xi32>
      %eq3A_1940 = arith.constant 6 : i32
      %eq3A_1941 = vector.broadcast %eq3A_1940 : i32 to vector<16xi32>
      %eq3A_1942 = arith.cmpi eq, %select_n3A_1808, %eq3A_1941 : vector<16xi32>
      %jit3A_1943 = arith.constant 0.000000e+00 : f32
      %broadcast_in_dim3A_1944 = vector.broadcast %jit3A_1943 : f32 to vector<16xf32>
      %select_n3A_1945 = arith.select %eq3A_1942, %div3A_1840, %broadcast_in_dim3A_1944 : vector<16xi1>, vector<16xf32>
      %select_n3A_1946 = arith.select %eq3A_1939, %div3A_1837, %select_n3A_1945 : vector<16xi1>, vector<16xf32>
      %swap3A_1947 = arith.constant 6 : i32
      %swap3A_1948 = arith.index_cast %swap3A_1947 : i32 to index
      %swap3A_1949 = arith.constant 80 : index
      %swap3A_1950 = tpu.vector_load %arg5[%swap3A_1948, %swap3A_1949] {strides = array<i32>} : memref<8x128xf32, #tpu.memory_space<vmem>>, vector<1x16xf32>,
      %swap3A_1951 = vector.shape_cast %swap3A_1950 : vector<1x16xf32> to vector<16xf32>
      %swap3A_1952 = vector.shape_cast %select_n3A_1946 : vector<16xf32> to vector<1x16xf32>
      tpu.vector_store %arg5[%swap3A_1948, %swap3A_1949], %swap3A_1952 {strides = array<i32>} : memref<8x128xf32, #tpu.memory_space<vmem>>, vector<1x16xf32>,
      %eq3A_1953 = arith.constant 7 : i32
      %eq3A_1954 = vector.broadcast %eq3A_1953 : i32 to vector<16xi32>
      %eq3A_1955 = arith.cmpi eq, %select_n3A_1716, %eq3A_1954 : vector<16xi32>
      %eq3A_1956 = arith.constant 7 : i32
      %eq3A_1957 = vector.broadcast %eq3A_1956 : i32 to vector<16xi32>
      %eq3A_1958 = arith.cmpi eq, %select_n3A_1808, %eq3A_1957 : vector<16xi32>
      %jit3A_1959 = arith.constant 0.000000e+00 : f32
      %broadcast_in_dim3A_1960 = vector.broadcast %jit3A_1959 : f32 to vector<16xf32>
      %select_n3A_1961 = arith.select %eq3A_1958, %div3A_1840, %broadcast_in_dim3A_1960 : vector<16xi1>, vector<16xf32>
      %select_n3A_1962 = arith.select %eq3A_1955, %div3A_1837, %select_n3A_1961 : vector<16xi1>, vector<16xf32>
      %swap3A_1963 = arith.constant 7 : i32
      %swap3A_1964 = arith.index_cast %swap3A_1963 : i32 to index
      %swap3A_1965 = arith.constant 80 : index
      %swap3A_1966 = tpu.vector_load %arg5[%swap3A_1964, %swap3A_1965] {strides = array<i32>} : memref<8x128xf32, #tpu.memory_space<vmem>>, vector<1x16xf32>,
      %swap3A_1967 = vector.shape_cast %swap3A_1966 : vector<1x16xf32> to vector<16xf32>
      %swap3A_1968 = vector.shape_cast %select_n3A_1962 : vector<16xf32> to vector<1x16xf32>
      tpu.vector_store %arg5[%swap3A_1964, %swap3A_1965], %swap3A_1968 {strides = array<i32>} : memref<8x128xf32, #tpu.memory_space<vmem>>, vector<1x16xf32>,
      %get3A_1969 = arith.constant 0 : i32
      %get3A_1970 = arith.index_cast %get3A_1969 : i32 to index
      %get3A_1971 = arith.constant 96 : index
      %get3A_1972 = tpu.vector_load %arg4[%get3A_1970, %get3A_1971] {strides = array<i32>} : memref<8x128xf32, #tpu.memory_space<vmem>>, vector<1x16xf32>,
      %get3A_1973 = vector.shape_cast %get3A_1972 : vector<1x16xf32> to vector<16xf32>
      %get3A_1974 = arith.constant 1 : i32
      %get3A_1975 = arith.index_cast %get3A_1974 : i32 to index
      %get3A_1976 = arith.constant 96 : index
      %get3A_1977 = tpu.vector_load %arg4[%get3A_1975, %get3A_1976] {strides = array<i32>} : memref<8x128xf32, #tpu.memory_space<vmem>>, vector<1x16xf32>,
      %get3A_1978 = vector.shape_cast %get3A_1977 : vector<1x16xf32> to vector<16xf32>
      %get3A_1979 = arith.constant 2 : i32
      %get3A_1980 = arith.index_cast %get3A_1979 : i32 to index
      %get3A_1981 = arith.constant 96 : index
      %get3A_1982 = tpu.vector_load %arg4[%get3A_1980, %get3A_1981] {strides = array<i32>} : memref<8x128xf32, #tpu.memory_space<vmem>>, vector<1x16xf32>,
      %get3A_1983 = vector.shape_cast %get3A_1982 : vector<1x16xf32> to vector<16xf32>
      %get3A_1984 = arith.constant 3 : i32
      %get3A_1985 = arith.index_cast %get3A_1984 : i32 to index
      %get3A_1986 = arith.constant 96 : index
      %get3A_1987 = tpu.vector_load %arg4[%get3A_1985, %get3A_1986] {strides = array<i32>} : memref<8x128xf32, #tpu.memory_space<vmem>>, vector<1x16xf32>,
      %get3A_1988 = vector.shape_cast %get3A_1987 : vector<1x16xf32> to vector<16xf32>
      %get3A_1989 = arith.constant 4 : i32
      %get3A_1990 = arith.index_cast %get3A_1989 : i32 to index
      %get3A_1991 = arith.constant 96 : index
      %get3A_1992 = tpu.vector_load %arg4[%get3A_1990, %get3A_1991] {strides = array<i32>} : memref<8x128xf32, #tpu.memory_space<vmem>>, vector<1x16xf32>,
      %get3A_1993 = vector.shape_cast %get3A_1992 : vector<1x16xf32> to vector<16xf32>
      %get3A_1994 = arith.constant 5 : i32
      %get3A_1995 = arith.index_cast %get3A_1994 : i32 to index
      %get3A_1996 = arith.constant 96 : index
      %get3A_1997 = tpu.vector_load %arg4[%get3A_1995, %get3A_1996] {strides = array<i32>} : memref<8x128xf32, #tpu.memory_space<vmem>>, vector<1x16xf32>,
      %get3A_1998 = vector.shape_cast %get3A_1997 : vector<1x16xf32> to vector<16xf32>
      %get3A_1999 = arith.constant 6 : i32
      %get3A_2000 = arith.index_cast %get3A_1999 : i32 to index
      %get3A_2001 = arith.constant 96 : index
      %get3A_2002 = tpu.vector_load %arg4[%get3A_2000, %get3A_2001] {strides = array<i32>} : memref<8x128xf32, #tpu.memory_space<vmem>>, vector<1x16xf32>,
      %get3A_2003 = vector.shape_cast %get3A_2002 : vector<1x16xf32> to vector<16xf32>
      %get3A_2004 = arith.constant 7 : i32
      %get3A_2005 = arith.index_cast %get3A_2004 : i32 to index
      %get3A_2006 = arith.constant 96 : index
      %get3A_2007 = tpu.vector_load %arg4[%get3A_2005, %get3A_2006] {strides = array<i32>} : memref<8x128xf32, #tpu.memory_space<vmem>>, vector<1x16xf32>,
      %get3A_2008 = vector.shape_cast %get3A_2007 : vector<1x16xf32> to vector<16xf32>
      %broadcast_in_dim3A_2009 = arith.constant 0 : i32
      %broadcast_in_dim3A_2010 = vector.broadcast %broadcast_in_dim3A_2009 : i32 to vector<16xi32>
      %gt3A_2011 = arith.cmpf ogt, %get3A_1978, %get3A_1973 : vector<16xf32>
      %select_n3A_2012 = arith.select %gt3A_2011, %get3A_1978, %get3A_1973 : vector<16xi1>, vector<16xf32>
      %jit3A_2013 = arith.constant 1 : i32
      %broadcast_in_dim3A_2014 = vector.broadcast %jit3A_2013 : i32 to vector<16xi32>
      %select_n3A_2015 = arith.select %gt3A_2011, %broadcast_in_dim3A_2014, %broadcast_in_dim3A_2010 : vector<16xi1>, vector<16xi32>
      %gt3A_2016 = arith.cmpf ogt, %get3A_1983, %select_n3A_2012 : vector<16xf32>
      %select_n3A_2017 = arith.select %gt3A_2016, %get3A_1983, %select_n3A_2012 : vector<16xi1>, vector<16xf32>
      %jit3A_2018 = arith.constant 2 : i32
      %broadcast_in_dim3A_2019 = vector.broadcast %jit3A_2018 : i32 to vector<16xi32>
      %select_n3A_2020 = arith.select %gt3A_2016, %broadcast_in_dim3A_2019, %select_n3A_2015 : vector<16xi1>, vector<16xi32>
      %gt3A_2021 = arith.cmpf ogt, %get3A_1988, %select_n3A_2017 : vector<16xf32>
      %select_n3A_2022 = arith.select %gt3A_2021, %get3A_1988, %select_n3A_2017 : vector<16xi1>, vector<16xf32>
      %jit3A_2023 = arith.constant 3 : i32
      %broadcast_in_dim3A_2024 = vector.broadcast %jit3A_2023 : i32 to vector<16xi32>
      %select_n3A_2025 = arith.select %gt3A_2021, %broadcast_in_dim3A_2024, %select_n3A_2020 : vector<16xi1>, vector<16xi32>
      %gt3A_2026 = arith.cmpf ogt, %get3A_1993, %select_n3A_2022 : vector<16xf32>
      %select_n3A_2027 = arith.select %gt3A_2026, %get3A_1993, %select_n3A_2022 : vector<16xi1>, vector<16xf32>
      %jit3A_2028 = arith.constant 4 : i32
      %broadcast_in_dim3A_2029 = vector.broadcast %jit3A_2028 : i32 to vector<16xi32>
      %select_n3A_2030 = arith.select %gt3A_2026, %broadcast_in_dim3A_2029, %select_n3A_2025 : vector<16xi1>, vector<16xi32>
      %gt3A_2031 = arith.cmpf ogt, %get3A_1998, %select_n3A_2027 : vector<16xf32>
      %select_n3A_2032 = arith.select %gt3A_2031, %get3A_1998, %select_n3A_2027 : vector<16xi1>, vector<16xf32>
      %jit3A_2033 = arith.constant 5 : i32
      %broadcast_in_dim3A_2034 = vector.broadcast %jit3A_2033 : i32 to vector<16xi32>
      %select_n3A_2035 = arith.select %gt3A_2031, %broadcast_in_dim3A_2034, %select_n3A_2030 : vector<16xi1>, vector<16xi32>
      %gt3A_2036 = arith.cmpf ogt, %get3A_2003, %select_n3A_2032 : vector<16xf32>
      %select_n3A_2037 = arith.select %gt3A_2036, %get3A_2003, %select_n3A_2032 : vector<16xi1>, vector<16xf32>
      %jit3A_2038 = arith.constant 6 : i32
      %broadcast_in_dim3A_2039 = vector.broadcast %jit3A_2038 : i32 to vector<16xi32>
      %select_n3A_2040 = arith.select %gt3A_2036, %broadcast_in_dim3A_2039, %select_n3A_2035 : vector<16xi1>, vector<16xi32>
      %gt3A_2041 = arith.cmpf ogt, %get3A_2008, %select_n3A_2037 : vector<16xf32>
      %select_n3A_2042 = arith.select %gt3A_2041, %get3A_2008, %select_n3A_2037 : vector<16xi1>, vector<16xf32>
      %jit3A_2043 = arith.constant 7 : i32
      %broadcast_in_dim3A_2044 = vector.broadcast %jit3A_2043 : i32 to vector<16xi32>
      %select_n3A_2045 = arith.select %gt3A_2041, %broadcast_in_dim3A_2044, %select_n3A_2040 : vector<16xi1>, vector<16xi32>
      %broadcast_in_dim3A_2046 = arith.constant -1.000000e+30 : f32
      %broadcast_in_dim3A_2047 = vector.broadcast %broadcast_in_dim3A_2046 : f32 to vector<16xf32>
      %broadcast_in_dim3A_2048 = arith.constant 8 : i32
      %broadcast_in_dim3A_2049 = vector.broadcast %broadcast_in_dim3A_2048 : i32 to vector<16xi32>
      %eq3A_2050 = arith.constant 0 : i32
      %eq3A_2051 = vector.broadcast %eq3A_2050 : i32 to vector<16xi32>
      %eq3A_2052 = arith.cmpi eq, %select_n3A_2045, %eq3A_2051 : vector<16xi32>
      %jit3A_2053 = arith.constant -1.000000e+30 : f32
      %broadcast_in_dim3A_2054 = vector.broadcast %jit3A_2053 : f32 to vector<16xf32>
      %select_n3A_2055 = arith.select %eq3A_2052, %broadcast_in_dim3A_2054, %get3A_1973 : vector<16xi1>, vector<16xf32>
      %gt3A_2056 = arith.cmpf ogt, %select_n3A_2055, %broadcast_in_dim3A_2047 : vector<16xf32>
      %select_n3A_2057 = arith.select %gt3A_2056, %select_n3A_2055, %broadcast_in_dim3A_2047 : vector<16xi1>, vector<16xf32>
      %jit3A_2058 = arith.constant 0 : i32
      %broadcast_in_dim3A_2059 = vector.broadcast %jit3A_2058 : i32 to vector<16xi32>
      %select_n3A_2060 = arith.select %gt3A_2056, %broadcast_in_dim3A_2059, %broadcast_in_dim3A_2049 : vector<16xi1>, vector<16xi32>
      %eq3A_2061 = arith.constant 1 : i32
      %eq3A_2062 = vector.broadcast %eq3A_2061 : i32 to vector<16xi32>
      %eq3A_2063 = arith.cmpi eq, %select_n3A_2045, %eq3A_2062 : vector<16xi32>
      %jit3A_2064 = arith.constant -1.000000e+30 : f32
      %broadcast_in_dim3A_2065 = vector.broadcast %jit3A_2064 : f32 to vector<16xf32>
      %select_n3A_2066 = arith.select %eq3A_2063, %broadcast_in_dim3A_2065, %get3A_1978 : vector<16xi1>, vector<16xf32>
      %gt3A_2067 = arith.cmpf ogt, %select_n3A_2066, %select_n3A_2057 : vector<16xf32>
      %select_n3A_2068 = arith.select %gt3A_2067, %select_n3A_2066, %select_n3A_2057 : vector<16xi1>, vector<16xf32>
      %jit3A_2069 = arith.constant 1 : i32
      %broadcast_in_dim3A_2070 = vector.broadcast %jit3A_2069 : i32 to vector<16xi32>
      %select_n3A_2071 = arith.select %gt3A_2067, %broadcast_in_dim3A_2070, %select_n3A_2060 : vector<16xi1>, vector<16xi32>
      %eq3A_2072 = arith.constant 2 : i32
      %eq3A_2073 = vector.broadcast %eq3A_2072 : i32 to vector<16xi32>
      %eq3A_2074 = arith.cmpi eq, %select_n3A_2045, %eq3A_2073 : vector<16xi32>
      %jit3A_2075 = arith.constant -1.000000e+30 : f32
      %broadcast_in_dim3A_2076 = vector.broadcast %jit3A_2075 : f32 to vector<16xf32>
      %select_n3A_2077 = arith.select %eq3A_2074, %broadcast_in_dim3A_2076, %get3A_1983 : vector<16xi1>, vector<16xf32>
      %gt3A_2078 = arith.cmpf ogt, %select_n3A_2077, %select_n3A_2068 : vector<16xf32>
      %select_n3A_2079 = arith.select %gt3A_2078, %select_n3A_2077, %select_n3A_2068 : vector<16xi1>, vector<16xf32>
      %jit3A_2080 = arith.constant 2 : i32
      %broadcast_in_dim3A_2081 = vector.broadcast %jit3A_2080 : i32 to vector<16xi32>
      %select_n3A_2082 = arith.select %gt3A_2078, %broadcast_in_dim3A_2081, %select_n3A_2071 : vector<16xi1>, vector<16xi32>
      %eq3A_2083 = arith.constant 3 : i32
      %eq3A_2084 = vector.broadcast %eq3A_2083 : i32 to vector<16xi32>
      %eq3A_2085 = arith.cmpi eq, %select_n3A_2045, %eq3A_2084 : vector<16xi32>
      %jit3A_2086 = arith.constant -1.000000e+30 : f32
      %broadcast_in_dim3A_2087 = vector.broadcast %jit3A_2086 : f32 to vector<16xf32>
      %select_n3A_2088 = arith.select %eq3A_2085, %broadcast_in_dim3A_2087, %get3A_1988 : vector<16xi1>, vector<16xf32>
      %gt3A_2089 = arith.cmpf ogt, %select_n3A_2088, %select_n3A_2079 : vector<16xf32>
      %select_n3A_2090 = arith.select %gt3A_2089, %select_n3A_2088, %select_n3A_2079 : vector<16xi1>, vector<16xf32>
      %jit3A_2091 = arith.constant 3 : i32
      %broadcast_in_dim3A_2092 = vector.broadcast %jit3A_2091 : i32 to vector<16xi32>
      %select_n3A_2093 = arith.select %gt3A_2089, %broadcast_in_dim3A_2092, %select_n3A_2082 : vector<16xi1>, vector<16xi32>
      %eq3A_2094 = arith.constant 4 : i32
      %eq3A_2095 = vector.broadcast %eq3A_2094 : i32 to vector<16xi32>
      %eq3A_2096 = arith.cmpi eq, %select_n3A_2045, %eq3A_2095 : vector<16xi32>
      %jit3A_2097 = arith.constant -1.000000e+30 : f32
      %broadcast_in_dim3A_2098 = vector.broadcast %jit3A_2097 : f32 to vector<16xf32>
      %select_n3A_2099 = arith.select %eq3A_2096, %broadcast_in_dim3A_2098, %get3A_1993 : vector<16xi1>, vector<16xf32>
      %gt3A_2100 = arith.cmpf ogt, %select_n3A_2099, %select_n3A_2090 : vector<16xf32>
      %select_n3A_2101 = arith.select %gt3A_2100, %select_n3A_2099, %select_n3A_2090 : vector<16xi1>, vector<16xf32>
      %jit3A_2102 = arith.constant 4 : i32
      %broadcast_in_dim3A_2103 = vector.broadcast %jit3A_2102 : i32 to vector<16xi32>
      %select_n3A_2104 = arith.select %gt3A_2100, %broadcast_in_dim3A_2103, %select_n3A_2093 : vector<16xi1>, vector<16xi32>
      %eq3A_2105 = arith.constant 5 : i32
      %eq3A_2106 = vector.broadcast %eq3A_2105 : i32 to vector<16xi32>
      %eq3A_2107 = arith.cmpi eq, %select_n3A_2045, %eq3A_2106 : vector<16xi32>
      %jit3A_2108 = arith.constant -1.000000e+30 : f32
      %broadcast_in_dim3A_2109 = vector.broadcast %jit3A_2108 : f32 to vector<16xf32>
      %select_n3A_2110 = arith.select %eq3A_2107, %broadcast_in_dim3A_2109, %get3A_1998 : vector<16xi1>, vector<16xf32>
      %gt3A_2111 = arith.cmpf ogt, %select_n3A_2110, %select_n3A_2101 : vector<16xf32>
      %select_n3A_2112 = arith.select %gt3A_2111, %select_n3A_2110, %select_n3A_2101 : vector<16xi1>, vector<16xf32>
      %jit3A_2113 = arith.constant 5 : i32
      %broadcast_in_dim3A_2114 = vector.broadcast %jit3A_2113 : i32 to vector<16xi32>
      %select_n3A_2115 = arith.select %gt3A_2111, %broadcast_in_dim3A_2114, %select_n3A_2104 : vector<16xi1>, vector<16xi32>
      %eq3A_2116 = arith.constant 6 : i32
      %eq3A_2117 = vector.broadcast %eq3A_2116 : i32 to vector<16xi32>
      %eq3A_2118 = arith.cmpi eq, %select_n3A_2045, %eq3A_2117 : vector<16xi32>
      %jit3A_2119 = arith.constant -1.000000e+30 : f32
      %broadcast_in_dim3A_2120 = vector.broadcast %jit3A_2119 : f32 to vector<16xf32>
      %select_n3A_2121 = arith.select %eq3A_2118, %broadcast_in_dim3A_2120, %get3A_2003 : vector<16xi1>, vector<16xf32>
      %gt3A_2122 = arith.cmpf ogt, %select_n3A_2121, %select_n3A_2112 : vector<16xf32>
      %select_n3A_2123 = arith.select %gt3A_2122, %select_n3A_2121, %select_n3A_2112 : vector<16xi1>, vector<16xf32>
      %jit3A_2124 = arith.constant 6 : i32
      %broadcast_in_dim3A_2125 = vector.broadcast %jit3A_2124 : i32 to vector<16xi32>
      %select_n3A_2126 = arith.select %gt3A_2122, %broadcast_in_dim3A_2125, %select_n3A_2115 : vector<16xi1>, vector<16xi32>
      %eq3A_2127 = arith.constant 7 : i32
      %eq3A_2128 = vector.broadcast %eq3A_2127 : i32 to vector<16xi32>
      %eq3A_2129 = arith.cmpi eq, %select_n3A_2045, %eq3A_2128 : vector<16xi32>
      %jit3A_2130 = arith.constant -1.000000e+30 : f32
      %broadcast_in_dim3A_2131 = vector.broadcast %jit3A_2130 : f32 to vector<16xf32>
      %select_n3A_2132 = arith.select %eq3A_2129, %broadcast_in_dim3A_2131, %get3A_2008 : vector<16xi1>, vector<16xf32>
      %gt3A_2133 = arith.cmpf ogt, %select_n3A_2132, %select_n3A_2123 : vector<16xf32>
      %select_n3A_2134 = arith.select %gt3A_2133, %select_n3A_2132, %select_n3A_2123 : vector<16xi1>, vector<16xf32>
      %jit3A_2135 = arith.constant 7 : i32
      %broadcast_in_dim3A_2136 = vector.broadcast %jit3A_2135 : i32 to vector<16xi32>
      %select_n3A_2137 = arith.select %gt3A_2133, %broadcast_in_dim3A_2136, %select_n3A_2126 : vector<16xi1>, vector<16xi32>
      %broadcast_in_dim3A_2138 = arith.constant 0.000000e+00 : f32
      %broadcast_in_dim3A_2139 = vector.broadcast %broadcast_in_dim3A_2138 : f32 to vector<16xf32>
      %sub3A_2140 = arith.subf %get3A_1973, %select_n3A_2042 : vector<16xf32>
      %exp3A_2141 = math.exp %sub3A_2140 : vector<16xf32>
      %add3A_2142 = arith.addf %broadcast_in_dim3A_2139, %exp3A_2141 : vector<16xf32>
      %sub3A_2143 = arith.subf %get3A_1978, %select_n3A_2042 : vector<16xf32>
      %exp3A_2144 = math.exp %sub3A_2143 : vector<16xf32>
      %add3A_2145 = arith.addf %add3A_2142, %exp3A_2144 : vector<16xf32>
      %sub3A_2146 = arith.subf %get3A_1983, %select_n3A_2042 : vector<16xf32>
      %exp3A_2147 = math.exp %sub3A_2146 : vector<16xf32>
      %add3A_2148 = arith.addf %add3A_2145, %exp3A_2147 : vector<16xf32>
      %sub3A_2149 = arith.subf %get3A_1988, %select_n3A_2042 : vector<16xf32>
      %exp3A_2150 = math.exp %sub3A_2149 : vector<16xf32>
      %add3A_2151 = arith.addf %add3A_2148, %exp3A_2150 : vector<16xf32>
      %sub3A_2152 = arith.subf %get3A_1993, %select_n3A_2042 : vector<16xf32>
      %exp3A_2153 = math.exp %sub3A_2152 : vector<16xf32>
      %add3A_2154 = arith.addf %add3A_2151, %exp3A_2153 : vector<16xf32>
      %sub3A_2155 = arith.subf %get3A_1998, %select_n3A_2042 : vector<16xf32>
      %exp3A_2156 = math.exp %sub3A_2155 : vector<16xf32>
      %add3A_2157 = arith.addf %add3A_2154, %exp3A_2156 : vector<16xf32>
      %sub3A_2158 = arith.subf %get3A_2003, %select_n3A_2042 : vector<16xf32>
      %exp3A_2159 = math.exp %sub3A_2158 : vector<16xf32>
      %add3A_2160 = arith.addf %add3A_2157, %exp3A_2159 : vector<16xf32>
      %sub3A_2161 = arith.subf %get3A_2008, %select_n3A_2042 : vector<16xf32>
      %exp3A_2162 = math.exp %sub3A_2161 : vector<16xf32>
      %add3A_2163 = arith.addf %add3A_2160, %exp3A_2162 : vector<16xf32>
      %div3A_2164 = arith.constant 1.000000e+00 : f32
      %div3A_2165 = vector.broadcast %div3A_2164 : f32 to vector<16xf32>
      %div3A_2166 = arith.divf %div3A_2165, %add3A_2163 : vector<16xf32>
      %sub3A_2167 = arith.subf %select_n3A_2134, %select_n3A_2042 : vector<16xf32>
      %exp3A_2168 = math.exp %sub3A_2167 : vector<16xf32>
      %div3A_2169 = arith.divf %exp3A_2168, %add3A_2163 : vector<16xf32>
      %eq3A_2170 = arith.constant 0 : i32
      %eq3A_2171 = vector.broadcast %eq3A_2170 : i32 to vector<16xi32>
      %eq3A_2172 = arith.cmpi eq, %select_n3A_2045, %eq3A_2171 : vector<16xi32>
      %eq3A_2173 = arith.constant 0 : i32
      %eq3A_2174 = vector.broadcast %eq3A_2173 : i32 to vector<16xi32>
      %eq3A_2175 = arith.cmpi eq, %select_n3A_2137, %eq3A_2174 : vector<16xi32>
      %jit3A_2176 = arith.constant 0.000000e+00 : f32
      %broadcast_in_dim3A_2177 = vector.broadcast %jit3A_2176 : f32 to vector<16xf32>
      %select_n3A_2178 = arith.select %eq3A_2175, %div3A_2169, %broadcast_in_dim3A_2177 : vector<16xi1>, vector<16xf32>
      %select_n3A_2179 = arith.select %eq3A_2172, %div3A_2166, %select_n3A_2178 : vector<16xi1>, vector<16xf32>
      %swap3A_2180 = arith.constant 0 : i32
      %swap3A_2181 = arith.index_cast %swap3A_2180 : i32 to index
      %swap3A_2182 = arith.constant 96 : index
      %swap3A_2183 = tpu.vector_load %arg5[%swap3A_2181, %swap3A_2182] {strides = array<i32>} : memref<8x128xf32, #tpu.memory_space<vmem>>, vector<1x16xf32>,
      %swap3A_2184 = vector.shape_cast %swap3A_2183 : vector<1x16xf32> to vector<16xf32>
      %swap3A_2185 = vector.shape_cast %select_n3A_2179 : vector<16xf32> to vector<1x16xf32>
      tpu.vector_store %arg5[%swap3A_2181, %swap3A_2182], %swap3A_2185 {strides = array<i32>} : memref<8x128xf32, #tpu.memory_space<vmem>>, vector<1x16xf32>,
      %eq3A_2186 = arith.constant 1 : i32
      %eq3A_2187 = vector.broadcast %eq3A_2186 : i32 to vector<16xi32>
      %eq3A_2188 = arith.cmpi eq, %select_n3A_2045, %eq3A_2187 : vector<16xi32>
      %eq3A_2189 = arith.constant 1 : i32
      %eq3A_2190 = vector.broadcast %eq3A_2189 : i32 to vector<16xi32>
      %eq3A_2191 = arith.cmpi eq, %select_n3A_2137, %eq3A_2190 : vector<16xi32>
      %jit3A_2192 = arith.constant 0.000000e+00 : f32
      %broadcast_in_dim3A_2193 = vector.broadcast %jit3A_2192 : f32 to vector<16xf32>
      %select_n3A_2194 = arith.select %eq3A_2191, %div3A_2169, %broadcast_in_dim3A_2193 : vector<16xi1>, vector<16xf32>
      %select_n3A_2195 = arith.select %eq3A_2188, %div3A_2166, %select_n3A_2194 : vector<16xi1>, vector<16xf32>
      %swap3A_2196 = arith.constant 1 : i32
      %swap3A_2197 = arith.index_cast %swap3A_2196 : i32 to index
      %swap3A_2198 = arith.constant 96 : index
      %swap3A_2199 = tpu.vector_load %arg5[%swap3A_2197, %swap3A_2198] {strides = array<i32>} : memref<8x128xf32, #tpu.memory_space<vmem>>, vector<1x16xf32>,
      %swap3A_2200 = vector.shape_cast %swap3A_2199 : vector<1x16xf32> to vector<16xf32>
      %swap3A_2201 = vector.shape_cast %select_n3A_2195 : vector<16xf32> to vector<1x16xf32>
      tpu.vector_store %arg5[%swap3A_2197, %swap3A_2198], %swap3A_2201 {strides = array<i32>} : memref<8x128xf32, #tpu.memory_space<vmem>>, vector<1x16xf32>,
      %eq3A_2202 = arith.constant 2 : i32
      %eq3A_2203 = vector.broadcast %eq3A_2202 : i32 to vector<16xi32>
      %eq3A_2204 = arith.cmpi eq, %select_n3A_2045, %eq3A_2203 : vector<16xi32>
      %eq3A_2205 = arith.constant 2 : i32
      %eq3A_2206 = vector.broadcast %eq3A_2205 : i32 to vector<16xi32>
      %eq3A_2207 = arith.cmpi eq, %select_n3A_2137, %eq3A_2206 : vector<16xi32>
      %jit3A_2208 = arith.constant 0.000000e+00 : f32
      %broadcast_in_dim3A_2209 = vector.broadcast %jit3A_2208 : f32 to vector<16xf32>
      %select_n3A_2210 = arith.select %eq3A_2207, %div3A_2169, %broadcast_in_dim3A_2209 : vector<16xi1>, vector<16xf32>
      %select_n3A_2211 = arith.select %eq3A_2204, %div3A_2166, %select_n3A_2210 : vector<16xi1>, vector<16xf32>
      %swap3A_2212 = arith.constant 2 : i32
      %swap3A_2213 = arith.index_cast %swap3A_2212 : i32 to index
      %swap3A_2214 = arith.constant 96 : index
      %swap3A_2215 = tpu.vector_load %arg5[%swap3A_2213, %swap3A_2214] {strides = array<i32>} : memref<8x128xf32, #tpu.memory_space<vmem>>, vector<1x16xf32>,
      %swap3A_2216 = vector.shape_cast %swap3A_2215 : vector<1x16xf32> to vector<16xf32>
      %swap3A_2217 = vector.shape_cast %select_n3A_2211 : vector<16xf32> to vector<1x16xf32>
      tpu.vector_store %arg5[%swap3A_2213, %swap3A_2214], %swap3A_2217 {strides = array<i32>} : memref<8x128xf32, #tpu.memory_space<vmem>>, vector<1x16xf32>,
      %eq3A_2218 = arith.constant 3 : i32
      %eq3A_2219 = vector.broadcast %eq3A_2218 : i32 to vector<16xi32>
      %eq3A_2220 = arith.cmpi eq, %select_n3A_2045, %eq3A_2219 : vector<16xi32>
      %eq3A_2221 = arith.constant 3 : i32
      %eq3A_2222 = vector.broadcast %eq3A_2221 : i32 to vector<16xi32>
      %eq3A_2223 = arith.cmpi eq, %select_n3A_2137, %eq3A_2222 : vector<16xi32>
      %jit3A_2224 = arith.constant 0.000000e+00 : f32
      %broadcast_in_dim3A_2225 = vector.broadcast %jit3A_2224 : f32 to vector<16xf32>
      %select_n3A_2226 = arith.select %eq3A_2223, %div3A_2169, %broadcast_in_dim3A_2225 : vector<16xi1>, vector<16xf32>
      %select_n3A_2227 = arith.select %eq3A_2220, %div3A_2166, %select_n3A_2226 : vector<16xi1>, vector<16xf32>
      %swap3A_2228 = arith.constant 3 : i32
      %swap3A_2229 = arith.index_cast %swap3A_2228 : i32 to index
      %swap3A_2230 = arith.constant 96 : index
      %swap3A_2231 = tpu.vector_load %arg5[%swap3A_2229, %swap3A_2230] {strides = array<i32>} : memref<8x128xf32, #tpu.memory_space<vmem>>, vector<1x16xf32>,
      %swap3A_2232 = vector.shape_cast %swap3A_2231 : vector<1x16xf32> to vector<16xf32>
      %swap3A_2233 = vector.shape_cast %select_n3A_2227 : vector<16xf32> to vector<1x16xf32>
      tpu.vector_store %arg5[%swap3A_2229, %swap3A_2230], %swap3A_2233 {strides = array<i32>} : memref<8x128xf32, #tpu.memory_space<vmem>>, vector<1x16xf32>,
      %eq3A_2234 = arith.constant 4 : i32
      %eq3A_2235 = vector.broadcast %eq3A_2234 : i32 to vector<16xi32>
      %eq3A_2236 = arith.cmpi eq, %select_n3A_2045, %eq3A_2235 : vector<16xi32>
      %eq3A_2237 = arith.constant 4 : i32
      %eq3A_2238 = vector.broadcast %eq3A_2237 : i32 to vector<16xi32>
      %eq3A_2239 = arith.cmpi eq, %select_n3A_2137, %eq3A_2238 : vector<16xi32>
      %jit3A_2240 = arith.constant 0.000000e+00 : f32
      %broadcast_in_dim3A_2241 = vector.broadcast %jit3A_2240 : f32 to vector<16xf32>
      %select_n3A_2242 = arith.select %eq3A_2239, %div3A_2169, %broadcast_in_dim3A_2241 : vector<16xi1>, vector<16xf32>
      %select_n3A_2243 = arith.select %eq3A_2236, %div3A_2166, %select_n3A_2242 : vector<16xi1>, vector<16xf32>
      %swap3A_2244 = arith.constant 4 : i32
      %swap3A_2245 = arith.index_cast %swap3A_2244 : i32 to index
      %swap3A_2246 = arith.constant 96 : index
      %swap3A_2247 = tpu.vector_load %arg5[%swap3A_2245, %swap3A_2246] {strides = array<i32>} : memref<8x128xf32, #tpu.memory_space<vmem>>, vector<1x16xf32>,
      %swap3A_2248 = vector.shape_cast %swap3A_2247 : vector<1x16xf32> to vector<16xf32>
      %swap3A_2249 = vector.shape_cast %select_n3A_2243 : vector<16xf32> to vector<1x16xf32>
      tpu.vector_store %arg5[%swap3A_2245, %swap3A_2246], %swap3A_2249 {strides = array<i32>} : memref<8x128xf32, #tpu.memory_space<vmem>>, vector<1x16xf32>,
      %eq3A_2250 = arith.constant 5 : i32
      %eq3A_2251 = vector.broadcast %eq3A_2250 : i32 to vector<16xi32>
      %eq3A_2252 = arith.cmpi eq, %select_n3A_2045, %eq3A_2251 : vector<16xi32>
      %eq3A_2253 = arith.constant 5 : i32
      %eq3A_2254 = vector.broadcast %eq3A_2253 : i32 to vector<16xi32>
      %eq3A_2255 = arith.cmpi eq, %select_n3A_2137, %eq3A_2254 : vector<16xi32>
      %jit3A_2256 = arith.constant 0.000000e+00 : f32
      %broadcast_in_dim3A_2257 = vector.broadcast %jit3A_2256 : f32 to vector<16xf32>
      %select_n3A_2258 = arith.select %eq3A_2255, %div3A_2169, %broadcast_in_dim3A_2257 : vector<16xi1>, vector<16xf32>
      %select_n3A_2259 = arith.select %eq3A_2252, %div3A_2166, %select_n3A_2258 : vector<16xi1>, vector<16xf32>
      %swap3A_2260 = arith.constant 5 : i32
      %swap3A_2261 = arith.index_cast %swap3A_2260 : i32 to index
      %swap3A_2262 = arith.constant 96 : index
      %swap3A_2263 = tpu.vector_load %arg5[%swap3A_2261, %swap3A_2262] {strides = array<i32>} : memref<8x128xf32, #tpu.memory_space<vmem>>, vector<1x16xf32>,
      %swap3A_2264 = vector.shape_cast %swap3A_2263 : vector<1x16xf32> to vector<16xf32>
      %swap3A_2265 = vector.shape_cast %select_n3A_2259 : vector<16xf32> to vector<1x16xf32>
      tpu.vector_store %arg5[%swap3A_2261, %swap3A_2262], %swap3A_2265 {strides = array<i32>} : memref<8x128xf32, #tpu.memory_space<vmem>>, vector<1x16xf32>,
      %eq3A_2266 = arith.constant 6 : i32
      %eq3A_2267 = vector.broadcast %eq3A_2266 : i32 to vector<16xi32>
      %eq3A_2268 = arith.cmpi eq, %select_n3A_2045, %eq3A_2267 : vector<16xi32>
      %eq3A_2269 = arith.constant 6 : i32
      %eq3A_2270 = vector.broadcast %eq3A_2269 : i32 to vector<16xi32>
      %eq3A_2271 = arith.cmpi eq, %select_n3A_2137, %eq3A_2270 : vector<16xi32>
      %jit3A_2272 = arith.constant 0.000000e+00 : f32
      %broadcast_in_dim3A_2273 = vector.broadcast %jit3A_2272 : f32 to vector<16xf32>
      %select_n3A_2274 = arith.select %eq3A_2271, %div3A_2169, %broadcast_in_dim3A_2273 : vector<16xi1>, vector<16xf32>
      %select_n3A_2275 = arith.select %eq3A_2268, %div3A_2166, %select_n3A_2274 : vector<16xi1>, vector<16xf32>
      %swap3A_2276 = arith.constant 6 : i32
      %swap3A_2277 = arith.index_cast %swap3A_2276 : i32 to index
      %swap3A_2278 = arith.constant 96 : index
      %swap3A_2279 = tpu.vector_load %arg5[%swap3A_2277, %swap3A_2278] {strides = array<i32>} : memref<8x128xf32, #tpu.memory_space<vmem>>, vector<1x16xf32>,
      %swap3A_2280 = vector.shape_cast %swap3A_2279 : vector<1x16xf32> to vector<16xf32>
      %swap3A_2281 = vector.shape_cast %select_n3A_2275 : vector<16xf32> to vector<1x16xf32>
      tpu.vector_store %arg5[%swap3A_2277, %swap3A_2278], %swap3A_2281 {strides = array<i32>} : memref<8x128xf32, #tpu.memory_space<vmem>>, vector<1x16xf32>,
      %eq3A_2282 = arith.constant 7 : i32
      %eq3A_2283 = vector.broadcast %eq3A_2282 : i32 to vector<16xi32>
      %eq3A_2284 = arith.cmpi eq, %select_n3A_2045, %eq3A_2283 : vector<16xi32>
      %eq3A_2285 = arith.constant 7 : i32
      %eq3A_2286 = vector.broadcast %eq3A_2285 : i32 to vector<16xi32>
      %eq3A_2287 = arith.cmpi eq, %select_n3A_2137, %eq3A_2286 : vector<16xi32>
      %jit3A_2288 = arith.constant 0.000000e+00 : f32
      %broadcast_in_dim3A_2289 = vector.broadcast %jit3A_2288 : f32 to vector<16xf32>
      %select_n3A_2290 = arith.select %eq3A_2287, %div3A_2169, %broadcast_in_dim3A_2289 : vector<16xi1>, vector<16xf32>
      %select_n3A_2291 = arith.select %eq3A_2284, %div3A_2166, %select_n3A_2290 : vector<16xi1>, vector<16xf32>
      %swap3A_2292 = arith.constant 7 : i32
      %swap3A_2293 = arith.index_cast %swap3A_2292 : i32 to index
      %swap3A_2294 = arith.constant 96 : index
      %swap3A_2295 = tpu.vector_load %arg5[%swap3A_2293, %swap3A_2294] {strides = array<i32>} : memref<8x128xf32, #tpu.memory_space<vmem>>, vector<1x16xf32>,
      %swap3A_2296 = vector.shape_cast %swap3A_2295 : vector<1x16xf32> to vector<16xf32>
      %swap3A_2297 = vector.shape_cast %select_n3A_2291 : vector<16xf32> to vector<1x16xf32>
      tpu.vector_store %arg5[%swap3A_2293, %swap3A_2294], %swap3A_2297 {strides = array<i32>} : memref<8x128xf32, #tpu.memory_space<vmem>>, vector<1x16xf32>,
      %get3A_2298 = arith.constant 0 : i32
      %get3A_2299 = arith.index_cast %get3A_2298 : i32 to index
      %get3A_2300 = arith.constant 112 : index
      %get3A_2301 = tpu.vector_load %arg4[%get3A_2299, %get3A_2300] {strides = array<i32>} : memref<8x128xf32, #tpu.memory_space<vmem>>, vector<1x16xf32>,
      %get3A_2302 = vector.shape_cast %get3A_2301 : vector<1x16xf32> to vector<16xf32>
      %get3A_2303 = arith.constant 1 : i32
      %get3A_2304 = arith.index_cast %get3A_2303 : i32 to index
      %get3A_2305 = arith.constant 112 : index
      %get3A_2306 = tpu.vector_load %arg4[%get3A_2304, %get3A_2305] {strides = array<i32>} : memref<8x128xf32, #tpu.memory_space<vmem>>, vector<1x16xf32>,
      %get3A_2307 = vector.shape_cast %get3A_2306 : vector<1x16xf32> to vector<16xf32>
      %get3A_2308 = arith.constant 2 : i32
      %get3A_2309 = arith.index_cast %get3A_2308 : i32 to index
      %get3A_2310 = arith.constant 112 : index
      %get3A_2311 = tpu.vector_load %arg4[%get3A_2309, %get3A_2310] {strides = array<i32>} : memref<8x128xf32, #tpu.memory_space<vmem>>, vector<1x16xf32>,
      %get3A_2312 = vector.shape_cast %get3A_2311 : vector<1x16xf32> to vector<16xf32>
      %get3A_2313 = arith.constant 3 : i32
      %get3A_2314 = arith.index_cast %get3A_2313 : i32 to index
      %get3A_2315 = arith.constant 112 : index
      %get3A_2316 = tpu.vector_load %arg4[%get3A_2314, %get3A_2315] {strides = array<i32>} : memref<8x128xf32, #tpu.memory_space<vmem>>, vector<1x16xf32>,
      %get3A_2317 = vector.shape_cast %get3A_2316 : vector<1x16xf32> to vector<16xf32>
      %get3A_2318 = arith.constant 4 : i32
      %get3A_2319 = arith.index_cast %get3A_2318 : i32 to index
      %get3A_2320 = arith.constant 112 : index
      %get3A_2321 = tpu.vector_load %arg4[%get3A_2319, %get3A_2320] {strides = array<i32>} : memref<8x128xf32, #tpu.memory_space<vmem>>, vector<1x16xf32>,
      %get3A_2322 = vector.shape_cast %get3A_2321 : vector<1x16xf32> to vector<16xf32>
      %get3A_2323 = arith.constant 5 : i32
      %get3A_2324 = arith.index_cast %get3A_2323 : i32 to index
      %get3A_2325 = arith.constant 112 : index
      %get3A_2326 = tpu.vector_load %arg4[%get3A_2324, %get3A_2325] {strides = array<i32>} : memref<8x128xf32, #tpu.memory_space<vmem>>, vector<1x16xf32>,
      %get3A_2327 = vector.shape_cast %get3A_2326 : vector<1x16xf32> to vector<16xf32>
      %get3A_2328 = arith.constant 6 : i32
      %get3A_2329 = arith.index_cast %get3A_2328 : i32 to index
      %get3A_2330 = arith.constant 112 : index
      %get3A_2331 = tpu.vector_load %arg4[%get3A_2329, %get3A_2330] {strides = array<i32>} : memref<8x128xf32, #tpu.memory_space<vmem>>, vector<1x16xf32>,
      %get3A_2332 = vector.shape_cast %get3A_2331 : vector<1x16xf32> to vector<16xf32>
      %get3A_2333 = arith.constant 7 : i32
      %get3A_2334 = arith.index_cast %get3A_2333 : i32 to index
      %get3A_2335 = arith.constant 112 : index
      %get3A_2336 = tpu.vector_load %arg4[%get3A_2334, %get3A_2335] {strides = array<i32>} : memref<8x128xf32, #tpu.memory_space<vmem>>, vector<1x16xf32>,
      %get3A_2337 = vector.shape_cast %get3A_2336 : vector<1x16xf32> to vector<16xf32>
      %broadcast_in_dim3A_2338 = arith.constant 0 : i32
      %broadcast_in_dim3A_2339 = vector.broadcast %broadcast_in_dim3A_2338 : i32 to vector<16xi32>
      %gt3A_2340 = arith.cmpf ogt, %get3A_2307, %get3A_2302 : vector<16xf32>
      %select_n3A_2341 = arith.select %gt3A_2340, %get3A_2307, %get3A_2302 : vector<16xi1>, vector<16xf32>
      %jit3A_2342 = arith.constant 1 : i32
      %broadcast_in_dim3A_2343 = vector.broadcast %jit3A_2342 : i32 to vector<16xi32>
      %select_n3A_2344 = arith.select %gt3A_2340, %broadcast_in_dim3A_2343, %broadcast_in_dim3A_2339 : vector<16xi1>, vector<16xi32>
      %gt3A_2345 = arith.cmpf ogt, %get3A_2312, %select_n3A_2341 : vector<16xf32>
      %select_n3A_2346 = arith.select %gt3A_2345, %get3A_2312, %select_n3A_2341 : vector<16xi1>, vector<16xf32>
      %jit3A_2347 = arith.constant 2 : i32
      %broadcast_in_dim3A_2348 = vector.broadcast %jit3A_2347 : i32 to vector<16xi32>
      %select_n3A_2349 = arith.select %gt3A_2345, %broadcast_in_dim3A_2348, %select_n3A_2344 : vector<16xi1>, vector<16xi32>
      %gt3A_2350 = arith.cmpf ogt, %get3A_2317, %select_n3A_2346 : vector<16xf32>
      %select_n3A_2351 = arith.select %gt3A_2350, %get3A_2317, %select_n3A_2346 : vector<16xi1>, vector<16xf32>
      %jit3A_2352 = arith.constant 3 : i32
      %broadcast_in_dim3A_2353 = vector.broadcast %jit3A_2352 : i32 to vector<16xi32>
      %select_n3A_2354 = arith.select %gt3A_2350, %broadcast_in_dim3A_2353, %select_n3A_2349 : vector<16xi1>, vector<16xi32>
      %gt3A_2355 = arith.cmpf ogt, %get3A_2322, %select_n3A_2351 : vector<16xf32>
      %select_n3A_2356 = arith.select %gt3A_2355, %get3A_2322, %select_n3A_2351 : vector<16xi1>, vector<16xf32>
      %jit3A_2357 = arith.constant 4 : i32
      %broadcast_in_dim3A_2358 = vector.broadcast %jit3A_2357 : i32 to vector<16xi32>
      %select_n3A_2359 = arith.select %gt3A_2355, %broadcast_in_dim3A_2358, %select_n3A_2354 : vector<16xi1>, vector<16xi32>
      %gt3A_2360 = arith.cmpf ogt, %get3A_2327, %select_n3A_2356 : vector<16xf32>
      %select_n3A_2361 = arith.select %gt3A_2360, %get3A_2327, %select_n3A_2356 : vector<16xi1>, vector<16xf32>
      %jit3A_2362 = arith.constant 5 : i32
      %broadcast_in_dim3A_2363 = vector.broadcast %jit3A_2362 : i32 to vector<16xi32>
      %select_n3A_2364 = arith.select %gt3A_2360, %broadcast_in_dim3A_2363, %select_n3A_2359 : vector<16xi1>, vector<16xi32>
      %gt3A_2365 = arith.cmpf ogt, %get3A_2332, %select_n3A_2361 : vector<16xf32>
      %select_n3A_2366 = arith.select %gt3A_2365, %get3A_2332, %select_n3A_2361 : vector<16xi1>, vector<16xf32>
      %jit3A_2367 = arith.constant 6 : i32
      %broadcast_in_dim3A_2368 = vector.broadcast %jit3A_2367 : i32 to vector<16xi32>
      %select_n3A_2369 = arith.select %gt3A_2365, %broadcast_in_dim3A_2368, %select_n3A_2364 : vector<16xi1>, vector<16xi32>
      %gt3A_2370 = arith.cmpf ogt, %get3A_2337, %select_n3A_2366 : vector<16xf32>
      %select_n3A_2371 = arith.select %gt3A_2370, %get3A_2337, %select_n3A_2366 : vector<16xi1>, vector<16xf32>
      %jit3A_2372 = arith.constant 7 : i32
      %broadcast_in_dim3A_2373 = vector.broadcast %jit3A_2372 : i32 to vector<16xi32>
      %select_n3A_2374 = arith.select %gt3A_2370, %broadcast_in_dim3A_2373, %select_n3A_2369 : vector<16xi1>, vector<16xi32>
      %broadcast_in_dim3A_2375 = arith.constant -1.000000e+30 : f32
      %broadcast_in_dim3A_2376 = vector.broadcast %broadcast_in_dim3A_2375 : f32 to vector<16xf32>
      %broadcast_in_dim3A_2377 = arith.constant 8 : i32
      %broadcast_in_dim3A_2378 = vector.broadcast %broadcast_in_dim3A_2377 : i32 to vector<16xi32>
      %eq3A_2379 = arith.constant 0 : i32
      %eq3A_2380 = vector.broadcast %eq3A_2379 : i32 to vector<16xi32>
      %eq3A_2381 = arith.cmpi eq, %select_n3A_2374, %eq3A_2380 : vector<16xi32>
      %jit3A_2382 = arith.constant -1.000000e+30 : f32
      %broadcast_in_dim3A_2383 = vector.broadcast %jit3A_2382 : f32 to vector<16xf32>
      %select_n3A_2384 = arith.select %eq3A_2381, %broadcast_in_dim3A_2383, %get3A_2302 : vector<16xi1>, vector<16xf32>
      %gt3A_2385 = arith.cmpf ogt, %select_n3A_2384, %broadcast_in_dim3A_2376 : vector<16xf32>
      %select_n3A_2386 = arith.select %gt3A_2385, %select_n3A_2384, %broadcast_in_dim3A_2376 : vector<16xi1>, vector<16xf32>
      %jit3A_2387 = arith.constant 0 : i32
      %broadcast_in_dim3A_2388 = vector.broadcast %jit3A_2387 : i32 to vector<16xi32>
      %select_n3A_2389 = arith.select %gt3A_2385, %broadcast_in_dim3A_2388, %broadcast_in_dim3A_2378 : vector<16xi1>, vector<16xi32>
      %eq3A_2390 = arith.constant 1 : i32
      %eq3A_2391 = vector.broadcast %eq3A_2390 : i32 to vector<16xi32>
      %eq3A_2392 = arith.cmpi eq, %select_n3A_2374, %eq3A_2391 : vector<16xi32>
      %jit3A_2393 = arith.constant -1.000000e+30 : f32
      %broadcast_in_dim3A_2394 = vector.broadcast %jit3A_2393 : f32 to vector<16xf32>
      %select_n3A_2395 = arith.select %eq3A_2392, %broadcast_in_dim3A_2394, %get3A_2307 : vector<16xi1>, vector<16xf32>
      %gt3A_2396 = arith.cmpf ogt, %select_n3A_2395, %select_n3A_2386 : vector<16xf32>
      %select_n3A_2397 = arith.select %gt3A_2396, %select_n3A_2395, %select_n3A_2386 : vector<16xi1>, vector<16xf32>
      %jit3A_2398 = arith.constant 1 : i32
      %broadcast_in_dim3A_2399 = vector.broadcast %jit3A_2398 : i32 to vector<16xi32>
      %select_n3A_2400 = arith.select %gt3A_2396, %broadcast_in_dim3A_2399, %select_n3A_2389 : vector<16xi1>, vector<16xi32>
      %eq3A_2401 = arith.constant 2 : i32
      %eq3A_2402 = vector.broadcast %eq3A_2401 : i32 to vector<16xi32>
      %eq3A_2403 = arith.cmpi eq, %select_n3A_2374, %eq3A_2402 : vector<16xi32>
      %jit3A_2404 = arith.constant -1.000000e+30 : f32
      %broadcast_in_dim3A_2405 = vector.broadcast %jit3A_2404 : f32 to vector<16xf32>
      %select_n3A_2406 = arith.select %eq3A_2403, %broadcast_in_dim3A_2405, %get3A_2312 : vector<16xi1>, vector<16xf32>
      %gt3A_2407 = arith.cmpf ogt, %select_n3A_2406, %select_n3A_2397 : vector<16xf32>
      %select_n3A_2408 = arith.select %gt3A_2407, %select_n3A_2406, %select_n3A_2397 : vector<16xi1>, vector<16xf32>
      %jit3A_2409 = arith.constant 2 : i32
      %broadcast_in_dim3A_2410 = vector.broadcast %jit3A_2409 : i32 to vector<16xi32>
      %select_n3A_2411 = arith.select %gt3A_2407, %broadcast_in_dim3A_2410, %select_n3A_2400 : vector<16xi1>, vector<16xi32>
      %eq3A_2412 = arith.constant 3 : i32
      %eq3A_2413 = vector.broadcast %eq3A_2412 : i32 to vector<16xi32>
      %eq3A_2414 = arith.cmpi eq, %select_n3A_2374, %eq3A_2413 : vector<16xi32>
      %jit3A_2415 = arith.constant -1.000000e+30 : f32
      %broadcast_in_dim3A_2416 = vector.broadcast %jit3A_2415 : f32 to vector<16xf32>
      %select_n3A_2417 = arith.select %eq3A_2414, %broadcast_in_dim3A_2416, %get3A_2317 : vector<16xi1>, vector<16xf32>
      %gt3A_2418 = arith.cmpf ogt, %select_n3A_2417, %select_n3A_2408 : vector<16xf32>
      %select_n3A_2419 = arith.select %gt3A_2418, %select_n3A_2417, %select_n3A_2408 : vector<16xi1>, vector<16xf32>
      %jit3A_2420 = arith.constant 3 : i32
      %broadcast_in_dim3A_2421 = vector.broadcast %jit3A_2420 : i32 to vector<16xi32>
      %select_n3A_2422 = arith.select %gt3A_2418, %broadcast_in_dim3A_2421, %select_n3A_2411 : vector<16xi1>, vector<16xi32>
      %eq3A_2423 = arith.constant 4 : i32
      %eq3A_2424 = vector.broadcast %eq3A_2423 : i32 to vector<16xi32>
      %eq3A_2425 = arith.cmpi eq, %select_n3A_2374, %eq3A_2424 : vector<16xi32>
      %jit3A_2426 = arith.constant -1.000000e+30 : f32
      %broadcast_in_dim3A_2427 = vector.broadcast %jit3A_2426 : f32 to vector<16xf32>
      %select_n3A_2428 = arith.select %eq3A_2425, %broadcast_in_dim3A_2427, %get3A_2322 : vector<16xi1>, vector<16xf32>
      %gt3A_2429 = arith.cmpf ogt, %select_n3A_2428, %select_n3A_2419 : vector<16xf32>
      %select_n3A_2430 = arith.select %gt3A_2429, %select_n3A_2428, %select_n3A_2419 : vector<16xi1>, vector<16xf32>
      %jit3A_2431 = arith.constant 4 : i32
      %broadcast_in_dim3A_2432 = vector.broadcast %jit3A_2431 : i32 to vector<16xi32>
      %select_n3A_2433 = arith.select %gt3A_2429, %broadcast_in_dim3A_2432, %select_n3A_2422 : vector<16xi1>, vector<16xi32>
      %eq3A_2434 = arith.constant 5 : i32
      %eq3A_2435 = vector.broadcast %eq3A_2434 : i32 to vector<16xi32>
      %eq3A_2436 = arith.cmpi eq, %select_n3A_2374, %eq3A_2435 : vector<16xi32>
      %jit3A_2437 = arith.constant -1.000000e+30 : f32
      %broadcast_in_dim3A_2438 = vector.broadcast %jit3A_2437 : f32 to vector<16xf32>
      %select_n3A_2439 = arith.select %eq3A_2436, %broadcast_in_dim3A_2438, %get3A_2327 : vector<16xi1>, vector<16xf32>
      %gt3A_2440 = arith.cmpf ogt, %select_n3A_2439, %select_n3A_2430 : vector<16xf32>
      %select_n3A_2441 = arith.select %gt3A_2440, %select_n3A_2439, %select_n3A_2430 : vector<16xi1>, vector<16xf32>
      %jit3A_2442 = arith.constant 5 : i32
      %broadcast_in_dim3A_2443 = vector.broadcast %jit3A_2442 : i32 to vector<16xi32>
      %select_n3A_2444 = arith.select %gt3A_2440, %broadcast_in_dim3A_2443, %select_n3A_2433 : vector<16xi1>, vector<16xi32>
      %eq3A_2445 = arith.constant 6 : i32
      %eq3A_2446 = vector.broadcast %eq3A_2445 : i32 to vector<16xi32>
      %eq3A_2447 = arith.cmpi eq, %select_n3A_2374, %eq3A_2446 : vector<16xi32>
      %jit3A_2448 = arith.constant -1.000000e+30 : f32
      %broadcast_in_dim3A_2449 = vector.broadcast %jit3A_2448 : f32 to vector<16xf32>
      %select_n3A_2450 = arith.select %eq3A_2447, %broadcast_in_dim3A_2449, %get3A_2332 : vector<16xi1>, vector<16xf32>
      %gt3A_2451 = arith.cmpf ogt, %select_n3A_2450, %select_n3A_2441 : vector<16xf32>
      %select_n3A_2452 = arith.select %gt3A_2451, %select_n3A_2450, %select_n3A_2441 : vector<16xi1>, vector<16xf32>
      %jit3A_2453 = arith.constant 6 : i32
      %broadcast_in_dim3A_2454 = vector.broadcast %jit3A_2453 : i32 to vector<16xi32>
      %select_n3A_2455 = arith.select %gt3A_2451, %broadcast_in_dim3A_2454, %select_n3A_2444 : vector<16xi1>, vector<16xi32>
      %eq3A_2456 = arith.constant 7 : i32
      %eq3A_2457 = vector.broadcast %eq3A_2456 : i32 to vector<16xi32>
      %eq3A_2458 = arith.cmpi eq, %select_n3A_2374, %eq3A_2457 : vector<16xi32>
      %jit3A_2459 = arith.constant -1.000000e+30 : f32
      %broadcast_in_dim3A_2460 = vector.broadcast %jit3A_2459 : f32 to vector<16xf32>
      %select_n3A_2461 = arith.select %eq3A_2458, %broadcast_in_dim3A_2460, %get3A_2337 : vector<16xi1>, vector<16xf32>
      %gt3A_2462 = arith.cmpf ogt, %select_n3A_2461, %select_n3A_2452 : vector<16xf32>
      %select_n3A_2463 = arith.select %gt3A_2462, %select_n3A_2461, %select_n3A_2452 : vector<16xi1>, vector<16xf32>
      %jit3A_2464 = arith.constant 7 : i32
      %broadcast_in_dim3A_2465 = vector.broadcast %jit3A_2464 : i32 to vector<16xi32>
      %select_n3A_2466 = arith.select %gt3A_2462, %broadcast_in_dim3A_2465, %select_n3A_2455 : vector<16xi1>, vector<16xi32>
      %broadcast_in_dim3A_2467 = arith.constant 0.000000e+00 : f32
      %broadcast_in_dim3A_2468 = vector.broadcast %broadcast_in_dim3A_2467 : f32 to vector<16xf32>
      %sub3A_2469 = arith.subf %get3A_2302, %select_n3A_2371 : vector<16xf32>
      %exp3A_2470 = math.exp %sub3A_2469 : vector<16xf32>
      %add3A_2471 = arith.addf %broadcast_in_dim3A_2468, %exp3A_2470 : vector<16xf32>
      %sub3A_2472 = arith.subf %get3A_2307, %select_n3A_2371 : vector<16xf32>
      %exp3A_2473 = math.exp %sub3A_2472 : vector<16xf32>
      %add3A_2474 = arith.addf %add3A_2471, %exp3A_2473 : vector<16xf32>
      %sub3A_2475 = arith.subf %get3A_2312, %select_n3A_2371 : vector<16xf32>
      %exp3A_2476 = math.exp %sub3A_2475 : vector<16xf32>
      %add3A_2477 = arith.addf %add3A_2474, %exp3A_2476 : vector<16xf32>
      %sub3A_2478 = arith.subf %get3A_2317, %select_n3A_2371 : vector<16xf32>
      %exp3A_2479 = math.exp %sub3A_2478 : vector<16xf32>
      %add3A_2480 = arith.addf %add3A_2477, %exp3A_2479 : vector<16xf32>
      %sub3A_2481 = arith.subf %get3A_2322, %select_n3A_2371 : vector<16xf32>
      %exp3A_2482 = math.exp %sub3A_2481 : vector<16xf32>
      %add3A_2483 = arith.addf %add3A_2480, %exp3A_2482 : vector<16xf32>
      %sub3A_2484 = arith.subf %get3A_2327, %select_n3A_2371 : vector<16xf32>
      %exp3A_2485 = math.exp %sub3A_2484 : vector<16xf32>
      %add3A_2486 = arith.addf %add3A_2483, %exp3A_2485 : vector<16xf32>
      %sub3A_2487 = arith.subf %get3A_2332, %select_n3A_2371 : vector<16xf32>
      %exp3A_2488 = math.exp %sub3A_2487 : vector<16xf32>
      %add3A_2489 = arith.addf %add3A_2486, %exp3A_2488 : vector<16xf32>
      %sub3A_2490 = arith.subf %get3A_2337, %select_n3A_2371 : vector<16xf32>
      %exp3A_2491 = math.exp %sub3A_2490 : vector<16xf32>
      %add3A_2492 = arith.addf %add3A_2489, %exp3A_2491 : vector<16xf32>
      %div3A_2493 = arith.constant 1.000000e+00 : f32
      %div3A_2494 = vector.broadcast %div3A_2493 : f32 to vector<16xf32>
      %div3A_2495 = arith.divf %div3A_2494, %add3A_2492 : vector<16xf32>
      %sub3A_2496 = arith.subf %select_n3A_2463, %select_n3A_2371 : vector<16xf32>
      %exp3A_2497 = math.exp %sub3A_2496 : vector<16xf32>
      %div3A_2498 = arith.divf %exp3A_2497, %add3A_2492 : vector<16xf32>
      %eq3A_2499 = arith.constant 0 : i32
      %eq3A_2500 = vector.broadcast %eq3A_2499 : i32 to vector<16xi32>
      %eq3A_2501 = arith.cmpi eq, %select_n3A_2374, %eq3A_2500 : vector<16xi32>
      %eq3A_2502 = arith.constant 0 : i32
      %eq3A_2503 = vector.broadcast %eq3A_2502 : i32 to vector<16xi32>
      %eq3A_2504 = arith.cmpi eq, %select_n3A_2466, %eq3A_2503 : vector<16xi32>
      %jit3A_2505 = arith.constant 0.000000e+00 : f32
      %broadcast_in_dim3A_2506 = vector.broadcast %jit3A_2505 : f32 to vector<16xf32>
      %select_n3A_2507 = arith.select %eq3A_2504, %div3A_2498, %broadcast_in_dim3A_2506 : vector<16xi1>, vector<16xf32>
      %select_n3A_2508 = arith.select %eq3A_2501, %div3A_2495, %select_n3A_2507 : vector<16xi1>, vector<16xf32>
      %swap3A_2509 = arith.constant 0 : i32
      %swap3A_2510 = arith.index_cast %swap3A_2509 : i32 to index
      %swap3A_2511 = arith.constant 112 : index
      %swap3A_2512 = tpu.vector_load %arg5[%swap3A_2510, %swap3A_2511] {strides = array<i32>} : memref<8x128xf32, #tpu.memory_space<vmem>>, vector<1x16xf32>,
      %swap3A_2513 = vector.shape_cast %swap3A_2512 : vector<1x16xf32> to vector<16xf32>
      %swap3A_2514 = vector.shape_cast %select_n3A_2508 : vector<16xf32> to vector<1x16xf32>
      tpu.vector_store %arg5[%swap3A_2510, %swap3A_2511], %swap3A_2514 {strides = array<i32>} : memref<8x128xf32, #tpu.memory_space<vmem>>, vector<1x16xf32>,
      %eq3A_2515 = arith.constant 1 : i32
      %eq3A_2516 = vector.broadcast %eq3A_2515 : i32 to vector<16xi32>
      %eq3A_2517 = arith.cmpi eq, %select_n3A_2374, %eq3A_2516 : vector<16xi32>
      %eq3A_2518 = arith.constant 1 : i32
      %eq3A_2519 = vector.broadcast %eq3A_2518 : i32 to vector<16xi32>
      %eq3A_2520 = arith.cmpi eq, %select_n3A_2466, %eq3A_2519 : vector<16xi32>
      %jit3A_2521 = arith.constant 0.000000e+00 : f32
      %broadcast_in_dim3A_2522 = vector.broadcast %jit3A_2521 : f32 to vector<16xf32>
      %select_n3A_2523 = arith.select %eq3A_2520, %div3A_2498, %broadcast_in_dim3A_2522 : vector<16xi1>, vector<16xf32>
      %select_n3A_2524 = arith.select %eq3A_2517, %div3A_2495, %select_n3A_2523 : vector<16xi1>, vector<16xf32>
      %swap3A_2525 = arith.constant 1 : i32
      %swap3A_2526 = arith.index_cast %swap3A_2525 : i32 to index
      %swap3A_2527 = arith.constant 112 : index
      %swap3A_2528 = tpu.vector_load %arg5[%swap3A_2526, %swap3A_2527] {strides = array<i32>} : memref<8x128xf32, #tpu.memory_space<vmem>>, vector<1x16xf32>,
      %swap3A_2529 = vector.shape_cast %swap3A_2528 : vector<1x16xf32> to vector<16xf32>
      %swap3A_2530 = vector.shape_cast %select_n3A_2524 : vector<16xf32> to vector<1x16xf32>
      tpu.vector_store %arg5[%swap3A_2526, %swap3A_2527], %swap3A_2530 {strides = array<i32>} : memref<8x128xf32, #tpu.memory_space<vmem>>, vector<1x16xf32>,
      %eq3A_2531 = arith.constant 2 : i32
      %eq3A_2532 = vector.broadcast %eq3A_2531 : i32 to vector<16xi32>
      %eq3A_2533 = arith.cmpi eq, %select_n3A_2374, %eq3A_2532 : vector<16xi32>
      %eq3A_2534 = arith.constant 2 : i32
      %eq3A_2535 = vector.broadcast %eq3A_2534 : i32 to vector<16xi32>
      %eq3A_2536 = arith.cmpi eq, %select_n3A_2466, %eq3A_2535 : vector<16xi32>
      %jit3A_2537 = arith.constant 0.000000e+00 : f32
      %broadcast_in_dim3A_2538 = vector.broadcast %jit3A_2537 : f32 to vector<16xf32>
      %select_n3A_2539 = arith.select %eq3A_2536, %div3A_2498, %broadcast_in_dim3A_2538 : vector<16xi1>, vector<16xf32>
      %select_n3A_2540 = arith.select %eq3A_2533, %div3A_2495, %select_n3A_2539 : vector<16xi1>, vector<16xf32>
      %swap3A_2541 = arith.constant 2 : i32
      %swap3A_2542 = arith.index_cast %swap3A_2541 : i32 to index
      %swap3A_2543 = arith.constant 112 : index
      %swap3A_2544 = tpu.vector_load %arg5[%swap3A_2542, %swap3A_2543] {strides = array<i32>} : memref<8x128xf32, #tpu.memory_space<vmem>>, vector<1x16xf32>,
      %swap3A_2545 = vector.shape_cast %swap3A_2544 : vector<1x16xf32> to vector<16xf32>
      %swap3A_2546 = vector.shape_cast %select_n3A_2540 : vector<16xf32> to vector<1x16xf32>
      tpu.vector_store %arg5[%swap3A_2542, %swap3A_2543], %swap3A_2546 {strides = array<i32>} : memref<8x128xf32, #tpu.memory_space<vmem>>, vector<1x16xf32>,
      %eq3A_2547 = arith.constant 3 : i32
      %eq3A_2548 = vector.broadcast %eq3A_2547 : i32 to vector<16xi32>
      %eq3A_2549 = arith.cmpi eq, %select_n3A_2374, %eq3A_2548 : vector<16xi32>
      %eq3A_2550 = arith.constant 3 : i32
      %eq3A_2551 = vector.broadcast %eq3A_2550 : i32 to vector<16xi32>
      %eq3A_2552 = arith.cmpi eq, %select_n3A_2466, %eq3A_2551 : vector<16xi32>
      %jit3A_2553 = arith.constant 0.000000e+00 : f32
      %broadcast_in_dim3A_2554 = vector.broadcast %jit3A_2553 : f32 to vector<16xf32>
      %select_n3A_2555 = arith.select %eq3A_2552, %div3A_2498, %broadcast_in_dim3A_2554 : vector<16xi1>, vector<16xf32>
      %select_n3A_2556 = arith.select %eq3A_2549, %div3A_2495, %select_n3A_2555 : vector<16xi1>, vector<16xf32>
      %swap3A_2557 = arith.constant 3 : i32
      %swap3A_2558 = arith.index_cast %swap3A_2557 : i32 to index
      %swap3A_2559 = arith.constant 112 : index
      %swap3A_2560 = tpu.vector_load %arg5[%swap3A_2558, %swap3A_2559] {strides = array<i32>} : memref<8x128xf32, #tpu.memory_space<vmem>>, vector<1x16xf32>,
      %swap3A_2561 = vector.shape_cast %swap3A_2560 : vector<1x16xf32> to vector<16xf32>
      %swap3A_2562 = vector.shape_cast %select_n3A_2556 : vector<16xf32> to vector<1x16xf32>
      tpu.vector_store %arg5[%swap3A_2558, %swap3A_2559], %swap3A_2562 {strides = array<i32>} : memref<8x128xf32, #tpu.memory_space<vmem>>, vector<1x16xf32>,
      %eq3A_2563 = arith.constant 4 : i32
      %eq3A_2564 = vector.broadcast %eq3A_2563 : i32 to vector<16xi32>
      %eq3A_2565 = arith.cmpi eq, %select_n3A_2374, %eq3A_2564 : vector<16xi32>
      %eq3A_2566 = arith.constant 4 : i32
      %eq3A_2567 = vector.broadcast %eq3A_2566 : i32 to vector<16xi32>
      %eq3A_2568 = arith.cmpi eq, %select_n3A_2466, %eq3A_2567 : vector<16xi32>
      %jit3A_2569 = arith.constant 0.000000e+00 : f32
      %broadcast_in_dim3A_2570 = vector.broadcast %jit3A_2569 : f32 to vector<16xf32>
      %select_n3A_2571 = arith.select %eq3A_2568, %div3A_2498, %broadcast_in_dim3A_2570 : vector<16xi1>, vector<16xf32>
      %select_n3A_2572 = arith.select %eq3A_2565, %div3A_2495, %select_n3A_2571 : vector<16xi1>, vector<16xf32>
      %swap3A_2573 = arith.constant 4 : i32
      %swap3A_2574 = arith.index_cast %swap3A_2573 : i32 to index
      %swap3A_2575 = arith.constant 112 : index
      %swap3A_2576 = tpu.vector_load %arg5[%swap3A_2574, %swap3A_2575] {strides = array<i32>} : memref<8x128xf32, #tpu.memory_space<vmem>>, vector<1x16xf32>,
      %swap3A_2577 = vector.shape_cast %swap3A_2576 : vector<1x16xf32> to vector<16xf32>
      %swap3A_2578 = vector.shape_cast %select_n3A_2572 : vector<16xf32> to vector<1x16xf32>
      tpu.vector_store %arg5[%swap3A_2574, %swap3A_2575], %swap3A_2578 {strides = array<i32>} : memref<8x128xf32, #tpu.memory_space<vmem>>, vector<1x16xf32>,
      %eq3A_2579 = arith.constant 5 : i32
      %eq3A_2580 = vector.broadcast %eq3A_2579 : i32 to vector<16xi32>
      %eq3A_2581 = arith.cmpi eq, %select_n3A_2374, %eq3A_2580 : vector<16xi32>
      %eq3A_2582 = arith.constant 5 : i32
      %eq3A_2583 = vector.broadcast %eq3A_2582 : i32 to vector<16xi32>
      %eq3A_2584 = arith.cmpi eq, %select_n3A_2466, %eq3A_2583 : vector<16xi32>
      %jit3A_2585 = arith.constant 0.000000e+00 : f32
      %broadcast_in_dim3A_2586 = vector.broadcast %jit3A_2585 : f32 to vector<16xf32>
      %select_n3A_2587 = arith.select %eq3A_2584, %div3A_2498, %broadcast_in_dim3A_2586 : vector<16xi1>, vector<16xf32>
      %select_n3A_2588 = arith.select %eq3A_2581, %div3A_2495, %select_n3A_2587 : vector<16xi1>, vector<16xf32>
      %swap3A_2589 = arith.constant 5 : i32
      %swap3A_2590 = arith.index_cast %swap3A_2589 : i32 to index
      %swap3A_2591 = arith.constant 112 : index
      %swap3A_2592 = tpu.vector_load %arg5[%swap3A_2590, %swap3A_2591] {strides = array<i32>} : memref<8x128xf32, #tpu.memory_space<vmem>>, vector<1x16xf32>,
      %swap3A_2593 = vector.shape_cast %swap3A_2592 : vector<1x16xf32> to vector<16xf32>
      %swap3A_2594 = vector.shape_cast %select_n3A_2588 : vector<16xf32> to vector<1x16xf32>
      tpu.vector_store %arg5[%swap3A_2590, %swap3A_2591], %swap3A_2594 {strides = array<i32>} : memref<8x128xf32, #tpu.memory_space<vmem>>, vector<1x16xf32>,
      %eq3A_2595 = arith.constant 6 : i32
      %eq3A_2596 = vector.broadcast %eq3A_2595 : i32 to vector<16xi32>
      %eq3A_2597 = arith.cmpi eq, %select_n3A_2374, %eq3A_2596 : vector<16xi32>
      %eq3A_2598 = arith.constant 6 : i32
      %eq3A_2599 = vector.broadcast %eq3A_2598 : i32 to vector<16xi32>
      %eq3A_2600 = arith.cmpi eq, %select_n3A_2466, %eq3A_2599 : vector<16xi32>
      %jit3A_2601 = arith.constant 0.000000e+00 : f32
      %broadcast_in_dim3A_2602 = vector.broadcast %jit3A_2601 : f32 to vector<16xf32>
      %select_n3A_2603 = arith.select %eq3A_2600, %div3A_2498, %broadcast_in_dim3A_2602 : vector<16xi1>, vector<16xf32>
      %select_n3A_2604 = arith.select %eq3A_2597, %div3A_2495, %select_n3A_2603 : vector<16xi1>, vector<16xf32>
      %swap3A_2605 = arith.constant 6 : i32
      %swap3A_2606 = arith.index_cast %swap3A_2605 : i32 to index
      %swap3A_2607 = arith.constant 112 : index
      %swap3A_2608 = tpu.vector_load %arg5[%swap3A_2606, %swap3A_2607] {strides = array<i32>} : memref<8x128xf32, #tpu.memory_space<vmem>>, vector<1x16xf32>,
      %swap3A_2609 = vector.shape_cast %swap3A_2608 : vector<1x16xf32> to vector<16xf32>
      %swap3A_2610 = vector.shape_cast %select_n3A_2604 : vector<16xf32> to vector<1x16xf32>
      tpu.vector_store %arg5[%swap3A_2606, %swap3A_2607], %swap3A_2610 {strides = array<i32>} : memref<8x128xf32, #tpu.memory_space<vmem>>, vector<1x16xf32>,
      %eq3A_2611 = arith.constant 7 : i32
      %eq3A_2612 = vector.broadcast %eq3A_2611 : i32 to vector<16xi32>
      %eq3A_2613 = arith.cmpi eq, %select_n3A_2374, %eq3A_2612 : vector<16xi32>
      %eq3A_2614 = arith.constant 7 : i32
      %eq3A_2615 = vector.broadcast %eq3A_2614 : i32 to vector<16xi32>
      %eq3A_2616 = arith.cmpi eq, %select_n3A_2466, %eq3A_2615 : vector<16xi32>
      %jit3A_2617 = arith.constant 0.000000e+00 : f32
      %broadcast_in_dim3A_2618 = vector.broadcast %jit3A_2617 : f32 to vector<16xf32>
      %select_n3A_2619 = arith.select %eq3A_2616, %div3A_2498, %broadcast_in_dim3A_2618 : vector<16xi1>, vector<16xf32>
      %select_n3A_2620 = arith.select %eq3A_2613, %div3A_2495, %select_n3A_2619 : vector<16xi1>, vector<16xf32>
      %swap3A_2621 = arith.constant 7 : i32
      %swap3A_2622 = arith.index_cast %swap3A_2621 : i32 to index
      %swap3A_2623 = arith.constant 112 : index
      %swap3A_2624 = tpu.vector_load %arg5[%swap3A_2622, %swap3A_2623] {strides = array<i32>} : memref<8x128xf32, #tpu.memory_space<vmem>>, vector<1x16xf32>,
      %swap3A_2625 = vector.shape_cast %swap3A_2624 : vector<1x16xf32> to vector<16xf32>
      %swap3A_2626 = vector.shape_cast %select_n3A_2620 : vector<16xf32> to vector<1x16xf32>
      tpu.vector_store %arg5[%swap3A_2622, %swap3A_2623], %swap3A_2626 {strides = array<i32>} : memref<8x128xf32, #tpu.memory_space<vmem>>, vector<1x16xf32>,
      "tpu.region"() ({
        %run_scoped3A = tpu.sem_alloc : memref<!tpu.dma_semaphore, #tpu.memory_space<semaphore_mem>>
        %dma_start3A = arith.constant 0 : i32
        %dma_start3A_2627 = tpu.memref_slice %arg3[%dma_start3A, %mul3A_4] : memref<8x2048xf32, #tpu.memory_space<hbm>> -> memref<8x128xf32, #tpu.memory_space<hbm>>
        %dma_start3A_2628 = arith.constant 0 : i32
        %dma_start3A_2629 = tpu.memref_slice %arg3[%dma_start3A_2628, %mul3A_4] : memref<8x2048xf32, #tpu.memory_space<hbm>> -> memref<8x128xf32, #tpu.memory_space<hbm>>
        tpu.enqueue_dma source(%arg5 : memref<8x128xf32, #tpu.memory_space<vmem>>) target(%dma_start3A_2629 : memref<8x128xf32, #tpu.memory_space<hbm>>) target_semaphore(%run_scoped3A : memref<!tpu.dma_semaphore, #tpu.memory_space<semaphore_mem>>)
        %dma_wait3A = arith.constant 0 : i32
        %dma_wait3A_2630 = tpu.memref_slice %arg3[%dma_wait3A, %mul3A_4] : memref<8x2048xf32, #tpu.memory_space<hbm>> -> memref<8x128xf32, #tpu.memory_space<hbm>>
        %dma_wait3A_2631 = arith.constant 0 : i32
        %dma_wait3A_2632 = tpu.memref_slice %arg3[%dma_wait3A_2631, %mul3A_4] : memref<8x2048xf32, #tpu.memory_space<hbm>> -> memref<8x128xf32, #tpu.memory_space<hbm>>
        tpu.wait_dma2 semaphore(%run_scoped3A : memref<!tpu.dma_semaphore, #tpu.memory_space<semaphore_mem>>) src(%arg5 : memref<8x128xf32, #tpu.memory_space<vmem>>) dst(%dma_wait3A_2632 : memref<8x128xf32, #tpu.memory_space<hbm>>)
        tpu.yield
      }) : () -> ()
    } else {
    }
    return
  }
}

module attributes {stable_mosaic.version = 14 : i64} {
  func.func @_ffn_body(%arg0: i32, %arg1: memref<512x2048xbf16, #tpu.memory_space<vmem>>, %arg2: memref<8x512xf32, #tpu.memory_space<vmem>>, %arg3: memref<8x2048x128xf32, #tpu.memory_space<vmem>>, %arg4: memref<1x1024xf32, #tpu.memory_space<vmem>>, %arg5: memref<1024x2048xf32, #tpu.memory_space<vmem>>, %arg6: memref<512x2048xf32, #tpu.memory_space<vmem>>, %arg7: memref<2x2048xf32, #tpu.memory_space<vmem>>, %arg8: memref<2048x1024xbf16, #tpu.memory_space<vmem>>, %arg9: memref<1024x2048xbf16, #tpu.memory_space<vmem>>) attributes {dimension_semantics = [#tpu.dimension_semantics<arbitrary>], iteration_bounds = array<i64: 4>, scalar_prefetch = 0 : i64, scratch_operands = 2 : i64, tpu.core_type = #tpu.core_type<tc>, window_params = [{transform_indices = @transform_0, window_bounds = array<i64: 512, 2048>}, {transform_indices = @transform_1, window_bounds = array<i64: 8, 512>}, {pipeline_mode = #tpu.pipeline_mode<synchronous>, transform_indices = @transform_2, window_bounds = array<i64: 8, 2048, 128>}, {pipeline_mode = #tpu.pipeline_mode<synchronous>, transform_indices = @transform_3, window_bounds = array<i64: 1, 1024>}, {pipeline_mode = #tpu.pipeline_mode<synchronous>, transform_indices = @transform_4, window_bounds = array<i64: 1024, 2048>}, {transform_indices = @transform_5, window_bounds = array<i64: 512, 2048>}, {pipeline_mode = #tpu.pipeline_mode<synchronous>, transform_indices = @transform_6, window_bounds = array<i64: 2, 2048>}]} {
    %eq3A = arith.constant 0 : i32
    %eq3A_0 = arith.cmpi eq, %arg0, %eq3A : i32
    %convert_element_type3A = arith.extui %eq3A_0 : i1 to i32
    %cond3A = arith.constant 0 : i32
    %cond3A_1 = arith.cmpi ne, %convert_element_type3A, %cond3A : i32
    scf.if %cond3A_1 {
      %get3A_87 = arith.constant 0 : index
      %get3A_88 = arith.constant 0 : index
      %get3A_89 = arith.constant 0 : index
      %get3A_90 = vector.load %arg3[%get3A_87, %get3A_88, %get3A_89] : memref<8x2048x128xf32, #tpu.memory_space<vmem>>, vector<1x2048x128xf32>
      %get3A_91 = vector.shape_cast %get3A_90 : vector<1x2048x128xf32> to vector<2048x128xf32>
      %convert_element_type3A_92 = arith.truncf %get3A_91 : vector<2048x128xf32> to vector<2048x128xbf16>
      %swap3A_93 = arith.constant 0 : index
      %swap3A_94 = arith.constant 0 : index
      %swap3A_95 = vector.load %arg8[%swap3A_93, %swap3A_94] : memref<2048x1024xbf16, #tpu.memory_space<vmem>>, vector<2048x128xbf16>
      tpu.vector_store %arg8[%swap3A_93, %swap3A_94], %convert_element_type3A_92 {strides = array<i32>} : memref<2048x1024xbf16, #tpu.memory_space<vmem>>, vector<2048x128xbf16>,
      %get3A_96 = arith.constant 1 : index
      %get3A_97 = arith.constant 0 : index
      %get3A_98 = arith.constant 0 : index
      %get3A_99 = vector.load %arg3[%get3A_96, %get3A_97, %get3A_98] : memref<8x2048x128xf32, #tpu.memory_space<vmem>>, vector<1x2048x128xf32>
      %get3A_100 = vector.shape_cast %get3A_99 : vector<1x2048x128xf32> to vector<2048x128xf32>
      %convert_element_type3A_101 = arith.truncf %get3A_100 : vector<2048x128xf32> to vector<2048x128xbf16>
      %swap3A_102 = arith.constant 0 : index
      %swap3A_103 = arith.constant 128 : index
      %swap3A_104 = vector.load %arg8[%swap3A_102, %swap3A_103] : memref<2048x1024xbf16, #tpu.memory_space<vmem>>, vector<2048x128xbf16>
      tpu.vector_store %arg8[%swap3A_102, %swap3A_103], %convert_element_type3A_101 {strides = array<i32>} : memref<2048x1024xbf16, #tpu.memory_space<vmem>>, vector<2048x128xbf16>,
      %get3A_105 = arith.constant 2 : index
      %get3A_106 = arith.constant 0 : index
      %get3A_107 = arith.constant 0 : index
      %get3A_108 = vector.load %arg3[%get3A_105, %get3A_106, %get3A_107] : memref<8x2048x128xf32, #tpu.memory_space<vmem>>, vector<1x2048x128xf32>
      %get3A_109 = vector.shape_cast %get3A_108 : vector<1x2048x128xf32> to vector<2048x128xf32>
      %convert_element_type3A_110 = arith.truncf %get3A_109 : vector<2048x128xf32> to vector<2048x128xbf16>
      %swap3A_111 = arith.constant 0 : index
      %swap3A_112 = arith.constant 256 : index
      %swap3A_113 = vector.load %arg8[%swap3A_111, %swap3A_112] : memref<2048x1024xbf16, #tpu.memory_space<vmem>>, vector<2048x128xbf16>
      tpu.vector_store %arg8[%swap3A_111, %swap3A_112], %convert_element_type3A_110 {strides = array<i32>} : memref<2048x1024xbf16, #tpu.memory_space<vmem>>, vector<2048x128xbf16>,
      %get3A_114 = arith.constant 3 : index
      %get3A_115 = arith.constant 0 : index
      %get3A_116 = arith.constant 0 : index
      %get3A_117 = vector.load %arg3[%get3A_114, %get3A_115, %get3A_116] : memref<8x2048x128xf32, #tpu.memory_space<vmem>>, vector<1x2048x128xf32>
      %get3A_118 = vector.shape_cast %get3A_117 : vector<1x2048x128xf32> to vector<2048x128xf32>
      %convert_element_type3A_119 = arith.truncf %get3A_118 : vector<2048x128xf32> to vector<2048x128xbf16>
      %swap3A_120 = arith.constant 0 : index
      %swap3A_121 = arith.constant 384 : index
      %swap3A_122 = vector.load %arg8[%swap3A_120, %swap3A_121] : memref<2048x1024xbf16, #tpu.memory_space<vmem>>, vector<2048x128xbf16>
      tpu.vector_store %arg8[%swap3A_120, %swap3A_121], %convert_element_type3A_119 {strides = array<i32>} : memref<2048x1024xbf16, #tpu.memory_space<vmem>>, vector<2048x128xbf16>,
      %get3A_123 = arith.constant 4 : index
      %get3A_124 = arith.constant 0 : index
      %get3A_125 = arith.constant 0 : index
      %get3A_126 = vector.load %arg3[%get3A_123, %get3A_124, %get3A_125] : memref<8x2048x128xf32, #tpu.memory_space<vmem>>, vector<1x2048x128xf32>
      %get3A_127 = vector.shape_cast %get3A_126 : vector<1x2048x128xf32> to vector<2048x128xf32>
      %convert_element_type3A_128 = arith.truncf %get3A_127 : vector<2048x128xf32> to vector<2048x128xbf16>
      %swap3A_129 = arith.constant 0 : index
      %swap3A_130 = arith.constant 512 : index
      %swap3A_131 = vector.load %arg8[%swap3A_129, %swap3A_130] : memref<2048x1024xbf16, #tpu.memory_space<vmem>>, vector<2048x128xbf16>
      tpu.vector_store %arg8[%swap3A_129, %swap3A_130], %convert_element_type3A_128 {strides = array<i32>} : memref<2048x1024xbf16, #tpu.memory_space<vmem>>, vector<2048x128xbf16>,
      %get3A_132 = arith.constant 5 : index
      %get3A_133 = arith.constant 0 : index
      %get3A_134 = arith.constant 0 : index
      %get3A_135 = vector.load %arg3[%get3A_132, %get3A_133, %get3A_134] : memref<8x2048x128xf32, #tpu.memory_space<vmem>>, vector<1x2048x128xf32>
      %get3A_136 = vector.shape_cast %get3A_135 : vector<1x2048x128xf32> to vector<2048x128xf32>
      %convert_element_type3A_137 = arith.truncf %get3A_136 : vector<2048x128xf32> to vector<2048x128xbf16>
      %swap3A_138 = arith.constant 0 : index
      %swap3A_139 = arith.constant 640 : index
      %swap3A_140 = vector.load %arg8[%swap3A_138, %swap3A_139] : memref<2048x1024xbf16, #tpu.memory_space<vmem>>, vector<2048x128xbf16>
      tpu.vector_store %arg8[%swap3A_138, %swap3A_139], %convert_element_type3A_137 {strides = array<i32>} : memref<2048x1024xbf16, #tpu.memory_space<vmem>>, vector<2048x128xbf16>,
      %get3A_141 = arith.constant 6 : index
      %get3A_142 = arith.constant 0 : index
      %get3A_143 = arith.constant 0 : index
      %get3A_144 = vector.load %arg3[%get3A_141, %get3A_142, %get3A_143] : memref<8x2048x128xf32, #tpu.memory_space<vmem>>, vector<1x2048x128xf32>
      %get3A_145 = vector.shape_cast %get3A_144 : vector<1x2048x128xf32> to vector<2048x128xf32>
      %convert_element_type3A_146 = arith.truncf %get3A_145 : vector<2048x128xf32> to vector<2048x128xbf16>
      %swap3A_147 = arith.constant 0 : index
      %swap3A_148 = arith.constant 768 : index
      %swap3A_149 = vector.load %arg8[%swap3A_147, %swap3A_148] : memref<2048x1024xbf16, #tpu.memory_space<vmem>>, vector<2048x128xbf16>
      tpu.vector_store %arg8[%swap3A_147, %swap3A_148], %convert_element_type3A_146 {strides = array<i32>} : memref<2048x1024xbf16, #tpu.memory_space<vmem>>, vector<2048x128xbf16>,
      %get3A_150 = arith.constant 7 : index
      %get3A_151 = arith.constant 0 : index
      %get3A_152 = arith.constant 0 : index
      %get3A_153 = vector.load %arg3[%get3A_150, %get3A_151, %get3A_152] : memref<8x2048x128xf32, #tpu.memory_space<vmem>>, vector<1x2048x128xf32>
      %get3A_154 = vector.shape_cast %get3A_153 : vector<1x2048x128xf32> to vector<2048x128xf32>
      %convert_element_type3A_155 = arith.truncf %get3A_154 : vector<2048x128xf32> to vector<2048x128xbf16>
      %swap3A_156 = arith.constant 0 : index
      %swap3A_157 = arith.constant 896 : index
      %swap3A_158 = vector.load %arg8[%swap3A_156, %swap3A_157] : memref<2048x1024xbf16, #tpu.memory_space<vmem>>, vector<2048x128xbf16>
      tpu.vector_store %arg8[%swap3A_156, %swap3A_157], %convert_element_type3A_155 {strides = array<i32>} : memref<2048x1024xbf16, #tpu.memory_space<vmem>>, vector<2048x128xbf16>,
      %get3A_159 = arith.constant 0 : index
      %get3A_160 = arith.constant 0 : index
      %get3A_161 = vector.load %arg5[%get3A_159, %get3A_160] : memref<1024x2048xf32, #tpu.memory_space<vmem>>, vector<1024x2048xf32>
      %convert_element_type3A_162 = arith.truncf %get3A_161 : vector<1024x2048xf32> to vector<1024x2048xbf16>
      %swap3A_163 = arith.constant 0 : index
      %swap3A_164 = arith.constant 0 : index
      %swap3A_165 = vector.load %arg9[%swap3A_163, %swap3A_164] : memref<1024x2048xbf16, #tpu.memory_space<vmem>>, vector<1024x2048xbf16>
      tpu.vector_store %arg9[%swap3A_163, %swap3A_164], %convert_element_type3A_162 {strides = array<i32>} : memref<1024x2048xbf16, #tpu.memory_space<vmem>>, vector<1024x2048xbf16>,
    } else {
    }
    %get3A = arith.constant 0 : index
    %get3A_2 = arith.constant 0 : index
    %get3A_3 = vector.load %arg2[%get3A, %get3A_2] : memref<8x512xf32, #tpu.memory_space<vmem>>, vector<8x512xf32>
    %iota3A = tpu.iota {dimensions = array<i32: 0>} : vector<8x1024xi32>
    %iota3A_4 = tpu.iota {dimensions = array<i32: 1>} : vector<8x1024xi32>
    %jit3A = arith.constant 128 : i32
    %div3A = vector.broadcast %jit3A : i32 to vector<8x1024xi32>
    %div3A_5 = arith.divsi %iota3A_4, %div3A : vector<8x1024xi32>
    %sign3A = arith.constant 0 : i32
    %sign3A_6 = vector.broadcast %sign3A : i32 to vector<8x1024xi32>
    %sign3A_7 = arith.cmpi sgt, %iota3A_4, %sign3A_6 : vector<8x1024xi32>
    %sign3A_8 = arith.extui %sign3A_7 : vector<8x1024xi1> to vector<8x1024xi32>
    %sign3A_9 = arith.constant 0 : i32
    %sign3A_10 = vector.broadcast %sign3A_9 : i32 to vector<8x1024xi32>
    %sign3A_11 = arith.cmpi slt, %iota3A_4, %sign3A_10 : vector<8x1024xi32>
    %sign3A_12 = arith.extui %sign3A_11 : vector<8x1024xi1> to vector<8x1024xi32>
    %sign3A_13 = arith.subi %sign3A_8, %sign3A_12 : vector<8x1024xi32>
    %sign3A_14 = arith.constant 0 : i32
    %sign3A_15 = arith.cmpi sgt, %jit3A, %sign3A_14 : i32
    %sign3A_16 = arith.extui %sign3A_15 : i1 to i32
    %sign3A_17 = arith.constant 0 : i32
    %sign3A_18 = arith.cmpi slt, %jit3A, %sign3A_17 : i32
    %sign3A_19 = arith.extui %sign3A_18 : i1 to i32
    %sign3A_20 = arith.subi %sign3A_16, %sign3A_19 : i32
    %ne3A = vector.broadcast %sign3A_20 : i32 to vector<8x1024xi32>
    %ne3A_21 = arith.cmpi ne, %sign3A_13, %ne3A : vector<8x1024xi32>
    %rem3A = vector.broadcast %jit3A : i32 to vector<8x1024xi32>
    %rem3A_22 = arith.remsi %iota3A_4, %rem3A : vector<8x1024xi32>
    %ne3A_23 = arith.constant 0 : i32
    %ne3A_24 = vector.broadcast %ne3A_23 : i32 to vector<8x1024xi32>
    %ne3A_25 = arith.cmpi ne, %rem3A_22, %ne3A_24 : vector<8x1024xi32>
    %and3A = arith.andi %ne3A_21, %ne3A_25 : vector<8x1024xi1>
    %sub3A = arith.constant 1 : i32
    %sub3A_26 = vector.broadcast %sub3A : i32 to vector<8x1024xi32>
    %sub3A_27 = arith.subi %div3A_5, %sub3A_26 : vector<8x1024xi32>
    %select_n3A = arith.select %and3A, %sub3A_27, %div3A_5 : vector<8x1024xi1>, vector<8x1024xi32>
    %eq3A_28 = arith.cmpi eq, %iota3A, %select_n3A : vector<8x1024xi32>
    %convert_element_type3A_29 = arith.extui %eq3A_28 : vector<8x1024xi1> to vector<8x1024xi32>
    %convert_element_type3A_30 = arith.sitofp %convert_element_type3A_29 : vector<8x1024xi32> to vector<8x1024xf32>
    %convert_element_type3A_31 = arith.truncf %convert_element_type3A_30 : vector<8x1024xf32> to vector<8x1024xbf16>
    %convert_element_type3A_32 = arith.truncf %get3A_3 : vector<8x512xf32> to vector<8x512xbf16>
    %dot_general3A = arith.constant dense<0.000000e+00> : vector<512x1024xf32>
    %dot_general3A_33 = tpu.matmul %convert_element_type3A_32, %convert_element_type3A_31, %dot_general3A {dimension_numbers = #tpu.dot_dimension_numbers<[0], [0], [1], [1], [0, 1, 1, 1], [], []>, transpose_lhs_hint = false} : vector<8x512xbf16>, vector<8x1024xbf16>, vector<512x1024xf32> -> vector<512x1024xf32>
    %get3A_34 = arith.constant 0 : index
    %get3A_35 = arith.constant 0 : index
    %get3A_36 = vector.load %arg1[%get3A_34, %get3A_35] : memref<512x2048xbf16, #tpu.memory_space<vmem>>, vector<512x2048xbf16>
    %get3A_37 = arith.constant 0 : index
    %get3A_38 = arith.constant 0 : index
    %get3A_39 = vector.load %arg8[%get3A_37, %get3A_38] : memref<2048x1024xbf16, #tpu.memory_space<vmem>>, vector<2048x1024xbf16>
    %dot_general3A_40 = arith.constant dense<0.000000e+00> : vector<512x1024xf32>
    %dot_general3A_41 = tpu.matmul %get3A_36, %get3A_39, %dot_general3A_40 {dimension_numbers = #tpu.dot_dimension_numbers<[1], [0], [0], [1], [0, 0, 1, 1], [], []>, transpose_lhs_hint = false} : vector<512x2048xbf16>, vector<2048x1024xbf16>, vector<512x1024xf32> -> vector<512x1024xf32>
    %get3A_42 = arith.constant 0 : index
    %get3A_43 = arith.constant 0 : index
    %get3A_44 = vector.load %arg4[%get3A_42, %get3A_43] : memref<1x1024xf32, #tpu.memory_space<vmem>>, vector<1x1024xf32>
    %add3A = vector.broadcast %get3A_44 : vector<1x1024xf32> to vector<512x1024xf32>
    %add3A_45 = arith.addf %dot_general3A_41, %add3A : vector<512x1024xf32>
    %max3A = arith.constant 0.000000e+00 : f32
    %max3A_46 = vector.broadcast %max3A : f32 to vector<512x1024xf32>
    %max3A_47 = arith.maximumf %add3A_45, %max3A_46 : vector<512x1024xf32>
    %mul3A = arith.mulf %max3A_47, %dot_general3A_33 : vector<512x1024xf32>
    %convert_element_type3A_48 = arith.truncf %mul3A : vector<512x1024xf32> to vector<512x1024xbf16>
    %get3A_49 = arith.constant 0 : index
    %get3A_50 = arith.constant 0 : index
    %get3A_51 = vector.load %arg9[%get3A_49, %get3A_50] : memref<1024x2048xbf16, #tpu.memory_space<vmem>>, vector<1024x2048xbf16>
    %dot_general3A_52 = arith.constant dense<0.000000e+00> : vector<512x2048xf32>
    %dot_general3A_53 = tpu.matmul %convert_element_type3A_48, %get3A_51, %dot_general3A_52 {dimension_numbers = #tpu.dot_dimension_numbers<[1], [0], [0], [1], [0, 0, 1, 1], [], []>, transpose_lhs_hint = false} : vector<512x1024xbf16>, vector<1024x2048xbf16>, vector<512x2048xf32> -> vector<512x2048xf32>
    %swap3A = arith.constant 0 : index
    %swap3A_54 = arith.constant 0 : index
    %swap3A_55 = vector.load %arg6[%swap3A, %swap3A_54] : memref<512x2048xf32, #tpu.memory_space<vmem>>, vector<512x2048xf32>
    tpu.vector_store %arg6[%swap3A, %swap3A_54], %dot_general3A_53 {strides = array<i32>} : memref<512x2048xf32, #tpu.memory_space<vmem>>, vector<512x2048xf32>,
    %reduce_max3A = arith.constant dense<0xFF800000> : vector<512xf32>
    %reduce_max3A_56 = vector.multi_reduction <maximumf>, %get3A_3, %reduce_max3A [0] : vector<8x512xf32> to vector<512xf32>
    %reduce_sum3A = arith.constant dense<0.000000e+00> : vector<512xf32>
    %reduce_sum3A_57 = vector.multi_reduction <add>, %get3A_3, %reduce_sum3A [0] : vector<8x512xf32> to vector<512xf32>
    %reduce_sum3A_58 = vector.shape_cast %reduce_max3A_56 : vector<512xf32> to vector<1x512xf32>
    %reduce_sum3A_59 = arith.constant dense<0.000000e+00> : vector<1xf32>
    %reduce_sum3A_60 = vector.multi_reduction <add>, %reduce_sum3A_58, %reduce_sum3A_59 [1] : vector<1x512xf32> to vector<1xf32>
    %reduce_sum3A_61 = vector.shape_cast %reduce_sum3A_60 : vector<1xf32> to vector<1x1xf32>
    %reduce_sum3A_62 = vector.extract %reduce_sum3A_61[0, 0] : f32 from vector<1x1xf32>
    %sub3A_63 = arith.subf %reduce_sum3A_57, %reduce_max3A_56 : vector<512xf32>
    %reduce_sum3A_64 = vector.shape_cast %sub3A_63 : vector<512xf32> to vector<1x512xf32>
    %reduce_sum3A_65 = arith.constant dense<0.000000e+00> : vector<1xf32>
    %reduce_sum3A_66 = vector.multi_reduction <add>, %reduce_sum3A_64, %reduce_sum3A_65 [1] : vector<1x512xf32> to vector<1xf32>
    %reduce_sum3A_67 = vector.shape_cast %reduce_sum3A_66 : vector<1xf32> to vector<1x1xf32>
    %reduce_sum3A_68 = vector.extract %reduce_sum3A_67[0, 0] : f32 from vector<1x1xf32>
    %iota3A_69 = tpu.iota {dimensions = array<i32: 0>} : vector<2x2048xi32>
    %eq3A_70 = arith.constant 0 : i32
    %eq3A_71 = vector.broadcast %eq3A_70 : i32 to vector<2x2048xi32>
    %eq3A_72 = arith.cmpi eq, %iota3A_69, %eq3A_71 : vector<2x2048xi32>
    %broadcast_in_dim3A = vector.broadcast %reduce_sum3A_62 : f32 to vector<2x2048xf32>
    %broadcast_in_dim3A_73 = vector.broadcast %reduce_sum3A_68 : f32 to vector<2x2048xf32>
    %select_n3A_74 = arith.select %eq3A_72, %broadcast_in_dim3A, %broadcast_in_dim3A_73 : vector<2x2048xi1>, vector<2x2048xf32>
    %eq3A_75 = arith.constant 0 : i32
    %eq3A_76 = arith.cmpi eq, %arg0, %eq3A_75 : i32
    %convert_element_type3A_77 = arith.extui %eq3A_76 : i1 to i32
    %cond3A_78 = arith.constant 0 : i32
    %cond3A_79 = arith.cmpi ne, %convert_element_type3A_77, %cond3A_78 : i32
    scf.if %cond3A_79 {
      %broadcast_in_dim3A_87 = arith.constant 0.000000e+00 : f32
      %broadcast_in_dim3A_88 = vector.broadcast %broadcast_in_dim3A_87 : f32 to vector<2x2048xf32>
      %swap3A_89 = arith.constant 0 : index
      %swap3A_90 = arith.constant 0 : index
      %swap3A_91 = vector.load %arg7[%swap3A_89, %swap3A_90] : memref<2x2048xf32, #tpu.memory_space<vmem>>, vector<2x2048xf32>
      tpu.vector_store %arg7[%swap3A_89, %swap3A_90], %broadcast_in_dim3A_88 {strides = array<i32>} : memref<2x2048xf32, #tpu.memory_space<vmem>>, vector<2x2048xf32>,
    } else {
    }
    %get3A_80 = arith.constant 0 : index
    %get3A_81 = arith.constant 0 : index
    %get3A_82 = vector.load %arg7[%get3A_80, %get3A_81] : memref<2x2048xf32, #tpu.memory_space<vmem>>, vector<2x2048xf32>
    %add3A_83 = arith.addf %get3A_82, %select_n3A_74 : vector<2x2048xf32>
    %swap3A_84 = arith.constant 0 : index
    %swap3A_85 = arith.constant 0 : index
    %swap3A_86 = vector.load %arg7[%swap3A_84, %swap3A_85] : memref<2x2048xf32, #tpu.memory_space<vmem>>, vector<2x2048xf32>
    tpu.vector_store %arg7[%swap3A_84, %swap3A_85], %add3A_83 {strides = array<i32>} : memref<2x2048xf32, #tpu.memory_space<vmem>>, vector<2x2048xf32>,
    return
  }
  func.func @transform_0(%arg0: i32) -> (i32, i32) {
    %c0_i32 = arith.constant 0 : i32
    %c0_i32_0 = arith.constant 0 : i32
    return %arg0, %c0_i32 : i32, i32
  }
  func.func @transform_1(%arg0: i32) -> (i32, i32) {
    %c0_i32 = arith.constant 0 : i32
    %c0_i32_0 = arith.constant 0 : i32
    return %c0_i32, %arg0 : i32, i32
  }
  func.func @transform_2(%arg0: i32) -> (i32, i32, i32) {
    %c0_i32 = arith.constant 0 : i32
    %c0_i32_0 = arith.constant 0 : i32
    %c0_i32_1 = arith.constant 0 : i32
    %c0_i32_2 = arith.constant 0 : i32
    return %c0_i32, %c0_i32_0, %c0_i32_1 : i32, i32, i32
  }
  func.func @transform_3(%arg0: i32) -> (i32, i32) {
    %c0_i32 = arith.constant 0 : i32
    %c0_i32_0 = arith.constant 0 : i32
    %c0_i32_1 = arith.constant 0 : i32
    return %c0_i32, %c0_i32_0 : i32, i32
  }
  func.func @transform_4(%arg0: i32) -> (i32, i32) {
    %c0_i32 = arith.constant 0 : i32
    %c0_i32_0 = arith.constant 0 : i32
    %c0_i32_1 = arith.constant 0 : i32
    return %c0_i32, %c0_i32_0 : i32, i32
  }
  func.func @transform_5(%arg0: i32) -> (i32, i32) {
    %c0_i32 = arith.constant 0 : i32
    %c0_i32_0 = arith.constant 0 : i32
    return %arg0, %c0_i32 : i32, i32
  }
  func.func @transform_6(%arg0: i32) -> (i32, i32) {
    %c0_i32 = arith.constant 0 : i32
    %c0_i32_0 = arith.constant 0 : i32
    %c0_i32_1 = arith.constant 0 : i32
    return %c0_i32, %c0_i32_0 : i32, i32
  }
}

module attributes {stable_mosaic.version = 14 : i64} {
  func.func @_gate_body(%arg0: i32, %arg1: memref<512x2048xf32, #tpu.memory_space<vmem>>, %arg2: memref<2048x8xf32, #tpu.memory_space<vmem>>, %arg3: memref<8x512xf32, #tpu.memory_space<vmem>>, %arg4: memref<512x2048xbf16, #tpu.memory_space<vmem>>) attributes {dimension_semantics = [#tpu.dimension_semantics<arbitrary>], iteration_bounds = array<i64: 4>, scalar_prefetch = 0 : i64, scratch_operands = 0 : i64, tpu.core_type = #tpu.core_type<tc>, window_params = [{transform_indices = @transform_0, window_bounds = array<i64: 512, 2048>}, {pipeline_mode = #tpu.pipeline_mode<synchronous>, transform_indices = @transform_1, window_bounds = array<i64: 2048, 8>}, {transform_indices = @transform_2, window_bounds = array<i64: 8, 512>}, {transform_indices = @transform_3, window_bounds = array<i64: 512, 2048>}]} {
    %get3A = arith.constant 0 : index
    %get3A_0 = arith.constant 0 : index
    %get3A_1 = vector.load %arg1[%get3A, %get3A_0] : memref<512x2048xf32, #tpu.memory_space<vmem>>, vector<512x2048xf32>
    %convert_element_type3A = arith.truncf %get3A_1 : vector<512x2048xf32> to vector<512x2048xbf16>
    %swap3A = arith.constant 0 : index
    %swap3A_2 = arith.constant 0 : index
    %swap3A_3 = vector.load %arg4[%swap3A, %swap3A_2] : memref<512x2048xbf16, #tpu.memory_space<vmem>>, vector<512x2048xbf16>
    tpu.vector_store %arg4[%swap3A, %swap3A_2], %convert_element_type3A {strides = array<i32>} : memref<512x2048xbf16, #tpu.memory_space<vmem>>, vector<512x2048xbf16>,
    %get3A_4 = arith.constant 0 : index
    %get3A_5 = arith.constant 0 : index
    %get3A_6 = vector.load %arg2[%get3A_4, %get3A_5] : memref<2048x8xf32, #tpu.memory_space<vmem>>, vector<2048x8xf32>
    %dot_general3A = arith.constant dense<0.000000e+00> : vector<512x8xf32>
    %dot_general3A_7 = tpu.matmul %get3A_1, %get3A_6, %dot_general3A {dimension_numbers = #tpu.dot_dimension_numbers<[1], [0], [0], [1], [0, 0, 1, 1], [], []>, transpose_lhs_hint = false} : vector<512x2048xf32>, vector<2048x8xf32>, vector<512x8xf32> -> vector<512x8xf32>
    %transpose3A = tpu.transpose %dot_general3A_7, [1, 0] : vector<512x8xf32> -> vector<8x512xf32>
    %swap3A_8 = arith.constant 0 : index
    %swap3A_9 = arith.constant 0 : index
    %swap3A_10 = vector.load %arg3[%swap3A_8, %swap3A_9] : memref<8x512xf32, #tpu.memory_space<vmem>>, vector<8x512xf32>
    tpu.vector_store %arg3[%swap3A_8, %swap3A_9], %transpose3A {strides = array<i32>} : memref<8x512xf32, #tpu.memory_space<vmem>>, vector<8x512xf32>,
    return
  }
  func.func @transform_0(%arg0: i32) -> (i32, i32) {
    %c0_i32 = arith.constant 0 : i32
    %c0_i32_0 = arith.constant 0 : i32
    return %arg0, %c0_i32 : i32, i32
  }
  func.func @transform_1(%arg0: i32) -> (i32, i32) {
    %c0_i32 = arith.constant 0 : i32
    %c0_i32_0 = arith.constant 0 : i32
    %c0_i32_1 = arith.constant 0 : i32
    return %c0_i32, %c0_i32_0 : i32, i32
  }
  func.func @transform_2(%arg0: i32) -> (i32, i32) {
    %c0_i32 = arith.constant 0 : i32
    %c0_i32_0 = arith.constant 0 : i32
    return %c0_i32, %arg0 : i32, i32
  }
  func.func @transform_3(%arg0: i32) -> (i32, i32) {
    %c0_i32 = arith.constant 0 : i32
    %c0_i32_0 = arith.constant 0 : i32
    return %arg0, %c0_i32 : i32, i32
  }
}

</mosaic_0001>

<sc_bundles>
// kernel: kernel.5.cloned.1.call-start
scs
__scs_entry_jumppad:
0x0: {  	(pc) =	sbr.rel $0x88, $3  }
0x1: {  	(tag) =	ssettag $0x0;
	lr =	simm.s32 $0x1  }
0x2: {  	[smem:$0x3F9C] =	sst lr;
	_ =	strace $0xD0000000  }
0x3: {  	_ = 	snop  }
0x4: {  	_ = 	snop  }
0x5: {  	_ = 	snop  }
0x6: {  	_ = 	snop  }
0x7: {  	_ = 	snop  }
__scs_overlays_trampoline_lowered:
0x8: {  	[smem:$0x3FAB] =	sst s0  }
0x9: {  	[smem:$0x3FAC] =	sst s1  }
0xa: {  	[smem:$0x3FAD] =	sst s2  }
0xb: {  	[smem:$0x3FAE] =	sst s3  }
0xc: {  	[smem:$0x3FAF] =	sst s4  }
0xd: {  	[smem:$0x3FB0] =	sst s5  }
0xe: {  	[smem:$0x3FB1] =	sst s6  }
0xf: {  	[smem:$0x3FB2] =	sst s7  }
0x10: {  	[smem:$0x3FB3] =	sst s8  }
0x11: {  	[smem:$0x3FB4] =	sst s9;
	s0 =	simm.s32 @!p0 $0x0  }
0x12: {  	s1 =	sld [smem:$0x3F9A];
	s0 =	simm.s32 @p0 $0x1  }
0x13: {  	[smem:$0x3FB5] =	sst s0;
	s0 =	simm.s32 @!p1 $0x0  }
0x14: {  	s2 =	sld [smem:$0x3F99];
	s0 =	simm.s32 @p1 $0x1  }
0x15: {  	[smem:$0x3FB6] =	sst s0;
	s0 =	simm.s32 @!p2 $0x0  }
0x16: {  	s3 =	sld [smem:$0x3FDB];
	s0 =	simm.s32 @p2 $0x1  }
0x17: {  	s4 =	simm.s32 $0x1BF5;
	[smem:$0x3FB8] =	sst s0  }
0x18: {  	s0 =	sld [smem:$0x3F9B];
	_ =	swait.ge [sflag:s4], $0x0  }
0x19: {  	s7 =	sld [smem:$0x3F9C]  }
0x1a: {  	s8 =	sadd.s32 $0xFFFFE003, lr  }
0x1b: {  	s9 =	sadd.s32 $0xFFFFFEF7, lr;
	s5 =	simm.s32 $0xFFFFFFFF;
	p2 =	slt.u32 s8, $0xFFFFF086  }
0x1c: {  	p1 =	slt.u32 s9, $0xF7A;
	s5 =	simm.s32 @!p2 $0x0  }
0x1d: {  	s5 =	simm.s32 @p1 $0x1;
	p0 =	seq.s32 s7, s2  }
0x1e: {  	s7 =	smul.u32 @!p0 $0xF7A, s2;
	p2 =	seq.s32 @!p0 s5, $0x0  }
0x1f: {  	s9 =	smul.u32 $0xF7A, s1;
	s8 =	simm.s32 @!p0 $0x1BF5;
	p2 =	por !p2, p0  }
0x20: {  	[sflag:s8] =	ssyncset.s32 @!p0 $0xFFFFF086;
	s6 =	sadd.s32 @!p0 s3, s7;
	s7 =	simm.s32 @!p0 $0x108  }
0x21: {  	s3 =	sadd.s32 s3, s9;
	s6 =	sadd.s32 @!p0 $0x88, s6;
	s7 =	simm.s32 @p2 $0x1082  }
0x22: {  	[simem:s7], [sflag:s8] =	dma.local @!p0 [hbm:s6], $0xF7A  }
0x23: {  	s9 =	sor.u32 $0xD0000000, s2;
	s6 =	simm.s32 $0x108;
	_ =	swait.ge @!p0 [sflag:s8], $0x0  }
0x24: {  	s3 =	sadd.s32 $0x88, s3;
	s6 =	simm.s32 @!p1 $0x1082;
	[sflag:s4] =	ssyncset.s32 $0xFFFFF086  }
0x25: {  	[simem:s6], [sflag:s4] =	dma.local [hbm:s3], $0xF7A  }
0x26: {  	[smem:$0x3F9C] =	sst s1;
	(tag) =	ssettag s2;
	_ =	strace s9  }
0x27: {  	s1 =	sld [smem:$0x3FAC]  }
0x28: {  	s2 =	sld [smem:$0x3FAD]  }
0x29: {  	s4 =	sld [smem:$0x3FAF]  }
0x2a: {  	p0 =	seq.s32 s5, $0x0;
	s5 =	sld [smem:$0x3FB0]  }
0x2b: {  	s6 =	sld [smem:$0x3FB1]  }
0x2c: {  	s7 =	sld [smem:$0x3FB2]  }
0x2d: {  	s3 =	simm.s32 $0x108;
	s8 =	sld [smem:$0x3FB3]  }
0x2e: {  	s3 =	simm.s32 @!p0 $0x1082;
	s9 =	sld [smem:$0x3FB4]  }
0x2f: {  	lr =	sadd.s32 s0, s3;
	s0 =	sld [smem:$0x3FAB]  }
0x30: {  	s3 =	sld [smem:$0x3FAE]  }
0x31: {  	[smem:$0x3FB7] =	sst s10  }
0x32: {  	s10 =	sld [smem:$0x3FB5];
	_ =	sdelay $0x3  }
0x33: {  	p0 =	seq.s32 s10, $0x1;
	s10 =	sld [smem:$0x3FB7];
	_ =	sdelay $0x3  }
0x34: {  	[smem:$0x3FB7] =	sst s10  }
0x35: {  	s10 =	sld [smem:$0x3FB6];
	_ =	sdelay $0x3  }
0x36: {  	p1 =	seq.s32 s10, $0x1;
	s10 =	sld [smem:$0x3FB7];
	_ =	sdelay $0x3  }
0x37: {  	[smem:$0x3FB7] =	sst s10  }
0x38: {  	s10 =	sld [smem:$0x3FB8]  }
0x39: {  	_ = 	snop;
	(pc) =	sbr.ind lr, $3  }
0x3a: {  	_ = 	snop  }
0x3b: {  	_ = 	snop  }
0x3c: {  	p2 =	seq.s32 s10, $0x1;
	s10 =	sld [smem:$0x3FB7]  }
0x3d: {  	_ =	shalt  }
0x3e: {  	_ =	shalt  }
0x3f: {  	_ =	shalt  }
0x40: {  	_ =	shalt  }
0x41: {  	_ =	shalt  }
0x42: {  	_ =	shalt  }
0x43: {  	_ =	shalt  }
0x44: {  	_ =	shalt  }
0x45: {  	_ =	shalt  }
0x46: {  	_ =	shalt  }
0x47: {  	_ =	shalt  }
0x48: {  	_ =	shalt  }
0x49: {  	_ =	shalt  }
0x4a: {  	_ =	shalt  }
0x4b: {  	_ =	shalt  }
0x4c: {  	_ =	shalt  }
0x4d: {  	_ =	shalt  }
0x4e: {  	_ =	shalt  }
0x4f: {  	_ =	shalt  }
0x50: {  	_ =	shalt  }
0x51: {  	_ =	shalt  }
0x52: {  	_ =	shalt  }
0x53: {  	_ =	shalt  }
0x54: {  	_ =	shalt  }
0x55: {  	_ =	shalt  }
0x56: {  	_ =	shalt  }
0x57: {  	_ =	shalt  }
0x58: {  	_ =	shalt  }
0x59: {  	_ =	shalt  }
0x5a: {  	_ =	shalt  }
0x5b: {  	_ =	shalt  }
0x5c: {  	_ =	shalt  }
0x5d: {  	_ =	shalt  }
0x5e: {  	_ =	shalt  }
0x5f: {  	_ =	shalt  }
0x60: {  	_ =	shalt  }
0x61: {  	_ =	shalt  }
0x62: {  	_ =	shalt  }
0x63: {  	_ =	shalt  }
0x64: {  	_ =	shalt  }
0x65: {  	_ =	shalt  }
0x66: {  	_ =	shalt  }
0x67: {  	_ =	shalt  }
0x68: {  	_ =	shalt  }
0x69: {  	_ =	shalt  }
0x6a: {  	_ =	shalt  }
0x6b: {  	_ =	shalt  }
0x6c: {  	_ =	shalt  }
0x6d: {  	_ =	shalt  }
0x6e: {  	_ =	shalt  }
0x6f: {  	_ =	shalt  }
0x70: {  	_ =	shalt  }
0x71: {  	_ =	shalt  }
0x72: {  	_ =	shalt  }
0x73: {  	_ =	shalt  }
0x74: {  	_ =	shalt  }
0x75: {  	_ =	shalt  }
0x76: {  	_ =	shalt  }
0x77: {  	_ =	shalt  }
0x78: {  	_ =	shalt  }
0x79: {  	_ =	shalt  }
0x7a: {  	_ =	shalt  }
0x7b: {  	_ =	shalt  }
0x7c: {  	_ =	shalt  }
0x7d: {  	_ =	shalt  }
0x7e: {  	_ =	shalt  }
0x7f: {  	_ =	shalt  }
0x80: {  	_ =	shalt  }
0x81: {  	_ =	shalt  }
0x82: {  	_ =	shalt  }
0x83: {  	_ =	shalt  }
0x84: {  	_ =	shalt  }
0x85: {  	_ =	shalt  }
0x86: {  	_ =	shalt  }
0x87: {  	_ =	shalt  }
.Lfunc_end0:
.L_simem_size_0:
called_computation_lowered:
.L_overlay_start_0:
0x88: {  	s2 =	sld [smem:$0x3FD9]  }
0x89: {  	s3 =	sld [smem:$0x3FFE];
	_ =	sdelay $0x1  }
0x8a: {  	s1 =	srdreg.scid  }
0x8b: {  	s0 =	sand.u32 $0x1, s1  }
0x8c: {  	s14 =	sshll.u32 s0, $0xA;
	s2 =	sadd.s32 s3, s2  }
0x8d: {  	s2 =	sadd.s32 s2, s14  }
0x8e: {  	[smem:$0x3FC3] =	sst s2  }
0x8f: {  	_ = 	snop  }
0x90: {  	s2 =	sld [smem:$0x3FD0];
	_ =	sdelay $0x2  }
0x91: {  	s15 =	simm.s32 $0xA;
	s4 =	simm.s32 $0x10  }
0x92: {  	[smem:s4], [sflag:s15] =	dma.local [hbm:s2], $0x1  }
0x93: {  	_ =	swait.eq [sflag:s15], $0x1  }
0x94: {  	[sflag:s15] =	ssyncset.done $0x0  }
0x95: {  	[sflag:s15] =	ssyncadd.s32 $0xFFFFFFFF  }
0x96: {  	s16 =	sld [smem:$0x10];
	(tm) =	ssettm $0x1  }
0x97: {  	s17 =	sld [smem:$0x3FFB];
	_ =	sdelay $0x3  }
0x98: {  	_ =	strace s17  }
0x99: {  	s3 =	sld [smem:$0x3FFC];
	_ =	sdelay $0x3  }
0x9a: {  	_ =	strace s3  }
0x9b: {  	s3 =	sld [smem:$0x3FFD];
	_ =	sdelay $0x3  }
0x9c: {  	_ =	strace s3  }
0x9d: {  	_ =	strace $0x8FFFFFFF  }
0x9e: {  	s18 =	sld [smem:$0x3FDB];
	_ =	sdelay $0x1  }
0x9f: {  	s19 =	simm.s32 $_scs_section_size  }
0xa0: {  	s5 =	simm.s32 $_size__tile_overlayer_lowered;
	s6 =	simm.s32 $_tile_overlayer_lowered  }
0xa1: {  	s22 =	simm.s32 $0x1BFF;
	s21 =	sshll.u32 s6, $0x1;
	s3 =	sadd.s32 s19, s18  }
0xa2: {  	s7 =	simm.s32 $0x0;
	s20 =	sshll.u32 s5, $0x1;
	s5 =	sadd.s32 s21, s3  }
0xa3: {  	[timem:s7], [sflag:s22] =	dma.local [hbm:s5], s20  }
0xa4: {  	_ =	swait.ge [sflag:s22], s20  }
0xa5: {  	s4 =	ssub.s32 $0x0, s20;
	[sflag:s22] =	ssyncset.done $0x0  }
0xa6: {  	[sflag:s22] =	ssyncadd.s32 s4;
	_ =	sdelay $0x1  }
0xa7: {  	s23 =	simm.s32 $0x1B8B  }
0xa8: {  	_ =	swait.ge [sflag:s23], $0x1  }
0xa9: {  	[sflag:s23] =	ssyncset.done $0x0  }
0xaa: {  	s25 =	simm.s32 $0x1B8E;
	s24 =	sld [smem:$0x3FFE];
	[sflag:s23] =	ssyncadd.s32 $0xFFFFFFFF  }
0xab: {  	s26 =	simm.s32 $execute0_lowered;
	[smem:$0x3FD2] =	sst s25  }
0xac: {  	s5 =	sshll.u32 s26, $0x1;
	_ =	strace $0x80000046;
	[dreg:$0x1] =	wrdreg $0xFFFFFFFF  }
0xad: {  	s28 =	simm.s32 $_size_execute0_lowered;
	s3 =	sadd.s32 s3, s5;
	[dreg:$0x0] =	wrdreg $0x0  }
0xae: {  	s5 =	sshll.u32 s28, $0x1;
	[dreg:$0x2] =	wrdreg s3  }
0xaf: {  	[dreg:$0x3] =	wrdreg s5  }
0xb0: {  	[dreg:$0x4] =	wrdreg $0xC0  }
0xb1: {  	_ =	task [dreg:s7], $0x5FFFF  }
0xb2: {  	[dreg:$0x1] =	wrdreg $0xFFFFFFFF  }
0xb3: {  	[dreg:$0x0] =	wrdreg $0x60  }
0xb4: {  	[dreg:$0x2] =	wrdreg s16  }
0xb5: {  	[dreg:$0x3] =	wrdreg s24  }
0xb6: {  	[dreg:$0x4] =	wrdreg $0x9  }
0xb7: {  	_ =	task.clear_ibuf [dreg:s7], $0x5FFFF;
	_ =	strace $0x90000046  }
0xb8: {  	s29 =	simm.s32 $0x9;
	_ =	strace $0x80000048  }
0xb9: {  	_ =	swait.ge [sflag:s29], $0x1  }
0xba: {  	[sflag:s29] =	ssyncadd.s32 $0xFFFFFFFF  }
0xbb: {  	_ =	strace $0x90000048  }
0xbc: {  	_ =	sfence  }
0xbd: {  	s30 =	sld [smem:$0x0];
	_ =	sdelay $0x2  }
0xbe: {  	s31 =	sshll.u32 s1, $0xD;
	s1 =	sshrl.u32 s1, $0x2  }
0xbf: {  	s3 =	sand.u32 $0x4000, s31;
	s1 =	sadd.s32 s1, s30  }
0xc0: {  	s0 =	sor.u32 s3, s0;
	s1 =	sshll.u32 s1, $0x11  }
0xc1: {  	s0 =	sor.u32 s1, s0  }
0xc2: {  	s0 =	sadd.s32 $0x8F2B, s0  }
0xc3: {  	[sflag:s0] =	ssyncadd.remote.s32 $0x1  }
0xc4: {  	_ =	sfence.sel $0xFFFF  }
0xc5: {  	[dreg:$0x0] =	wrdreg $0xFFFFFFFF;
	(pc) =	sbr.abs _section_cstart, $3  }
0xc6: {  	[dreg:$0x1] =	wrdreg $0xFFFFFFFF  }
0xc7: {  	_ =	task.clear_ibuf [dreg:s7], $0x2FFFF;
	_ =	strace $0x9FFFFFFF  }
0xc8: {  	(tm) =	ssettm $0x7FFFFFFF  }
0xc9: {  	_ =	shalt  }
tec
execute0_lowered:
.L_overlay_start_1:
0x0: {  	(tag) =	ssettag $0x1  }
0x1: {  	s1 =	stileid.u32  }
0x2: {  	p0 =	sgt.u32 s1, $0x7  }
.Ltmp0:
0x3: {  	_ = 	snop;
	(pc) =	sbr.rel @p0 .LBB2_3-.Ltmp0, $4  }
0x4: {  	s4 =	rddreg [dreg:$0x0]  }
0x5: {  	s3 =	rddreg [dreg:$0x1];
	s2 =	simm.s32 $0x0  }
0x6: {  	[smem:$0x7FF] =	sst s2  }
0x7: {  	s0 =	rddreg [dreg:$0x2];
	_ =	strace $0x80000047  }
0x8: {  	s5 =	srdreg.scid  }
0x9: {  	s5 =	sand.u32 $0x1, s5  }
0xa: {  	s6 =	sshll.u32 s1, $0x8;
	s7 =	sshll.u32 s5, $0x7;
	s5 =	ssub.s32 $0x2, s5  }
0xb: {  	s6 =	sor.u32 s7, s6;
	s31 =	sshrl.u32 s5, $0x1;
	s7 =	simm.s32 $0x400  }
0xc: {  	s3 =	sadd.s32 s6, s3;
	s5 =	ssub.s32 s5, s31;
	s4 =	sadd.s32 s4, s6  }
0xd: {  	v1 =	vimm.s32 $0x8;
	s6 =	simm.s32 $0x1;
	s3 =	sadd.s32 $0x1400, s3;
	s5 =	smax.u32 s5, $0x1  }
.LBB2_2:
0xe: {  	[tilespmem:s2], [sflag:$0x1] =	stream.linear.gather [hbm4b:s4+s2], $0x400, $0x38;
	[tilespmem:$0x800] =	vst v63  }
0xf: {  	_ =	swait.ge [sflag:s6], $0x400  }
0x10: {  	[sflag:s6] =	ssyncset.done $0x0  }
0x11: {  	[sflag:s6] =	ssyncadd.s32 $0xFFFFFC00  }
0x12: {  	v2 =	vld [tilespmem:$0x0]  }
0x13: {  	v3 =	vld [tilespmem:$0x80];
	_ =	sdelay $0x1  }
0x14: {  	v4 =	vld [tilespmem:$0x100];
	_ =	sdelay $0x1  }
0x15: {  	v5 =	vld [tilespmem:$0x180]  }
0x16: {  	vm0 =	vgt.f32 v3, v2  }
0x17: {  	v6 =	vld [tilespmem:$0x200];
	v7 =	vsel vm0, v3, v2  }
0x18: {  	vm1 =	vgt.f32 v4, v7  }
0x19: {  	v8 =	vld [tilespmem:$0x280];
	v7 =	vsel vm1, v4, v7  }
0x1a: {  	vm2 =	vgt.f32 v5, v7  }
0x1b: {  	v0 =	vimm.s32 $0x0;
	v9 =	vld [tilespmem:$0x300];
	v7 =	vsel vm2, v5, v7  }
0x1c: {  	v12 =	vimm.s32 $0x0;
	v14 =	vimm.s32 $0x0;
	vm3 =	vgt.f32 v6, v7  }
0x1d: {  	v57 =	vimm.s32 $0x0;
	v61 =	vimm.s32 $0x0;
	v10 =	vld [tilespmem:$0x380];
	v7 =	vsel vm3, v6, v7  }
0x1e: {  	v62 =	vimm.s32 $0x0;
	v11 =	vsel vm0, $0x1, v0;
	vm4 =	vgt.f32 v8, v7  }
0x1f: {  	v15 =	vimm.s32 $0x0;
	v11 =	vsel vm1, $0x2, v11;
	v7 =	vsel vm4, v8, v7  }
0x20: {  	v19 =	vimm.s32 $0x0;
	v11 =	vsel vm2, $0x3, v11;
	vm15 =	vgt.f32 v9, v7  }
0x21: {  	v33 =	vimm.s32 $0x0;
	v11 =	vsel vm3, $0x4, v11;
	v7 =	vsel vm15, v9, v7  }
0x22: {  	v37 =	vimm.s32 $0x0;
	v11 =	vsel vm4, $0x5, v11;
	vm4 =	vgt.f32 v10, v7  }
0x23: {  	v51 =	vimm.s32 $0x0;
	v11 =	vsel vm15, $0x6, v11;
	vm10 =	vmneg vm4  }
0x24: {  	v53 =	vimm.s32 $0x0;
	v7 =	vsel vm10, v7, v10;
	v11 =	vnsel vm10, $0x7, v11  }
0x25: {  	vm0 =	vmand vm15, vm10;
	v42 =	vnsel vm10, $0xF149F2CA, v10;
	vm5 =	veq.s32 v11, $0x0  }
0x26: {  	v55 =	vsub.f32 v2, v7;
	v13 =	vsub.f32 v3, v7;
	vm6 =	veq.s32 v11, $0x1  }
0x27: {  	v58 =	vsub.f32 v4, v7;
	vm8 =	veq.s32 v11, $0x2;
	v60 =	vsub.f32 v5, v7  }
0x28: {  	vm11 =	veq.s32 v11, $0x3;
	v21 =	vsub.f32 v6, v7;
	v2 =	vsel vm5, $0xF149F2CA, v2  }
0x29: {  	v23 =	vsub.f32 v8, v7;
	v12 =	vsel vm5, $0xFFFFFFFF, v12;
	vm7 =	vgt.f32 v2, $-1.000000020e+30  }
0x2a: {  	v3 =	vsel vm6, $0xF149F2CA, v3;
	[tilespmem:$0x1FC50] =	vst v12;
	v12 =	vmul.f32 $1.442695020e+00, v55;
	v2 =	vnsel vm7, $0xF149F2CA, v2  }
0x2b: {  	vm12 =	veq.s32 v11, $0x4;
	v28 =	vsub.f32 v9, v7;
	vm1 =	vgt.f32 v3, v2  }
0x2c: {  	(erf) = vpow2.f32 v12;
	v2 =	vsel vm1, v3, v2;
	v3 =	vimm.s32 $0x0  }
0x2d: {  	v16 =	vsub.f32 v10, v7;
	v56 =	vmul.f32 $1.442695020e+00, v13;
	v3 =	vsel vm8, $0xFFFFFFFF, v3  }
0x2e: {  	vm14 =	veq.s32 v11, $0x5;
	v11 =	vsel vm0, $0xFFFFFFFF, v37;
	[tilespmem:$0x1FC70] =	vst v3;
	v3 =	vsel vm8, $0xF149F2CA, v4  }
0x2f: {  	v59 =	vmul.f32 $1.442695020e+00, v58;
	(erf) = vpow2.f32 v56;
	vm9 =	vgt.f32 v3, v2  }
0x30: {  	v63 =	vld [tilespmem:$0x10];
	v20 =	vmul.f32 $1.442695020e+00, v60;
	v2 =	vsel vm9, v3, v2;
	v3 =	vsel vm11, $0xF149F2CA, v5  }
0x31: {  	v22 =	vld [tilespmem:$0x90];
	v13 =	vsel vm1, $0xFFFFFFFF, v57;
	(erf) = vpow2.f32 v59;
	vm1 =	vgt.f32 v3, v2  }
0x32: {  	v40 =	vsel vm0, $0xF149F2CA, v9;
	v2 =	vsel vm1, v3, v2;
	v3 =	vimm.s32 $0x0  }
0x33: {  	v25 =	vld [tilespmem:$0x110];
	v24 =	vmul.f32 $1.442695020e+00, v21;
	(erf) = vpow2.f32 v20;
	v3 =	vsel vm12, $0xFFFFFFFF, v3  }
0x34: {  	v14 =	vsel vm6, $0xFFFFFFFF, v14;
	v26 =	vsel vm12, $0xF149F2CA, v6;
	[tilespmem:$0x1FC90] =	vst v3;
	v3 =	vmul.f32 $1.442695020e+00, v23  }
0x35: {  	v29 =	vld [tilespmem:$0x190];
	v8 =	vsel vm14, $0xF149F2CA, v8;
	v30 =	vmul.f32 $1.442695020e+00, v16;
	v27 =	vpop (erf);
	(erf) = vpow2.f32 v24  }
0x36: {  	v4 =	vmul.f32 $1.442695020e+00, v28;
	v15 =	vsel vm1, $0xFFFFFFFF, v15;
	vm1 =	vgt.f32 v22, v63  }
0x37: {  	v17 =	vld [tilespmem:$0x210];
	v18 =	vsel vm1, v22, v63;
	v6 =	vadd.f32 $0.0e+00, v27;
	(erf) = vpow2.f32 v3  }
0x38: {  	v21 =	vimm.s32 $0x0;
	[tilespmem:$0x1FC10] =	vst v13;
	v13 =	vsel vm9, $0xFFFFFFFF, v61;
	vm2 =	vgt.f32 v25, v18;
	v3 =	vpop (erf)  }
0x39: {  	v31 =	vld [tilespmem:$0x290];
	v32 =	vsel vm2, v25, v18;
	(erf) = vpow2.f32 v4;
	v3 =	vadd.f32 v6, v3  }
0x3a: {  	v5 =	vsel vm14, $0xFFFFFFFF, v33;
	vm13 =	vgt.f32 v26, v2;
	vm3 =	vgt.f32 v29, v32;
	v34 =	vpop (erf)  }
0x3b: {  	v35 =	vld [tilespmem:$0x310];
	v36 =	vsel vm3, v29, v32;
	(erf) = vpow2.f32 v30;
	v3 =	vadd.f32 v3, v34  }
0x3c: {  	v44 =	vsel vm1, $0x1, v0;
	v2 =	vsel vm13, v26, v2;
	vm4 =	vgt.f32 v17, v36;
	v38 =	vpop (erf)  }
0x3d: {  	v39 =	vld [tilespmem:$0x390];
	[tilespmem:$0x1FCA0] =	vst v5;
	vm12 =	vgt.f32 v8, v2;
	v5 =	vsel vm4, v17, v36;
	v3 =	vadd.f32 v3, v38  }
0x3e: {  	v19 =	vsel vm13, $0xFFFFFFFF, v19;
	v2 =	vsel vm12, v8, v2;
	vm5 =	vgt.f32 v31, v5;
	v41 =	vpop (erf)  }
0x3f: {  	vm9 =	vgt.f32 v40, v2;
	v5 =	vsel vm5, v31, v5;
	v3 =	vadd.f32 v3, v41  }
0x40: {  	v46 =	vsel vm2, $0x2, v44;
	v2 =	vsel vm9, v40, v2;
	vm0 =	vgt.f32 v35, v5;
	v43 =	vpop (erf)  }
0x41: {  	vm6 =	vgt.f32 v42, v2;
	v5 =	vsel vm0, v35, v5;
	v3 =	vadd.f32 v3, v43  }
0x42: {  	v48 =	vsel vm3, $0x3, v46;
	vm13 =	vmneg vm6;
	vm15 =	vgt.f32 v39, v5;
	v45 =	vpop (erf)  }
0x43: {  	v2 =	vsel vm13, v2, v42;
	vm1 =	vmneg vm15;
	v3 =	vadd.f32 v3, v45  }
0x44: {  	v2 =	vsub.f32 v2, v7;
	v7 =	vsel vm4, $0x4, v48;
	v5 =	vsel vm1, v5, v39;
	v47 =	vpop (erf)  }
0x45: {  	v7 =	vsel vm5, $0x5, v7;
	v49 =	vsub.f32 v63, v5;
	v3 =	vadd.f32 v3, v47  }
0x46: {  	v20 =	vimm.s32 $0x0;
	v2 =	vmul.f32 $1.442695020e+00, v2;
	v7 =	vsel vm0, $0x6, v7  }
0x47: {  	v50 =	vsub.f32 v22, v5;
	(erf) = vrcp.f32 v3;
	v3 =	vmul.f32 $1.442695020e+00, v49  }
0x48: {  	[tilespmem:$0x1FC20] =	vst v13;
	v13 =	vsel vm11, $0xFFFFFFFF, v62;
	v7 =	vnsel vm1, $0x7, v7;
	(erf) = vpow2.f32 v2  }
0x49: {  	v2 =	vsub.f32 v25, v5;
	(erf) = vpow2.f32 v3;
	v3 =	vmul.f32 $1.442695020e+00, v50  }
0x4a: {  	vm5 =	veq.s32 v7, $0x0;
	vm6 =	veq.s32 v7, $0x1;
	vm15 =	veq.s32 v7, $0x2  }
0x4b: {  	v2 =	vmul.f32 $1.442695020e+00, v2;
	(erf) = vpow2.f32 v3;
	v3 =	vsub.f32 v29, v5  }
0x4c: {  	v58 =	vsub.f32 v35, v5;
	vm11 =	veq.s32 v7, $0x3;
	vm14 =	veq.s32 v7, $0x4  }
0x4d: {  	(erf) = vpow2.f32 v2;
	v2 =	vmul.f32 $1.442695020e+00, v3;
	v3 =	vsub.f32 v17, v5  }
0x4e: {  	vm4 =	veq.s32 v7, $0x5;
	v8 =	vsel vm5, $0xFFFFFFFF, v51;
	v52 =	vsel vm5, $0xF149F2CA, v63  }
0x4f: {  	(erf) = vpow2.f32 v2;
	v2 =	vmul.f32 $1.442695020e+00, v3;
	v3 =	vsub.f32 v31, v5  }
0x50: {  	v9 =	vsel vm6, $0xFFFFFFFF, v53;
	v54 =	vsel vm6, $0xF149F2CA, v22;
	vm8 =	vgt.f32 v52, $-1.000000020e+30;
	v55 =	vpop (erf)  }
0x51: {  	[tilespmem:$0x1FCC0] =	vst v8;
	v8 =	vnsel vm8, $0xF149F2CA, v52;
	v56 =	vpop (erf);
	(erf) = vpow2.f32 v2;
	v2 =	vmul.f32 $1.442695020e+00, v3  }
0x52: {  	v57 =	vsel vm15, $0xF149F2CA, v25;
	v63 =	vsel vm11, $0xF149F2CA, v29;
	vm6 =	vgt.f32 v54, v8  }
0x53: {  	v8 =	vsel vm6, v54, v8;
	v59 =	vpop (erf);
	(erf) = vpow2.f32 v2;
	v2 =	vsub.f32 v39, v5  }
0x54: {  	v61 =	vmul.f32 $1.442695020e+00, v58;
	vm5 =	vgt.f32 v57, v8;
	v60 =	vadd.f32 $0.0e+00, v59  }
0x55: {  	v18 =	vsel vm14, $0xF149F2CA, v17;
	v3 =	vsel vm5, v57, v8;
	v62 =	vpop (erf);
	v2 =	vmul.f32 $1.442695020e+00, v2  }
0x56: {  	vm3 =	vgt.f32 v63, v3;
	(erf) = vpow2.f32 v61;
	v8 =	vadd.f32 v60, v62  }
0x57: {  	v25 =	vld [tilespmem:$0x1FC10];
	v3 =	vsel vm3, v63, v3;
	v16 =	vpop (erf);
	(erf) = vpow2.f32 v2;
	v2 =	vimm.s32 $0x0  }
0x58: {  	[tilespmem:$0x1FC30] =	vst v15;
	vm2 =	vgt.f32 v18, v3;
	v8 =	vadd.f32 v8, v16;
	v2 =	vsel vm4, $0xFFFFFFFF, v2  }
0x59: {  	v26 =	vld [tilespmem:$0x1FC20];
	[tilespmem:$0x1FCE0] =	vst v2;
	v2 =	vsel vm2, v18, v3;
	v3 =	vsel vm4, $0xF149F2CA, v31;
	vm4 =	vmand vm0, vm1  }
0x5a: {  	v23 =	vsel vm7, $0x0, v1;
	[tilespmem:$0x1FC40] =	vst v19;
	v19 =	vpop (erf);
	vm0 =	vmmov vm1;
	v7 =	vsel vm4, $0xFFFFFFFF, v20  }
0x5b: {  	v28 =	vld [tilespmem:$0x1FC30];
	v6 =	vadd.f32 v8, v19;
	[tilespmem:$0x1FCF0] =	vst v7;
	v7 =	vsel vm1, $0xFFFFFFFF, v21;
	vm1 =	vgt.f32 v3, v2  }
0x5c: {  	vm7 =	vnez.u8 v25;
	v22 =	vpop (erf);
	v2 =	vsel vm1, v3, v2;
	v3 =	vsel vm4, $0xF149F2CA, v35  }
0x5d: {  	v29 =	vld [tilespmem:$0x1FC40];
	v4 =	vadd.f32 v6, v22;
	v6 =	vsel vm7, $0x1, v23;
	vm4 =	vgt.f32 v3, v2  }
0x5e: {  	vm7 =	vnez.u8 v26;
	v2 =	vsel vm4, v3, v2;
	v3 =	vnsel vm0, $0xF149F2CA, v39  }
0x5f: {  	v24 =	vpop (erf);
	v6 =	vsel vm7, $0x2, v6;
	vm0 =	vgt.f32 v3, v2  }
0x60: {  	vm7 =	vnez.u8 v28;
	v4 =	vadd.f32 v4, v24;
	vm0 =	vmneg vm0  }
0x61: {  	v27 =	vpop (erf);
	v6 =	vsel vm7, $0x3, v6;
	v2 =	vsel vm0, v2, v3  }
0x62: {  	vm7 =	vmmov vm0;
	v3 =	vadd.f32 v4, v27;
	vm0 =	vnez.u8 v29  }
0x63: {  	v33 =	vld [tilespmem:$0x1FC50];
	v30 =	vpop (erf);
	v4 =	vsel vm0, $0x4, v6;
	v2 =	vsub.f32 v2, v5  }
0x64: {  	v4 =	vsel vm12, $0x5, v4;
	v3 =	vadd.f32 v3, v30  }
0x65: {  	v4 =	vsel vm9, $0x6, v4;
	v2 =	vmul.f32 $1.442695020e+00, v2  }
0x66: {  	v32 =	vmul.f32 v56, v55;
	v31 =	vnsel vm13, $0x7, v4;
	(erf) = vrcp.f32 v3  }
0x67: {  	(erf) = vpow2.f32 v2;
	vm0 =	veq.s32 v31, $0x0;
	vm12 =	veq.s32 v31, $0x1  }
0x68: {  	[tilespmem:$0x1FC60] =	vst v14;
	v2 =	vnsel vm0, $0x0, v32;
	v3 =	vnsel vm12, $0x0, v32;
	vm12 =	vnez.u8 v33  }
0x69: {  	v8 =	vsel vm12, v55, v2;
	v2 =	vld [tilespmem:$0x1FC60];
	_ =	sdelay $0x2  }
0x6a: {  	v36 =	vld [tilespmem:$0xA0]  }
0x6b: {  	v34 =	vld [tilespmem:$0x20]  }
0x6c: {  	v54 =	vld [tilespmem:$0x1FCC0];
	vm12 =	vnez.u8 v2  }
0x6d: {  	[tilespmem:$0x1FC80] =	vst v13;
	v4 =	vsel vm12, v55, v3;
	v3 =	vld [tilespmem:$0x1FC70]  }
0x6e: {  	v37 =	vimm.s32 $0x0;
	v41 =	vld [tilespmem:$0x1FC80];
	vm0 =	veq.s32 v31, $0x2  }
0x6f: {  	[tilespmem:$0x1FCD0] =	vst v9;
	v45 =	vld [tilespmem:$0x1FCA0];
	v9 =	vsel vm13, $0x0, v32;
	v2 =	vnsel vm0, $0x0, v32;
	vm0 =	veq.s32 v31, $0x4  }
0x70: {  	v10 =	vsel vm10, v9, v55;
	v42 =	vnsel vm0, $0x0, v32;
	vm0 =	vgt.f32 v36, v34  }
0x71: {  	vm10 =	vnez.u8 v54;
	v17 =	vpop (erf);
	v52 =	vsel vm0, v36, v34;
	v26 =	vsel vm0, $0x1, v0  }
0x72: {  	v50 =	vpop (erf);
	vm12 =	vnez.u8 v3;
	v3 =	vsel vm8, $0x0, v1;
	vm8 =	veq.s32 v31, $0x3  }
0x73: {  	v20 =	vld [tilespmem:$0x120];
	v18 =	vmul.f32 v50, v17;
	v2 =	vsel vm12, v55, v2;
	v35 =	vnsel vm8, $0x0, v32  }
0x74: {  	v21 =	vld [tilespmem:$0x1A0];
	v3 =	vsel vm6, $0x1, v3;
	vm12 =	vnez.u8 v41;
	vm6 =	vnez.u8 v45  }
0x75: {  	v5 =	vsel vm12, v55, v35;
	v43 =	vsel vm5, $0x2, v3;
	v3 =	vld [tilespmem:$0x1FC90];
	vm12 =	veq.s32 v31, $0x5  }
0x76: {  	[tilespmem:$0x1FCB0] =	vst v11;
	vm5 =	vmand vm9, vm13;
	v44 =	vsel vm3, $0x3, v43;
	v6 =	vnsel vm12, $0x0, v32  }
0x77: {  	v48 =	vld [tilespmem:$0x1FCB0];
	[tilespmem:$0x1FD00] =	vst v7;
	v46 =	vnsel vm5, $0x0, v32;
	v7 =	vsel vm2, $0x4, v44;
	v6 =	vsel vm6, v55, v6  }
0x78: {  	vm2 =	vgt.f32 v20, v52;
	vm6 =	vmand vm4, vm7;
	v47 =	vsel vm1, $0x5, v7  }
0x79: {  	v11 =	vsel vm2, v20, v52;
	v26 =	vsel vm2, $0x2, v26;
	v39 =	vnsel vm6, $0x0, v18  }
0x7a: {  	v57 =	vld [tilespmem:$0x1FCD0];
	v49 =	vsel vm4, $0x6, v47;
	vm3 =	vgt.f32 v21, v11;
	vm8 =	vnez.u8 v3  }
0x7b: {  	v22 =	vld [tilespmem:$0x220];
	v51 =	vnsel vm7, $0x7, v49;
	v56 =	vsel vm3, v21, v11;
	v26 =	vsel vm3, $0x3, v26  }
0x7c: {  	v49 =	vimm.s32 $0x0;
	v3 =	vsel vm8, v55, v42;
	vm8 =	vnez.u8 v48  }
0x7d: {  	vm9 =	veq.s32 v51, $0x0;
	vm12 =	veq.s32 v51, $0x1;
	vm13 =	veq.s32 v51, $0x2  }
0x7e: {  	v23 =	vld [tilespmem:$0x2A0];
	vm5 =	veq.s32 v51, $0x5;
	v42 =	vimm.s32 $0x0;
	v7 =	vsel vm8, v55, v46  }
0x7f: {  	v38 =	vld [tilespmem:$0x1FCE0];
	v53 =	vnsel vm9, $0x0, v18;
	v55 =	vnsel vm12, $0x0, v18;
	vm8 =	vnez.u8 v57  }
0x80: {  	v24 =	vld [tilespmem:$0x320];
	v58 =	vnsel vm13, $0x0, v18;
	vm9 =	vgt.f32 v22, v56;
	vm13 =	veq.s32 v51, $0x4  }
0x81: {  	v62 =	vnsel vm5, $0x0, v18;
	v46 =	vimm.s32 $0x0;
	v9 =	vsel vm10, v17, v53  }
0x82: {  	v25 =	vld [tilespmem:$0x3A0];
	v12 =	vsel vm8, v17, v55;
	v11 =	vsel vm15, v17, v58;
	v59 =	vsel vm9, v22, v56  }
0x83: {  	vm10 =	veq.s32 v51, $0x3;
	v27 =	vnsel vm13, $0x0, v18;
	vm12 =	vgt.f32 v23, v59  }
0x84: {  	v40 =	vld [tilespmem:$0x1FCF0];
	v26 =	vsel vm9, $0x4, v26;
	vm13 =	vnez.u8 v38;
	v14 =	vsel vm12, v23, v59  }
0x85: {  	v55 =	vimm.s32 $0x0;
	v60 =	vnsel vm10, $0x0, v18;
	vm1 =	vgt.f32 v24, v14  }
0x86: {  	v13 =	vsel vm11, v17, v60;
	vm11 =	vmmov vm7;
	v28 =	vsel vm1, v24, v14  }
0x87: {  	v26 =	vsel vm12, $0x5, v26;
	v18 =	vsel vm11, $0x0, v18;
	vm15 =	vgt.f32 v25, v28  }
0x88: {  	v14 =	vsel vm14, v17, v27;
	v61 =	vsel vm1, $0x6, v26;
	vm12 =	vmneg vm15  }
0x89: {  	vm15 =	vnez.u8 v40;
	v27 =	vsel vm12, v28, v25;
	v63 =	vnsel vm12, $0x7, v61  }
0x8a: {  	v16 =	vsel vm15, v17, v39;
	vm10 =	veq.s32 v63, $0x0;
	v29 =	vsub.f32 v34, v27  }
0x8b: {  	v31 =	vsub.f32 v36, v27;
	vm4 =	veq.s32 v63, $0x1;
	v45 =	vsub.f32 v20, v27  }
0x8c: {  	vm6 =	veq.s32 v63, $0x2;
	v48 =	vsub.f32 v21, v27;
	vm7 =	veq.s32 v63, $0x3  }
0x8d: {  	v51 =	vsub.f32 v22, v27;
	v53 =	vsub.f32 v23, v27;
	vm8 =	veq.s32 v63, $0x4  }
0x8e: {  	v59 =	vsub.f32 v24, v27;
	vm9 =	veq.s32 v63, $0x5;
	v63 =	vimm.s32 $0x0  }
0x8f: {  	[tilespmem:$0x710] =	vst v16;
	v16 =	vimm.s32 $0x0;
	v15 =	vsel vm10, $0xFFFFFFFF, v37;
	v30 =	vsel vm10, $0xF149F2CA, v34  }
0x90: {  	v19 =	vsel vm4, $0xF149F2CA, v36;
	v26 =	vsel vm6, $0xFFFFFFFF, v46;
	v20 =	vsel vm6, $0xF149F2CA, v20  }
0x91: {  	v52 =	vsel vm7, $0xF149F2CA, v21;
	v57 =	vsel vm8, $0xF149F2CA, v22;
	v34 =	vsub.f32 v25, v27  }
0x92: {  	v21 =	vsel vm9, $0xFFFFFFFF, v63;
	v23 =	vsel vm9, $0xF149F2CA, v23;
	vm10 =	vmand vm1, vm12  }
0x93: {  	v37 =	vimm.s32 $0x0;
	v29 =	vmul.f32 $1.442695020e+00, v29;
	v43 =	vmul.f32 $1.442695020e+00, v31  }
0x94: {  	[tilespmem:$0x1FD10] =	vst v15;
	v15 =	vsel vm13, v17, v62;
	v47 =	vmul.f32 $1.442695020e+00, v45;
	v50 =	vmul.f32 $1.442695020e+00, v48  }
0x95: {  	vm14 =	vgt.f32 v30, $-1.000000020e+30;
	v54 =	vmul.f32 $1.442695020e+00, v51;
	v56 =	vmul.f32 $1.442695020e+00, v53  }
0x96: {  	[tilespmem:$0x1FD30] =	vst v26;
	v31 =	vsel vm7, $0xFFFFFFFF, v49;
	v26 =	vmul.f32 $1.442695020e+00, v59;
	(erf) = vpow2.f32 v29  }
0x97: {  	v32 =	vld [tilespmem:$0xB0];
	v39 =	vsel vm10, $0xF149F2CA, v24;
	v41 =	vnsel vm14, $0xF149F2CA, v30;
	v30 =	vsel vm4, $0xFFFFFFFF, v42  }
0x98: {  	v44 =	vsel vm14, $0x0, v1;
	[tilespmem:$0x1FD40] =	vst v31;
	v31 =	vld [tilespmem:$0x30];
	vm5 =	vgt.f32 v19, v41;
	(erf) = vpow2.f32 v43  }
0x99: {  	v61 =	vmul.f32 $1.442695020e+00, v34;
	[tilespmem:$0x1FD20] =	vst v30;
	v19 =	vsel vm5, v19, v41;
	v30 =	vsel vm5, $0x1, v44  }
0x9a: {  	v29 =	vld [tilespmem:$0x130];
	v41 =	vnsel vm12, $0xF149F2CA, v25;
	vm0 =	vgt.f32 v20, v19;
	(erf) = vpow2.f32 v47  }
0x9b: {  	v19 =	vsel vm0, v20, v19;
	(erf) = vpow2.f32 v50;
	v20 =	vsel vm8, $0xFFFFFFFF, v55  }
0x9c: {  	v48 =	vsel vm0, $0x2, v30;
	v55 =	vimm.s32 $0x0;
	vm2 =	vgt.f32 v52, v19  }
0x9d: {  	v33 =	vld [tilespmem:$0x1B0];
	(erf) = vpow2.f32 v54;
	vm4 =	vgt.f32 v32, v31;
	v19 =	vsel vm2, v52, v19  }
0x9e: {  	(erf) = vpow2.f32 v56;
	v36 =	vsel vm4, v32, v31;
	v43 =	vsel vm4, $0x1, v0  }
0x9f: {  	v35 =	vld [tilespmem:$0x230];
	v52 =	vsel vm2, $0x3, v48;
	vm3 =	vgt.f32 v57, v19;
	vm8 =	vgt.f32 v29, v36;
	v58 =	vpop (erf)  }
0xa0: {  	v62 =	vsel vm8, v29, v36;
	v19 =	vsel vm3, v57, v19;
	v22 =	vadd.f32 $0.0e+00, v58  }
0xa1: {  	v45 =	vsel vm8, $0x2, v43;
	v24 =	vsel vm3, $0x4, v52;
	(erf) = vpow2.f32 v26;
	v26 =	vld [tilespmem:$0x2B0];
	v60 =	vpop (erf)  }
0xa2: {  	[tilespmem:$0x1FD50] =	vst v20;
	vm6 =	vgt.f32 v33, v62;
	vm1 =	vgt.f32 v23, v19;
	v20 =	vadd.f32 v22, v60  }
0xa3: {  	[tilespmem:$0x1FD60] =	vst v21;
	v21 =	vld [tilespmem:$0x330];
	v52 =	vimm.s32 $0x0;
	v36 =	vsel vm6, v33, v62;
	v19 =	vsel vm1, v23, v19;
	v28 =	vpop (erf)  }
0xa4: {  	vm7 =	vgt.f32 v35, v36;
	v20 =	vadd.f32 v20, v28;
	v28 =	vsel vm10, $0xFFFFFFFF, v37  }
0xa5: {  	v23 =	vsel vm6, $0x3, v45;
	vm14 =	vgt.f32 v39, v19;
	v22 =	vsel vm7, v35, v36;
	[tilespmem:$0x1FD70] =	vst v28;
	v28 =	vld [tilespmem:$0x3B0]  }
0xa6: {  	v59 =	vld [tilespmem:$0x1FD00];
	(erf) = vpow2.f32 v61;
	v19 =	vsel vm14, v39, v19;
	v38 =	vpop (erf);
	vm10 =	vgt.f32 v26, v22  }
0xa7: {  	v23 =	vsel vm7, $0x4, v23;
	v22 =	vsel vm10, v26, v22;
	v20 =	vadd.f32 v20, v38  }
0xa8: {  	vm13 =	vgt.f32 v41, v19;
	v60 =	vsel vm1, $0x5, v24;
	v40 =	vpop (erf);
	vm9 =	vgt.f32 v21, v22  }
0xa9: {  	vm5 =	vmneg vm13;
	v22 =	vsel vm9, v21, v22;
	v20 =	vadd.f32 v20, v40  }
0xaa: {  	v42 =	vpop (erf);
	v19 =	vsel vm5, v19, v41;
	v23 =	vsel vm10, $0x5, v23;
	vm15 =	vgt.f32 v28, v22  }
0xab: {  	vm10 =	vnez.u8 v59;
	v20 =	vadd.f32 v20, v42;
	vm4 =	vmneg vm15  }
0xac: {  	v19 =	vsub.f32 v19, v27;
	v17 =	vsel vm10, v18, v17;
	v44 =	vpop (erf);
	v22 =	vsel vm4, v22, v28  }
0xad: {  	v18 =	vsel vm14, $0x6, v60;
	v20 =	vadd.f32 v20, v44;
	v47 =	vsub.f32 v31, v22  }
0xae: {  	v19 =	vmul.f32 $1.442695020e+00, v19;
	v51 =	vsub.f32 v32, v22;
	v54 =	vsub.f32 v29, v22  }
0xaf: {  	v50 =	vsel vm9, $0x6, v23;
	v58 =	vsub.f32 v33, v22;
	v34 =	vsub.f32 v35, v22  }
0xb0: {  	v46 =	vpop (erf);
	vm2 =	vmmov vm4;
	v37 =	vsub.f32 v26, v22;
	v40 =	vsub.f32 v21, v22  }
0xb1: {  	vm10 =	vmand vm9, vm2;
	v20 =	vadd.f32 v20, v46;
	v49 =	vmul.f32 $1.442695020e+00, v47  }
0xb2: {  	v46 =	vsub.f32 v28, v22;
	v53 =	vmul.f32 $1.442695020e+00, v51;
	v57 =	vmul.f32 $1.442695020e+00, v54  }
0xb3: {  	v60 =	vsel vm10, $0xF149F2CA, v21;
	v61 =	vmul.f32 $1.442695020e+00, v58;
	v36 =	vmul.f32 $1.442695020e+00, v34  }
0xb4: {  	v42 =	vmul.f32 $1.442695020e+00, v37;
	v44 =	vmul.f32 $1.442695020e+00, v40;
	v47 =	vimm.s32 $0x0  }
0xb5: {  	v58 =	vimm.s32 $0x0;
	(erf) = vrcp.f32 v20;
	v20 =	vmul.f32 $1.442695020e+00, v46  }
0xb6: {  	(erf) = vpow2.f32 v19;
	v19 =	vnsel vm4, $0x7, v50;
	v50 =	vimm.s32 $0x0  }
0xb7: {  	(erf) = vpow2.f32 v49;
	vm8 =	veq.s32 v19, $0x0;
	vm15 =	veq.s32 v19, $0x1  }
0xb8: {  	vm13 =	veq.s32 v19, $0x2;
	vm11 =	veq.s32 v19, $0x3;
	vm4 =	veq.s32 v19, $0x4  }
0xb9: {  	vm7 =	veq.s32 v19, $0x5;
	v25 =	vsel vm8, $0xFFFFFFFF, v55;
	v56 =	vsel vm8, $0xF149F2CA, v31  }
0xba: {  	(erf) = vpow2.f32 v53;
	v63 =	vsel vm15, $0xF149F2CA, v32;
	v39 =	vsel vm13, $0xF149F2CA, v29  }
0xbb: {  	v31 =	vsel vm11, $0xFFFFFFFF, v47;
	v48 =	vsel vm11, $0xF149F2CA, v33;
	(erf) = vpow2.f32 v57  }
0xbc: {  	v29 =	vsel vm4, $0xFFFFFFFF, v50;
	v51 =	vsel vm4, $0xF149F2CA, v35;
	vm0 =	vgt.f32 v56, $-1.000000020e+30  }
0xbd: {  	v19 =	vsel vm7, $0xFFFFFFFF, v52;
	v53 =	vnsel vm5, $0x7, v18;
	v62 =	vnsel vm0, $0xF149F2CA, v56  }
0xbe: {  	v55 =	vsel vm7, $0xF149F2CA, v26;
	v57 =	vimm.s32 $0x0;
	vm8 =	vgt.f32 v63, v62  }
0xbf: {  	vm7 =	veq.s32 v53, $0x0;
	vm1 =	veq.s32 v53, $0x1;
	v23 =	vsel vm8, v63, v62  }
0xc0: {  	(erf) = vpow2.f32 v61;
	v46 =	vsel vm0, $0x0, v1;
	vm6 =	vgt.f32 v39, v23;
	v27 =	vpop (erf)  }
0xc1: {  	v30 =	vld [tilespmem:$0xC0];
	vm0 =	veq.s32 v53, $0x5;
	v23 =	vsel vm6, v39, v23;
	v38 =	vpop (erf);
	(erf) = vpow2.f32 v36  }
0xc2: {  	[tilespmem:$0x1FDA0] =	vst v29;
	v29 =	vld [tilespmem:$0x40];
	v63 =	vnsel vm2, $0xF149F2CA, v28;
	vm11 =	vgt.f32 v48, v23;
	v41 =	vpop (erf);
	(erf) = vpow2.f32 v42  }
0xc3: {  	v33 =	vld [tilespmem:$0x1FD10];
	v23 =	vsel vm11, v48, v23;
	v59 =	vmul.f32 v38, v27;
	v45 =	vpop (erf);
	(erf) = vpow2.f32 v44  }
0xc4: {  	v43 =	vadd.f32 $0.0e+00, v41;
	vm4 =	vgt.f32 v51, v23;
	v49 =	vpop (erf);
	(erf) = vpow2.f32 v20  }
0xc5: {  	v54 =	vsel vm4, v51, v23;
	v23 =	vsel vm2, $0xFFFFFFFF, v57;
	v62 =	vnsel vm7, $0x0, v59  }
0xc6: {  	[tilespmem:$0x1FD80] =	vst v25;
	v34 =	vnsel vm1, $0x0, v59;
	vm1 =	veq.s32 v53, $0x2;
	v24 =	vadd.f32 v43, v45  }
0xc7: {  	vm2 =	vgt.f32 v30, v29;
	v25 =	vnsel vm0, $0x0, v59;
	[tilespmem:$0x1FDD0] =	vst v23;
	v23 =	vsel vm10, $0xFFFFFFFF, v58  }
0xc8: {  	v36 =	vld [tilespmem:$0x1FD20];
	vm3 =	vgt.f32 v55, v54;
	vm10 =	vnez.u8 v33;
	v24 =	vadd.f32 v24, v49  }
0xc9: {  	v56 =	vpop (erf);
	v37 =	vnsel vm1, $0x0, v59;
	v41 =	vsel vm2, v30, v29;
	v43 =	vld [tilespmem:$0x1FD40];
	v18 =	vsel vm3, v55, v54  }
0xca: {  	v39 =	vld [tilespmem:$0x1FD30];
	vm1 =	veq.s32 v53, $0x4;
	vm9 =	vgt.f32 v60, v18;
	v20 =	vadd.f32 v24, v56  }
0xcb: {  	[tilespmem:$0x1FDB0] =	vst v19;
	v58 =	vsel vm2, $0x1, v0;
	v42 =	vnsel vm1, $0x0, v59;
	v19 =	vsel vm9, v60, v18;
	v61 =	vpop (erf)  }
0xcc: {  	[tilespmem:$0x1FD90] =	vst v31;
	v31 =	vld [tilespmem:$0x140];
	v54 =	vsel vm5, $0x0, v59;
	vm7 =	vgt.f32 v63, v19;
	v20 =	vadd.f32 v20, v61  }
0xcd: {  	v48 =	vld [tilespmem:$0x1FD60];
	v18 =	vsel vm10, v27, v62;
	vm10 =	vmneg vm7;
	vm7 =	vnez.u8 v36;
	v32 =	vpop (erf)  }
0xce: {  	[tilespmem:$0x1FDC0] =	vst v23;
	vm1 =	vnez.u8 v43;
	v23 =	vsel vm10, v19, v63;
	v20 =	vadd.f32 v20, v32  }
0xcf: {  	v19 =	vsel vm7, v27, v34;
	vm7 =	vnez.u8 v39;
	v35 =	vpop (erf);
	v22 =	vsub.f32 v23, v22  }
0xd0: {  	v52 =	vld [tilespmem:$0x1FD70];
	v24 =	vadd.f32 v20, v35;
	v20 =	vsel vm7, v27, v37;
	vm7 =	veq.s32 v53, $0x3  }
0xd1: {  	v44 =	vld [tilespmem:$0x1FD50];
	v38 =	vpop (erf);
	v22 =	vmul.f32 $1.442695020e+00, v22;
	v40 =	vnsel vm7, $0x0, v59;
	vm7 =	vgt.f32 v31, v41  }
0xd2: {  	v32 =	vld [tilespmem:$0x1C0];
	v21 =	vadd.f32 v24, v38;
	v24 =	vsel vm8, $0x1, v46;
	vm8 =	vnez.u8 v48  }
0xd3: {  	v45 =	vsel vm7, v31, v41;
	v26 =	vsel vm7, $0x2, v58;
	v23 =	vsel vm8, v27, v25  }
0xd4: {  	v34 =	vld [tilespmem:$0x240];
	v24 =	vsel vm6, $0x2, v24;
	v25 =	vsel vm12, v54, v27;
	(erf) = vrcp.f32 v21  }
0xd5: {  	v54 =	vimm.s32 $0x0;
	v24 =	vsel vm11, $0x3, v24;
	(erf) = vpow2.f32 v22  }
0xd6: {  	v35 =	vld [tilespmem:$0x2C0];
	vm11 =	vmand vm14, vm5;
	v22 =	vsel vm1, v27, v40;
	vm1 =	vnez.u8 v44  }
0xd7: {  	vm14 =	vnez.u8 v52;
	v21 =	vsel vm1, v27, v42;
	vm1 =	vgt.f32 v32, v45  }
0xd8: {  	v36 =	vld [tilespmem:$0x340];
	v50 =	vnsel vm11, $0x0, v59;
	v51 =	vsel vm4, $0x4, v24;
	v47 =	vsel vm1, v32, v45  }
0xd9: {  	v24 =	vsel vm14, v27, v50;
	v53 =	vsel vm3, $0x5, v51;
	vm0 =	vgt.f32 v34, v47  }
0xda: {  	v37 =	vld [tilespmem:$0x3C0];
	v50 =	vimm.s32 $0x0;
	v55 =	vsel vm9, $0x6, v53;
	v49 =	vsel vm0, v34, v47  }
0xdb: {  	v60 =	vld [tilespmem:$0x1FD80];
	v40 =	vsel vm1, $0x3, v26;
	v39 =	vnsel vm10, $0x7, v55;
	vm4 =	vgt.f32 v35, v49  }
0xdc: {  	vm9 =	vmand vm9, vm10;
	vm8 =	veq.s32 v39, $0x0;
	v38 =	vsel vm4, v35, v49  }
0xdd: {  	v61 =	vsel vm0, $0x4, v40;
	vm7 =	veq.s32 v39, $0x1;
	vm11 =	vgt.f32 v36, v38;
	v33 =	vpop (erf)  }
0xde: {  	v47 =	vimm.s32 $0x0;
	vm14 =	veq.s32 v39, $0x3;
	v57 =	vsel vm11, v36, v38;
	v56 =	vpop (erf)  }
0xdf: {  	v27 =	vsel vm4, $0x5, v61;
	vm6 =	vgt.f32 v37, v57;
	v38 =	vmul.f32 v56, v33  }
0xe0: {  	v27 =	vsel vm11, $0x6, v27;
	vm12 =	vmneg vm6;
	vm6 =	vnez.u8 v60  }
0xe1: {  	v41 =	vsel vm12, v57, v37;
	v44 =	vnsel vm12, $0x7, v27;
	v59 =	vnsel vm8, $0x0, v38  }
0xe2: {  	v62 =	vsub.f32 v29, v41;
	vm8 =	veq.s32 v39, $0x2;
	v63 =	vsub.f32 v30, v41  }
0xe3: {  	v42 =	vnsel vm7, $0x0, v38;
	v45 =	vsub.f32 v31, v41;
	v49 =	vsub.f32 v32, v41  }
0xe4: {  	v52 =	vsub.f32 v34, v41;
	v53 =	vnsel vm14, $0x0, v38;
	vm4 =	veq.s32 v44, $0x2  }
0xe5: {  	v56 =	vsub.f32 v35, v41;
	v58 =	vsub.f32 v36, v41;
	vm5 =	veq.s32 v44, $0x3  }
0xe6: {  	v26 =	vsel vm6, v33, v59;
	v43 =	vnsel vm8, $0x0, v38;
	v57 =	vsel vm4, $0xF149F2CA, v31  }
0xe7: {  	v32 =	vsel vm5, $0xF149F2CA, v32;
	vm8 =	veq.s32 v44, $0x4;
	v28 =	vmul.f32 $1.442695020e+00, v62  }
0xe8: {  	v40 =	vmul.f32 $1.442695020e+00, v63;
	v27 =	vsel vm13, v33, v43;
	v48 =	vmul.f32 $1.442695020e+00, v45  }
0xe9: {  	vm13 =	veq.s32 v44, $0x0;
	v51 =	vmul.f32 $1.442695020e+00, v49;
	v55 =	vmul.f32 $1.442695020e+00, v52  }
0xea: {  	v45 =	vsel vm4, $0xFFFFFFFF, v54;
	v60 =	vmul.f32 $1.442695020e+00, v56;
	v31 =	vmul.f32 $1.442695020e+00, v58  }
0xeb: {  	v62 =	vimm.s32 $0x0;
	v34 =	vsel vm8, $0xF149F2CA, v34;
	v29 =	vsel vm13, $0xF149F2CA, v29  }
0xec: {  	[tilespmem:$0x1FE00] =	vst v45;
	v45 =	vsub.f32 v37, v41;
	(erf) = vpow2.f32 v28;
	v28 =	vsel vm15, v33, v42  }
0xed: {  	v42 =	vsel vm13, $0xFFFFFFFF, v47;
	vm7 =	vgt.f32 v29, $-1.000000020e+30;
	vm15 =	veq.s32 v44, $0x1  }
0xee: {  	v47 =	vimm.s32 $0x0;
	vm13 =	veq.s32 v44, $0x5;
	(erf) = vpow2.f32 v40  }
0xef: {  	v49 =	vld [tilespmem:$0x1FD90];
	v29 =	vnsel vm7, $0xF149F2CA, v29;
	v43 =	vsel vm15, $0xFFFFFFFF, v50;
	v30 =	vsel vm15, $0xF149F2CA, v30  }
0xf0: {  	[tilespmem:$0x1FDE0] =	vst v42;
	v42 =	vsel vm5, $0xFFFFFFFF, v62;
	v40 =	vmul.f32 $1.442695020e+00, v45;
	(erf) = vpow2.f32 v48  }
0xf1: {  	vm15 =	vmand vm11, vm12;
	vm11 =	veq.s32 v39, $0x4;
	vm6 =	vgt.f32 v30, v29  }
0xf2: {  	[tilespmem:$0x1FE10] =	vst v42;
	v42 =	vsel vm8, $0xFFFFFFFF, v47;
	v48 =	vimm.s32 $0x0;
	v29 =	vsel vm6, v30, v29  }
0xf3: {  	v54 =	vsel vm15, $0xF149F2CA, v36;
	(erf) = vpow2.f32 v51;
	vm4 =	vgt.f32 v57, v29  }
0xf4: {  	v56 =	vnsel vm11, $0x0, v38;
	vm14 =	vnez.u8 v49;
	v29 =	vsel vm4, v57, v29  }
0xf5: {  	v51 =	vsel vm13, $0xF149F2CA, v35;
	(erf) = vpow2.f32 v55;
	vm3 =	vgt.f32 v32, v29  }
0xf6: {  	v49 =	vnsel vm9, $0x0, v38;
	(erf) = vpow2.f32 v60;
	v32 =	vsel vm3, v32, v29;
	v59 =	vpop (erf)  }
0xf7: {  	v57 =	vnsel vm12, $0xF149F2CA, v37;
	v60 =	vld [tilespmem:$0x1FDA0];
	vm5 =	vgt.f32 v34, v32;
	v61 =	vadd.f32 $0.0e+00, v59  }
0xf8: {  	v45 =	vld [tilespmem:$0x50];
	v29 =	vsel vm13, $0xFFFFFFFF, v48;
	v50 =	vsel vm5, v34, v32;
	v63 =	vpop (erf);
	(erf) = vpow2.f32 v31  }
0xf9: {  	vm8 =	vgt.f32 v51, v50;
	v46 =	vpop (erf);
	(erf) = vpow2.f32 v40;
	v40 =	vld [tilespmem:$0xD0];
	v30 =	vadd.f32 v61, v63  }
0xfa: {  	v48 =	vld [tilespmem:$0x1FDB0];
	[tilespmem:$0x1FE30] =	vst v29;
	v29 =	vsel vm14, v33, v53;
	v53 =	vimm.s32 $0x0;
	v31 =	vsel vm8, v51, v50  }
0xfb: {  	v35 =	vsel vm15, $0xFFFFFFFF, v53;
	v34 =	vld [tilespmem:$0x150];
	vm15 =	vgt.f32 v54, v31;
	v30 =	vadd.f32 v30, v46  }
0xfc: {  	vm14 =	vnez.u8 v60;
	v60 =	vimm.s32 $0x0;
	v52 =	vpop (erf);
	v31 =	vsel vm15, v54, v31  }
0xfd: {  	[tilespmem:$0x1FE40] =	vst v35;
	v35 =	vld [tilespmem:$0x1D0];
	v51 =	vsel vm7, $0x0, v1;
	vm13 =	vgt.f32 v57, v31;
	v30 =	vadd.f32 v30, v52  }
0xfe: {  	v55 =	vpop (erf);
	vm11 =	vmneg vm13;
	vm13 =	veq.s32 v39, $0x5;
	vm2 =	vgt.f32 v40, v45  }
0xff: {  	v44 =	vld [tilespmem:$0x250];
	v31 =	vsel vm11, v31, v57;
	v59 =	vsel vm2, v40, v45;
	v30 =	vadd.f32 v30, v55  }
0x100: {  	v36 =	vld [tilespmem:$0x2D0];
	v58 =	vpop (erf);
	v47 =	vnsel vm13, $0x0, v38;
	vm13 =	vnez.u8 v48;
	vm1 =	vgt.f32 v34, v59  }
0x101: {  	v50 =	vld [tilespmem:$0x1FDC0];
	v38 =	vsel vm10, $0x0, v38;
	v63 =	vsel vm1, v34, v59;
	v37 =	vadd.f32 v30, v58  }
0x102: {  	v41 =	vsub.f32 v31, v41;
	v31 =	vsel vm13, v33, v47;
	v61 =	vpop (erf);
	vm0 =	vgt.f32 v35, v63  }
0x103: {  	v39 =	vld [tilespmem:$0x350];
	v52 =	vsel vm2, $0x1, v0;
	v62 =	vadd.f32 v37, v61;
	v37 =	vsel vm0, v35, v63  }
0x104: {  	[tilespmem:$0x1FE20] =	vst v42;
	v41 =	vmul.f32 $1.442695020e+00, v41;
	v42 =	vsel vm1, $0x2, v52;
	v46 =	vpop (erf);
	vm13 =	vgt.f32 v44, v37  }
0x105: {  	v30 =	vsel vm14, v33, v56;
	v32 =	vadd.f32 v62, v46;
	v46 =	vld [tilespmem:$0x3D0];
	v37 =	vsel vm13, v44, v37  }
0x106: {  	vm14 =	vnez.u8 v50;
	v42 =	vsel vm0, $0x3, v42;
	vm9 =	vgt.f32 v36, v37  }
0x107: {  	v42 =	vsel vm13, $0x4, v42;
	(erf) = vrcp.f32 v32;
	v37 =	vsel vm9, v36, v37  }
0x108: {  	v56 =	vld [tilespmem:$0x1FDD0];
	(erf) = vpow2.f32 v41;
	v41 =	vsel vm6, $0x1, v51;
	vm6 =	vgt.f32 v39, v37  }
0x109: {  	v32 =	vsel vm14, v33, v49;
	v41 =	vsel vm4, $0x2, v41;
	v37 =	vsel vm6, v39, v37  }
0x10a: {  	v54 =	vsel vm9, $0x5, v42;
	v41 =	vsel vm3, $0x3, v41;
	vm7 =	vgt.f32 v46, v37  }
0x10b: {  	v51 =	vimm.s32 $0x0;
	v41 =	vsel vm5, $0x4, v41;
	vm2 =	vmneg vm7  }
0x10c: {  	v57 =	vsel vm6, $0x6, v54;
	v41 =	vsel vm8, $0x5, v41;
	v47 =	vsel vm2, v37, v46  }
0x10d: {  	vm8 =	vnez.u8 v56;
	v37 =	vnsel vm2, $0x7, v57;
	v56 =	vimm.s32 $0x0  }
0x10e: {  	v53 =	vsel vm15, $0x6, v41;
	v55 =	vsub.f32 v45, v47;
	v33 =	vsel vm8, v38, v33  }
0x10f: {  	v49 =	vsub.f32 v40, v47;
	vm10 =	veq.s32 v37, $0x0;
	v63 =	vsub.f32 v34, v47  }
0x110: {  	vm14 =	veq.s32 v37, $0x1;
	v52 =	vsub.f32 v35, v47;
	v50 =	vsub.f32 v44, v47  }
0x111: {  	vm13 =	veq.s32 v37, $0x2;
	vm4 =	veq.s32 v37, $0x3;
	v57 =	vsub.f32 v39, v47  }
0x112: {  	vm7 =	veq.s32 v37, $0x4;
	v48 =	vnsel vm11, $0x7, v53;
	v38 =	vsel vm10, $0xFFFFFFFF, v60  }
0x113: {  	v61 =	vsel vm10, $0xF149F2CA, v45;
	v40 =	vsel vm14, $0xF149F2CA, v40;
	v53 =	vimm.s32 $0x0  }
0x114: {  	v34 =	vsel vm13, $0xF149F2CA, v34;
	v35 =	vsel vm4, $0xF149F2CA, v35;
	v44 =	vsel vm7, $0xF149F2CA, v44  }
0x115: {  	v59 =	vmul.f32 $1.442695020e+00, v55;
	vm9 =	veq.s32 v48, $0x0;
	v62 =	vmul.f32 $1.442695020e+00, v49  }
0x116: {  	vm8 =	vgt.f32 v61, $-1.000000020e+30;
	v49 =	vmul.f32 $1.442695020e+00, v63;
	v41 =	vmul.f32 $1.442695020e+00, v52  }
0x117: {  	[tilespmem:$0x1FDF0] =	vst v43;
	v54 =	vmul.f32 $1.442695020e+00, v50;
	v55 =	vsub.f32 v36, v47;
	v63 =	vimm.s32 $0x0;
	v43 =	vpop (erf)  }
0x118: {  	v50 =	vimm.s32 $0x0;
	v52 =	vimm.s32 $0x0;
	v58 =	vpop (erf);
	(erf) = vpow2.f32 v59  }
0x119: {  	[tilespmem:$0x1FE50] =	vst v38;
	v38 =	vnsel vm8, $0xF149F2CA, v61;
	v42 =	vmul.f32 v58, v43;
	(erf) = vpow2.f32 v62  }
0x11a: {  	v59 =	vmul.f32 $1.442695020e+00, v55;
	v62 =	vsub.f32 v46, v47;
	(erf) = vpow2.f32 v49  }
0x11b: {  	v49 =	vsel vm4, $0xFFFFFFFF, v56;
	v45 =	vnsel vm9, $0x0, v42;
	vm9 =	vgt.f32 v40, v38  }
0x11c: {  	(erf) = vpow2.f32 v41;
	[tilespmem:$0x1FE70] =	vst v49;
	v49 =	vsel vm7, $0xFFFFFFFF, v63;
	vm7 =	vmmov vm2  }
0x11d: {  	v38 =	vsel vm9, v40, v38;
	v40 =	vsel vm13, $0xFFFFFFFF, v53;
	(erf) = vpow2.f32 v54  }
0x11e: {  	[tilespmem:$0x1FE80] =	vst v49;
	v49 =	vmul.f32 $1.442695020e+00, v62;
	vm13 =	veq.s32 v37, $0x5;
	v63 =	vnsel vm7, $0xF149F2CA, v46  }
0x11f: {  	vm7 =	veq.s32 v48, $0x2;
	vm5 =	vgt.f32 v34, v38;
	(erf) = vpow2.f32 v59  }
0x120: {  	v37 =	vsel vm13, $0xFFFFFFFF, v50;
	v36 =	vsel vm13, $0xF149F2CA, v36;
	v59 =	vld [tilespmem:$0x1FDF0];
	v34 =	vsel vm5, v34, v38  }
0x121: {  	v38 =	vmul.f32 $1.442695020e+00, v57;
	[tilespmem:$0x1FED0] =	vst v37;
	v37 =	vsel vm2, $0xFFFFFFFF, v51;
	vm10 =	vgt.f32 v35, v34  }
0x122: {  	vm2 =	vmand vm6, vm2;
	vm6 =	veq.s32 v48, $0x1;
	v34 =	vsel vm10, v35, v34  }
0x123: {  	[tilespmem:$0x1FF30] =	vst v37;
	v37 =	vsel vm2, $0xFFFFFFFF, v52;
	v54 =	vsel vm2, $0xF149F2CA, v39;
	v58 =	vpop (erf);
	vm4 =	vgt.f32 v44, v34  }
0x124: {  	v56 =	vnsel vm6, $0x0, v42;
	v60 =	vadd.f32 $0.0e+00, v58;
	v34 =	vsel vm4, v44, v34;
	v58 =	vld [tilespmem:$0x1FDE0]  }
0x125: {  	v61 =	vpop (erf);
	(erf) = vpow2.f32 v38;
	vm6 =	vnez.u8 v59;
	vm0 =	vgt.f32 v36, v34  }
0x126: {  	v44 =	vnsel vm7, $0x0, v42;
	v35 =	vadd.f32 v60, v61;
	v36 =	vsel vm0, v36, v34  }
0x127: {  	v53 =	vpop (erf);
	(erf) = vpow2.f32 v49;
	v34 =	vsel vm6, v43, v56;
	vm3 =	vgt.f32 v54, v36  }
0x128: {  	v61 =	vimm.s32 $0x0;
	v35 =	vadd.f32 v35, v53;
	v60 =	vsel vm3, v54, v36;
	v53 =	vld [tilespmem:$0x1FE00]  }
0x129: {  	v55 =	vpop (erf);
	v36 =	vsel vm3, $0xFFFFFFFF, v61;
	v54 =	vld [tilespmem:$0x1FE10];
	vm13 =	vnez.u8 v58;
	vm1 =	vgt.f32 v63, v60  }
0x12a: {  	v49 =	vld [tilespmem:$0x60];
	v57 =	vadd.f32 v35, v55;
	v35 =	vsel vm13, v43, v45;
	vm13 =	veq.s32 v48, $0x3  }
0x12b: {  	v62 =	vpop (erf);
	v61 =	vld [tilespmem:$0x1FE20];
	v55 =	vimm.s32 $0x0;
	v52 =	vnsel vm13, $0x0, v42;
	vm13 =	vmneg vm1  }
0x12c: {  	[tilespmem:$0x1FF00] =	vst v36;
	v45 =	vld [tilespmem:$0xE0];
	v36 =	vadd.f32 v57, v62;
	v38 =	vsel vm13, v60, v63;
	vm1 =	vmmov vm13  }
0x12d: {  	[tilespmem:$0x1FE60] =	vst v40;
	v40 =	vsel vm13, $0xFFFFFFFF, v55;
	vm13 =	veq.s32 v48, $0x4;
	vm6 =	vnez.u8 v53  }
0x12e: {  	v51 =	vld [tilespmem:$0x160];
	v46 =	vpop (erf);
	vm7 =	vnez.u8 v54;
	v57 =	vnsel vm13, $0x0, v42;
	v59 =	vsub.f32 v38, v47  }
0x12f: {  	[tilespmem:$0x1FF20] =	vst v37;
	v55 =	vld [tilespmem:$0x1FE30];
	vm13 =	veq.s32 v48, $0x5;
	v39 =	vadd.f32 v36, v46;
	v37 =	vsel vm6, v43, v44  }
0x130: {  	v36 =	vsel vm7, v43, v52;
	vm7 =	vnez.u8 v61;
	v48 =	vnsel vm13, $0x0, v42  }
0x131: {  	v56 =	vpop (erf);
	v52 =	vld [tilespmem:$0x1E0];
	vm13 =	vmand vm15, vm11;
	vm6 =	vgt.f32 v45, v49;
	v38 =	vsel vm7, v43, v57  }
0x132: {  	v62 =	vmul.f32 $1.442695020e+00, v59;
	v57 =	vld [tilespmem:$0x1FE40];
	v39 =	vadd.f32 v39, v56;
	v60 =	vsel vm6, v45, v49  }
0x133: {  	v47 =	vld [tilespmem:$0x260];
	v58 =	vpop (erf);
	v56 =	vnsel vm13, $0x0, v42;
	v59 =	vsel vm6, $0x1, v0;
	vm2 =	vgt.f32 v51, v60  }
0x134: {  	vm15 =	vnez.u8 v55;
	v39 =	vadd.f32 v39, v58;
	v63 =	vsel vm2, v51, v60  }
0x135: {  	v53 =	vld [tilespmem:$0x2E0];
	v41 =	vsel vm15, v43, v48;
	v58 =	vsel vm8, $0x0, v1;
	v46 =	vsel vm2, $0x2, v59  }
0x136: {  	v59 =	vimm.s32 $0x0;
	vm7 =	vgt.f32 v52, v63;
	v44 =	vsel vm9, $0x1, v58  }
0x137: {  	v54 =	vld [tilespmem:$0x360];
	(erf) = vrcp.f32 v39;
	v50 =	vsel vm7, v52, v63;
	vm15 =	vnez.u8 v57  }
0x138: {  	v44 =	vsel vm5, $0x2, v44;
	v46 =	vsel vm7, $0x3, v46;
	vm13 =	vgt.f32 v47, v50  }
0x139: {  	[tilespmem:$0x1FEF0] =	vst v40;
	v55 =	vld [tilespmem:$0x3E0];
	(erf) = vpow2.f32 v62;
	v40 =	vsel vm15, v43, v56;
	v39 =	vsel vm13, v47, v50  }
0x13a: {  	v44 =	vsel vm10, $0x3, v44;
	v56 =	vsel vm11, $0x0, v42;
	vm15 =	vgt.f32 v53, v39  }
0x13b: {  	v44 =	vsel vm4, $0x4, v44;
	v46 =	vsel vm13, $0x4, v46;
	v39 =	vsel vm15, v53, v39  }
0x13c: {  	v43 =	vsel vm12, v56, v43;
	v60 =	vsel vm0, $0x5, v44;
	vm2 =	vgt.f32 v54, v39  }
0x13d: {  	v61 =	vsel vm15, $0x5, v46;
	v62 =	vsel vm3, $0x6, v60;
	v48 =	vsel vm2, v54, v39  }
0x13e: {  	v60 =	vimm.s32 $0x0;
	v44 =	vnsel vm1, $0x7, v62;
	vm5 =	vgt.f32 v55, v48  }
0x13f: {  	v62 =	vimm.s32 $0x0;
	v63 =	vsel vm2, $0x6, v61;
	vm4 =	vmneg vm5  }
0x140: {  	vm7 =	veq.s32 v44, $0x0;
	vm10 =	veq.s32 v44, $0x1;
	v57 =	vnsel vm4, $0x7, v63  }
0x141: {  	v39 =	vpop (erf);
	v58 =	vsel vm4, v48, v55;
	v63 =	vimm.s32 $0x0;
	vm6 =	veq.s32 v57, $0x0  }
0x142: {  	v46 =	vpop (erf);
	v48 =	vsub.f32 v49, v58;
	vm9 =	veq.s32 v57, $0x1;
	vm13 =	veq.s32 v57, $0x2  }
0x143: {  	vm15 =	veq.s32 v57, $0x3;
	vm5 =	veq.s32 v57, $0x4;
	v42 =	vmul.f32 v46, v39  }
0x144: {  	v46 =	vsel vm4, $0xFFFFFFFF, v59;
	v61 =	vsel vm6, $0xF149F2CA, v49;
	v59 =	vsub.f32 v45, v58  }
0x145: {  	[tilespmem:$0x1FFB0] =	vst v46;
	v46 =	vsel vm6, $0xFFFFFFFF, v60;
	vm8 =	vgt.f32 v61, $-1.000000020e+30;
	v48 =	vmul.f32 $1.442695020e+00, v48  }
0x146: {  	[tilespmem:$0x1FF40] =	vst v46;
	v56 =	vnsel vm7, $0x0, v42;
	v49 =	vsel vm8, $0xFFFFFFFF, v62;
	v46 =	vmul.f32 $1.442695020e+00, v59;
	v59 =	vld [tilespmem:$0x1FE50]  }
0x147: {  	v60 =	vnsel vm8, $0xF149F2CA, v61;
	v61 =	vsel vm9, $0xF149F2CA, v45;
	v62 =	vnsel vm10, $0x0, v42  }
0x148: {  	v50 =	vld [tilespmem:$0x70];
	[tilespmem:$0x1FE90] =	vst v49;
	v49 =	vsel vm9, $0xFFFFFFFF, v63;
	(erf) = vpow2.f32 v48;
	v48 =	vsub.f32 v51, v58  }
0x149: {  	vm7 =	veq.s32 v57, $0x5;
	vm8 =	vmand vm2, vm4;
	vm12 =	vgt.f32 v61, v60;
	[tilespmem:$0x1FF50] =	vst v49;
	v49 =	vld [tilespmem:$0xF0]  }
0x14a: {  	v63 =	vimm.s32 $0x0;
	v51 =	vsel vm13, $0xF149F2CA, v51;
	v48 =	vmul.f32 $1.442695020e+00, v48  }
0x14b: {  	(erf) = vpow2.f32 v46;
	v46 =	vsel vm14, v39, v62;
	vm11 =	vnez.u8 v59  }
0x14c: {  	v59 =	vsel vm12, $0xFFFFFFFF, v63;
	(erf) = vpow2.f32 v48;
	v45 =	vsel vm11, v39, v56  }
0x14d: {  	[tilespmem:$0x1FEA0] =	vst v59;
	v59 =	vsub.f32 v52, v58;
	v56 =	vsel vm12, v61, v60;
	v60 =	vimm.s32 $0x0  }
0x14e: {  	v52 =	vsel vm15, $0xF149F2CA, v52;
	v60 =	vsel vm13, $0xFFFFFFFF, v60;
	vm14 =	vgt.f32 v49, v50  }
0x14f: {  	vm1 =	vgt.f32 v51, v56;
	v48 =	vmul.f32 $1.442695020e+00, v59;
	v59 =	vsub.f32 v47, v58  }
0x150: {  	[tilespmem:$0x1FF60] =	vst v60;
	v60 =	vsel vm14, v49, v50;
	v61 =	vsel vm14, $0x1, v0;
	v0 =	vimm.s32 $0x0  }
0x151: {  	v51 =	vsel vm1, v51, v56;
	v56 =	vsub.f32 v54, v58;
	v47 =	vsel vm5, $0xF149F2CA, v47  }
0x152: {  	v62 =	vld [tilespmem:$0x170];
	v0 =	vsel vm1, $0xFFFFFFFF, v0;
	vm0 =	vgt.f32 v52, v51;
	(erf) = vpow2.f32 v48  }
0x153: {  	[tilespmem:$0x1FEB0] =	vst v0;
	v48 =	vmul.f32 $1.442695020e+00, v59;
	v59 =	vsub.f32 v53, v58;
	v0 =	vimm.s32 $0x0  }
0x154: {  	v52 =	vsel vm0, v52, v51;
	v56 =	vmul.f32 $1.442695020e+00, v56;
	v53 =	vsel vm7, $0xF149F2CA, v53  }
0x155: {  	v63 =	vpop (erf);
	v0 =	vsel vm15, $0xFFFFFFFF, v0;
	vm6 =	vgt.f32 v47, v52;
	(erf) = vpow2.f32 v48  }
0x156: {  	[tilespmem:$0x1FF70] =	vst v0;
	v48 =	vmul.f32 $1.442695020e+00, v59;
	v0 =	vimm.s32 $0x0;
	v59 =	vadd.f32 $0.0e+00, v63  }
0x157: {  	[tilespmem:$0x7A0] =	vst v25;
	v25 =	vld [tilespmem:$0x1FEA0];
	v52 =	vsel vm6, v47, v52;
	v0 =	vsel vm0, $0xFFFFFFFF, v0;
	vm0 =	vgt.f32 v62, v60  }
0x158: {  	v63 =	vpop (erf);
	vm14 =	vgt.f32 v53, v52;
	[tilespmem:$0x1FEC0] =	vst v0;
	(erf) = vpow2.f32 v48;
	v0 =	vsub.f32 v55, v58  }
0x159: {  	v51 =	vld [tilespmem:$0x1F0];
	v48 =	vimm.s32 $0x0;
	v59 =	vadd.f32 v59, v63;
	v63 =	vimm.s32 $0x0  }
0x15a: {  	[tilespmem:$0x500] =	vst v2;
	v60 =	vsel vm0, v62, v60;
	v48 =	vsel vm5, $0xFFFFFFFF, v48;
	v0 =	vmul.f32 $1.442695020e+00, v0  }
0x15b: {  	v2 =	vsel vm14, v53, v52;
	v61 =	vsel vm0, $0x2, v61;
	v63 =	vsel vm6, $0xFFFFFFFF, v63;
	[tilespmem:$0x1FF80] =	vst v48;
	v48 =	vld [tilespmem:$0x270]  }
0x15c: {  	vm0 =	vnez.u8 v25;
	(erf) = vpow2.f32 v56;
	v56 =	vpop (erf);
	[tilespmem:$0x1FEE0] =	vst v63;
	v63 =	vimm.s32 $0x0  }
0x15d: {  	[tilespmem:$0x400] =	vst v8;
	v47 =	vld [tilespmem:$0x2F0];
	v56 =	vadd.f32 v59, v56;
	v57 =	vsel vm7, $0xFFFFFFFF, v63;
	v63 =	vsel vm8, $0xF149F2CA, v54  }
0x15e: {  	[tilespmem:$0x480] =	vst v4;
	vm1 =	vgt.f32 v51, v60;
	(erf) = vpow2.f32 v0;
	vm10 =	vgt.f32 v63, v2;
	v0 =	vpop (erf)  }
0x15f: {  	v8 =	vld [tilespmem:$0x370];
	[tilespmem:$0x580] =	vst v5;
	v0 =	vadd.f32 v56, v0;
	v56 =	vsel vm1, v51, v60;
	v60 =	vimm.s32 $0x0  }
0x160: {  	[tilespmem:$0x1FF90] =	vst v57;
	v2 =	vsel vm10, v63, v2;
	v57 =	vpop (erf);
	v4 =	vsel vm8, $0xFFFFFFFF, v60;
	vm9 =	vgt.f32 v48, v56  }
0x161: {  	v60 =	vimm.s32 $0x0;
	[tilespmem:$0x1FFA0] =	vst v4;
	v4 =	vld [tilespmem:$0x3F0];
	v59 =	vsel vm9, v48, v56;
	v0 =	vadd.f32 v0, v57  }
0x162: {  	[tilespmem:$0x600] =	vst v3;
	vm8 =	veq.s32 v44, $0x2;
	v5 =	vsel vm10, $0xFFFFFFFF, v60;
	v3 =	vpop (erf);
	vm11 =	vgt.f32 v47, v59  }
0x163: {  	[tilespmem:$0x1FF10] =	vst v5;
	v5 =	vsel vm1, $0x3, v61;
	v63 =	vsel vm11, v47, v59;
	v0 =	vadd.f32 v0, v3  }
0x164: {  	v3 =	vnsel vm4, $0xF149F2CA, v55;
	v5 =	vsel vm9, $0x4, v5;
	vm4 =	vgt.f32 v8, v63  }
0x165: {  	v55 =	vpop (erf);
	vm9 =	veq.s32 v44, $0x3;
	vm5 =	vgt.f32 v3, v2;
	v56 =	vsel vm4, v8, v63  }
0x166: {  	v0 =	vadd.f32 v0, v55;
	vm7 =	vmneg vm5;
	vm6 =	vgt.f32 v4, v56  }
0x167: {  	v5 =	vsel vm11, $0x5, v5;
	v55 =	vld [tilespmem:$0x1FE60];
	v2 =	vsel vm7, v2, v3;
	v3 =	vpop (erf);
	vm15 =	vmneg vm6  }
0x168: {  	v0 =	vadd.f32 v0, v3;
	v2 =	vsub.f32 v2, v58;
	v3 =	vsel vm15, v56, v4  }
0x169: {  	v63 =	vnsel vm9, $0x0, v42;
	v58 =	vnsel vm8, $0x0, v42;
	v57 =	vsub.f32 v50, v3  }
0x16a: {  	(erf) = vrcp.f32 v0;
	v0 =	vmul.f32 $1.442695020e+00, v2;
	v60 =	vsub.f32 v49, v3  }
0x16b: {  	[tilespmem:$0x420] =	vst v18;
	v2 =	vsel vm4, $0x6, v5;
	v18 =	vsub.f32 v51, v3;
	v54 =	vsub.f32 v47, v3  }
0x16c: {  	vm13 =	vnez.u8 v55;
	v59 =	vmul.f32 $1.442695020e+00, v57;
	(erf) = vpow2.f32 v0  }
0x16d: {  	[tilespmem:$0x780] =	vst v10;
	v0 =	vnsel vm15, $0x7, v2;
	v2 =	vsub.f32 v62, v3;
	v61 =	vmul.f32 $1.442695020e+00, v60  }
0x16e: {  	[tilespmem:$0x700] =	vst v7;
	v56 =	vld [tilespmem:$0x1FE70];
	v5 =	vmul.f32 $1.442695020e+00, v18;
	v7 =	vsel vm13, v39, v58;
	v60 =	vsub.f32 v8, v3  }
0x16f: {  	[tilespmem:$0x680] =	vst v6;
	vm10 =	veq.s32 v0, $0x0;
	vm11 =	veq.s32 v0, $0x1;
	vm12 =	veq.s32 v0, $0x2  }
0x170: {  	[tilespmem:$0x410] =	vst v9;
	vm6 =	veq.s32 v0, $0x3;
	vm13 =	veq.s32 v0, $0x4;
	(erf) = vpow2.f32 v59  }
0x171: {  	[tilespmem:$0x790] =	vst v17;
	v2 =	vmul.f32 $1.442695020e+00, v2;
	v9 =	vsel vm10, $0xFFFFFFFF, v16;
	v17 =	vsel vm10, $0xF149F2CA, v50  }
0x172: {  	[tilespmem:$0x520] =	vst v20;
	v20 =	vsel vm11, $0xF149F2CA, v49;
	v49 =	vsub.f32 v48, v3;
	v50 =	vimm.s32 $0x0  }
0x173: {  	[tilespmem:$0x510] =	vst v11;
	v52 =	vsel vm12, $0xF149F2CA, v62;
	vm5 =	vnez.u8 v56;
	v59 =	vmul.f32 $1.442695020e+00, v54  }
0x174: {  	[tilespmem:$0x4A0] =	vst v19;
	v62 =	vimm.s32 $0x0;
	v10 =	vmul.f32 $1.442695020e+00, v60;
	v19 =	vsel vm13, $0xF149F2CA, v48  }
0x175: {  	[tilespmem:$0x610] =	vst v14;
	(erf) = vpow2.f32 v61;
	vm10 =	vgt.f32 v17, $-1.000000020e+30;
	v11 =	vsel vm12, $0xFFFFFFFF, v50  }
0x176: {  	[tilespmem:$0x5A0] =	vst v22;
	v6 =	vsel vm5, v39, v63;
	v61 =	vsub.f32 v4, v3;
	v14 =	vsel vm6, $0xFFFFFFFF, v62  }
0x177: {  	[tilespmem:$0x620] =	vst v21;
	v22 =	vld [tilespmem:$0x1FE80];
	v63 =	vsel vm6, $0xF149F2CA, v51;
	(erf) = vpow2.f32 v2;
	v2 =	vimm.s32 $0x0  }
0x178: {  	[tilespmem:$0x720] =	vst v24;
	vm12 =	veq.s32 v0, $0x5;
	v4 =	vnsel vm15, $0xF149F2CA, v4;
	v2 =	vsel vm11, $0xFFFFFFFF, v2  }
0x179: {  	v24 =	vld [tilespmem:$0x1FE90];
	v53 =	vmul.f32 $1.442695020e+00, v49;
	v21 =	vsel vm12, $0xF149F2CA, v47;
	[tilespmem:$0x1FFD0] =	vst v2;
	v2 =	vnsel vm10, $0xF149F2CA, v17  }
0x17a: {  	[tilespmem:$0x4D0] =	vst v46;
	v46 =	vsel vm10, $0x0, v1;
	(erf) = vpow2.f32 v5;
	vm11 =	veq.s32 v44, $0x4  }
0x17b: {  	[tilespmem:$0x490] =	vst v12;
	v17 =	vmul.f32 $1.442695020e+00, v61;
	v0 =	vnsel vm11, $0x0, v42;
	vm9 =	vgt.f32 v20, v2  }
0x17c: {  	[tilespmem:$0x1FFC0] =	vst v9;
	vm11 =	vmand vm4, vm15;
	vm4 =	vnez.u8 v22;
	v9 =	vsel vm9, v20, v2;
	v2 =	vpop (erf)  }
0x17d: {  	[tilespmem:$0x6A0] =	vst v23;
	v0 =	vsel vm4, v39, v0;
	v8 =	vsel vm11, $0xF149F2CA, v8;
	(erf) = vpow2.f32 v53;
	v57 =	vpop (erf)  }
0x17e: {  	[tilespmem:$0x550] =	vst v7;
	vm4 =	vnez.u8 v24;
	v7 =	vsel vm9, $0x1, v46;
	vm8 =	vgt.f32 v52, v9;
	v58 =	vpop (erf)  }
0x17f: {  	[tilespmem:$0x430] =	vst v26;
	v9 =	vsel vm8, v52, v9;
	(erf) = vpow2.f32 v59;
	v12 =	vadd.f32 $0.0e+00, v58  }
0x180: {  	[tilespmem:$0x4B0] =	vst v28;
	v28 =	vld [tilespmem:$0x1FEB0];
	v7 =	vsel vm8, $0x2, v7;
	vm6 =	vgt.f32 v63, v9;
	(erf) = vpow2.f32 v10;
	v16 =	vpop (erf)  }
0x181: {  	[tilespmem:$0x740] =	vst v40;
	v56 =	vld [tilespmem:$0x1FFA0];
	v10 =	vsel vm4, $0x0, v1;
	v40 =	vmul.f32 v57, v2;
	v5 =	vadd.f32 v12, v16  }
0x182: {  	[tilespmem:$0x630] =	vst v30;
	v30 =	vld [tilespmem:$0x1FEC0];
	v9 =	vsel vm6, v63, v9;
	(erf) = vpow2.f32 v17;
	v10 =	vsel vm0, $0x1, v10;
	v18 =	vpop (erf)  }
0x183: {  	[tilespmem:$0x730] =	vst v32;
	v32 =	vld [tilespmem:$0x1FEE0];
	vm0 =	veq.s32 v44, $0x5;
	vm5 =	vgt.f32 v19, v9;
	v5 =	vadd.f32 v5, v18  }
0x184: {  	[tilespmem:$0x530] =	vst v27;
	v7 =	vsel vm6, $0x3, v7;
	v27 =	vnsel vm0, $0x0, v42;
	v20 =	vpop (erf);
	v9 =	vsel vm5, v19, v9  }
0x185: {  	[tilespmem:$0x540] =	vst v37;
	v37 =	vld [tilespmem:$0x1FF10];
	vm0 =	vnez.u8 v28;
	vm3 =	vgt.f32 v21, v9;
	v5 =	vadd.f32 v5, v20  }
0x186: {  	[tilespmem:$0x4C0] =	vst v34;
	v34 =	vld [tilespmem:$0x1FEF0];
	vm6 =	vnez.u8 v56;
	v10 =	vsel vm0, $0x2, v10;
	v9 =	vsel vm3, v21, v9;
	v23 =	vpop (erf)  }
0x187: {  	[tilespmem:$0x6B0] =	vst v31;
	v31 =	vld [tilespmem:$0x1FED0];
	vm0 =	vnez.u8 v30;
	vm4 =	vgt.f32 v8, v9;
	v5 =	vadd.f32 v5, v23  }
0x188: {  	[tilespmem:$0x440] =	vst v35;
	v35 =	vld [tilespmem:$0x1FF00];
	v10 =	vsel vm0, $0x3, v10;
	vm0 =	vnez.u8 v32;
	v8 =	vsel vm4, v8, v9;
	v26 =	vpop (erf)  }
0x189: {  	[tilespmem:$0x5B0] =	vst v29;
	v9 =	vsel vm0, $0x4, v10;
	vm1 =	vgt.f32 v4, v8;
	v5 =	vadd.f32 v5, v26  }
0x18a: {  	[tilespmem:$0x6C0] =	vst v41;
	v41 =	vld [tilespmem:$0x1FF20];
	vm0 =	vnez.u8 v37;
	v9 =	vsel vm14, $0x5, v9;
	vm2 =	vmneg vm1;
	v29 =	vpop (erf)  }
0x18b: {  	[tilespmem:$0x7B0] =	vst v33;
	vm14 =	vnez.u8 v34;
	v4 =	vsel vm2, v8, v4;
	v5 =	vadd.f32 v5, v29  }
0x18c: {  	[tilespmem:$0x7C0] =	vst v43;
	v43 =	vld [tilespmem:$0x1FF30];
	vm1 =	vnez.u8 v31;
	v9 =	vsel vm0, $0x6, v9;
	v33 =	vpop (erf);
	v3 =	vsub.f32 v4, v3  }
0x18d: {  	[tilespmem:$0x640] =	vst v38;
	v44 =	vld [tilespmem:$0x1FF40];
	v8 =	vsel vm1, v39, v27;
	vm1 =	vnez.u8 v35;
	v4 =	vadd.f32 v5, v33  }
0x18e: {  	[tilespmem:$0x650] =	vst v0;
	v0 =	vld [tilespmem:$0x1FF50];
	v38 =	vnsel vm7, $0x7, v9;
	vm1 =	vmand vm1, vm14;
	v3 =	vmul.f32 $1.442695020e+00, v3  }
0x18f: {  	[tilespmem:$0x5C0] =	vst v36;
	v36 =	vnsel vm1, $0x0, v42;
	vm1 =	vnez.u8 v41;
	(erf) = vrcp.f32 v4  }
0x190: {  	v5 =	vsel vm1, v39, v36;
	vm1 =	veq.s32 v38, $0x0;
	(erf) = vpow2.f32 v3  }
0x191: {  	v48 =	vld [tilespmem:$0x1FF60];
	v3 =	vsel vm14, $0x0, v42;
	v42 =	vnsel vm1, $0x0, v40;
	vm14 =	vnez.u8 v43  }
0x192: {  	[tilespmem:$0x450] =	vst v45;
	v58 =	vld [tilespmem:$0x1FFB0];
	vm1 =	veq.s32 v38, $0x1;
	v3 =	vsel vm14, v3, v39;
	vm14 =	vnez.u8 v44  }
0x193: {  	[tilespmem:$0x5D0] =	vst v6;
	v53 =	vld [tilespmem:$0x1FF90];
	v45 =	vnsel vm1, $0x0, v40;
	v6 =	vsel vm14, v2, v42;
	vm14 =	vnez.u8 v0  }
0x194: {  	v50 =	vsel vm5, $0x4, v7;
	vm5 =	vmand vm0, vm7;
	[tilespmem:$0x7D0] =	vst v3;
	v3 =	vld [tilespmem:$0x1FF70];
	v0 =	vsel vm14, v2, v45  }
0x195: {  	v57 =	vsel vm7, $0x0, v40;
	v55 =	vnsel vm5, $0x0, v40;
	vm10 =	veq.s32 v38, $0x2;
	[tilespmem:$0x4E0] =	vst v0;
	v0 =	vld [tilespmem:$0x1FF80]  }
0x196: {  	vm8 =	veq.s32 v38, $0x4;
	vm9 =	veq.s32 v38, $0x5;
	v47 =	vnsel vm10, $0x0, v40  }
0x197: {  	v51 =	vnsel vm8, $0x0, v40;
	vm8 =	vnez.u8 v58;
	vm14 =	vnez.u8 v48  }
0x198: {  	[tilespmem:$0x750] =	vst v5;
	v4 =	vnsel vm9, $0x0, v40;
	vm1 =	veq.s32 v38, $0x3;
	v5 =	vsel vm14, v2, v47  }
0x199: {  	v49 =	vnsel vm1, $0x0, v40;
	[tilespmem:$0x560] =	vst v5;
	v5 =	vsel vm6, v2, v55;
	vm14 =	vnez.u8 v3  }
0x19a: {  	v3 =	vsel vm14, v2, v49;
	vm14 =	vnez.u8 v53;
	vm10 =	vnez.u8 v0  }
0x19b: {  	v4 =	vsel vm14, v2, v4;
	v0 =	vsel vm10, v2, v51;
	v2 =	vsel vm8, v57, v2  }
0x19c: {  	[tilespmem:$0x7E0] =	vst v2;
	v2 =	vld [tilespmem:$0x1FFC0]  }
0x19d: {  	[tilespmem:$0x460] =	vst v6;
	v6 =	vsel vm3, $0x5, v50;
	v52 =	vpop (erf)  }
0x19e: {  	[tilespmem:$0x5E0] =	vst v3;
	v3 =	vsel vm4, $0x6, v6;
	v54 =	vpop (erf)  }
0x19f: {  	[tilespmem:$0x660] =	vst v0;
	v0 =	vnsel vm2, $0x7, v3;
	v3 =	vmul.f32 v54, v52  }
0x1a0: {  	vm7 =	veq.s32 v0, $0x0  }
0x1a1: {  	v59 =	vnsel vm7, $0x0, v3;
	vm10 =	vnez.u8 v2  }
0x1a2: {  	v2 =	vsel vm10, v52, v59  }
0x1a3: {  	[tilespmem:$0x470] =	vst v2;
	v2 =	vld [tilespmem:$0x1FFD0];
	_ =	sdelay $0x3  }
0x1a4: {  	vm9 =	veq.s32 v0, $0x1  }
0x1a5: {  	v60 =	vnsel vm9, $0x0, v3;
	vm5 =	vnez.u8 v2  }
0x1a6: {  	[tilespmem:$0x1FFE0] =	vst v11;
	v2 =	vsel vm5, v52, v60  }
0x1a7: {  	[tilespmem:$0x4F0] =	vst v2;
	v2 =	vld [tilespmem:$0x1FFE0];
	_ =	sdelay $0x3  }
0x1a8: {  	vm14 =	veq.s32 v0, $0x2  }
0x1a9: {  	v61 =	vnsel vm14, $0x0, v3;
	vm7 =	vnez.u8 v2  }
0x1aa: {  	[tilespmem:$0x1FFF0] =	vst v14;
	v2 =	vsel vm7, v52, v61  }
0x1ab: {  	[tilespmem:$0x570] =	vst v2;
	v2 =	vld [tilespmem:$0x1FFF0];
	_ =	sdelay $0x1  }
0x1ac: {  	[tilespmem:$0x590] =	vst v13  }
0x1ad: {  	[tilespmem:$0x690] =	vst v15  }
0x1ae: {  	[tilespmem:$0x6D0] =	vst v8;
	vm6 =	veq.s32 v0, $0x3  }
0x1af: {  	[tilespmem:$0x760] =	vst v5;
	vm8 =	veq.s32 v0, $0x4;
	v62 =	vnsel vm6, $0x0, v3;
	vm9 =	vnez.u8 v2  }
0x1b0: {  	[tilespmem:$0x6E0] =	vst v4;
	v63 =	vnsel vm8, $0x0, v3;
	vm10 =	veq.s32 v0, $0x5;
	v2 =	vsel vm9, v52, v62  }
0x1b1: {  	vm14 =	vmand vm4, vm2;
	v0 =	vsel vm13, v52, v63;
	[tilespmem:$0x5F0] =	vst v2;
	v2 =	vnsel vm10, $0x0, v3  }
0x1b2: {  	[tilespmem:$0x670] =	vst v0;
	v0 =	vsel vm12, v52, v2;
	v2 =	vnsel vm14, $0x0, v3  }
0x1b3: {  	[tilespmem:$0x6F0] =	vst v0;
	v0 =	vsel vm11, v52, v2;
	v2 =	vsel vm2, $0x0, v3  }
0x1b4: {  	p0 =	sne.s32 s5, $0x1;
	[tilespmem:$0x770] =	vst v0;
	v0 =	vsel vm15, v2, v52  }
.Ltmp1:
0x1b5: {  	[tilespmem:$0x7F0] =	vst v0;
	(pc) =	sbr.rel @p0 .LBB2_2-.Ltmp1, $4  }
0x1b6: {  	[hbm4b:s3+s2] =	stream.linear.scatter [tilespmem:s7], [sflag:$0x1], $0x400, $0x38;
	[tilespmem:$0x800] =	vst v63  }
0x1b7: {  	_ =	swait.ge [sflag:s6], $0x400  }
0x1b8: {  	[sflag:s6] =	ssyncset.done $0x0  }
0x1b9: {  	s5 =	sadd.s32 $0xFFFFFFFF, s5;
	[sflag:s6] =	ssyncadd.s32 $0xFFFFFC00  }
.LBB2_3:
0x1ba: {  	_ =	sfence.sel $0x180000  }
0x1bb: {  	[bflag:$0x0] =	sbarrier.arrive $0xFFFF  }
0x1bc: {  	p0 =	sne.s32 s1, $0x0;
	_ =	strace $0x90000047  }
0x1bd: {  	s0 =	sadd.s32 @!p0 $0x100000, s0;
	[bflag:$0x2] =	sbarrier.arrive $0xFFFF  }
0x1be: {  	[sflag:s0] =	ssyncadd.tile.s32 @!p0 $0x1;
	_ =	shalt  }
.Lfunc_end2:
_tile_overlayer_lowered:
.L_overlay_start_2:
0x1bf: {  	(tag) =	ssettag $0x2  }
0x1c0: {  	s0 =	rddreg [dreg:$0x0];
	s2 =	stileid.u32  }
0x1c1: {  	s1 =	rddreg [dreg:$0x1];
	p0 =	sne.s32 s2, $0x0  }
0x1c2: {  	s3 =	rddreg [dreg:$0x2];
	[bflag:$0x3] =	sbarrier.arrive $0xFFFF;
	s2 =	simm.s32 @!p0 $0x1C01  }
0x1c3: {  	[timem:s3], [sflag:s2] =	dma.local @!p0 [hbm:s0], s1  }
0x1c4: {  	s0 =	simm.s32 @!p0 $0x1  }
0x1c5: {  	_ =	swait.ge @!p0 [sflag:s0], s1  }
0x1c6: {  	s1 =	ssub.s32 @!p0 $0x0, s1;
	[sflag:s0] =	ssyncset.done @!p0 $0x0  }
0x1c7: {  	[sflag:s0] =	ssyncadd.s32 @!p0 s1  }
0x1c8: {  	[bflag:$0x3] =	sbarrier.arrive $0xFFFF  }
0x1c9: {  	_ =	shalt  }

</sc_bundles>
